<compile_context>
chip_gen: v7x
topology: tpu7x:2x2x1
jax: 0.10.2.dev20260603
libtpu: 0.0.44.dev20260713+nightly
codegen_flags: <defaults>
</compile_context>

<pallas_src>
import functools

import jax
import jax.numpy as jnp
from jax import lax
from jax.experimental import pallas as pl
from jax.experimental.pallas import tpu as pltpu
from jax.experimental.pallas import tpu_sc as plsc

N = 10000
D = 256
HD = 128
E = 160000
M = 10240
E_PAD = 163840
EPT = E_PAD // 16
K = 128
NCH = EPT // K
RPT = M // 16
KD = 128


@functools.cache
def _mesh():
    return plsc.VectorSubcoreMesh(
        core_axis_name="c", subcore_axis_name="s", num_cores=2, num_subcores=16
    )


def _deg_body(dst_hbm, deg_hbm, deg_sh, ones_v, idx_v, zero_v, semi0, semi1):
    c = lax.axis_index("c")
    s = lax.axis_index("s")
    for k in range(KD // 16):
        ones_v[pl.ds(k * 16, 16)] = jnp.ones((16,), jnp.float32)
    for k in range(RPT // 16):
        zero_v[pl.ds(k * 16, 16)] = jnp.zeros((16,), jnp.float32)
    pltpu.sync_copy(zero_v, deg_sh.at[pl.ds(s * RPT, RPT)])
    plsc.subcore_barrier()

    base = (s * 2 + c) * (E_PAD // 32)
    nld = E_PAD // 32 // (4 * KD)
    pltpu.async_copy(dst_hbm.at[pl.ds(base, 4 * KD)], idx_v.at[0], semi0)
    pltpu.async_copy(dst_hbm.at[pl.ds(base + 4 * KD, 4 * KD)],
                     idx_v.at[1], semi1)

    def body(jj, carry):
        for b in (0, 1):
            ld = jj * 2 + b
            sem = semi0 if b == 0 else semi1
            pltpu.make_async_copy(
                dst_hbm.at[pl.ds(base, 4 * KD)], idx_v.at[b], sem
            ).wait()
            for q in range(4):
                pltpu.sync_copy(
                    ones_v, deg_sh.at[idx_v.at[b, pl.ds(q * KD, KD)]], add=True
                )

            @pl.when(ld + 2 < nld)
            def _():
                pltpu.async_copy(
                    dst_hbm.at[pl.ds(base + (ld + 2) * 4 * KD, 4 * KD)],
                    idx_v.at[b], sem,
                )
        return carry

    lax.fori_loop(0, nld // 2, body, 0)
    plsc.subcore_barrier()
    pltpu.sync_copy(
        deg_sh.at[pl.ds(s * RPT, RPT)],
        deg_hbm.at[c, pl.ds(s * RPT, RPT)],
    )


@functools.cache
def _deg_call():
    return pl.kernel(
        _deg_body,
        out_type=jax.ShapeDtypeStruct((2, M), jnp.float32),
        mesh=_mesh(),
        scratch_types=[
            pltpu.VMEM_SHARED((M,), jnp.float32),
            pltpu.VMEM((KD,), jnp.float32),
            pltpu.VMEM((2, 4 * KD), jnp.int32),
            pltpu.VMEM((RPT,), jnp.float32),
            pltpu.SemaphoreType.DMA,
            pltpu.SemaphoreType.DMA,
        ],
        compiler_params=pltpu.CompilerParams(use_tc_tiling_on_sc=False),
    )


def _segsum_body(y_hbm, src2_hbm, dst_hbm, out_hbm,
                 acc_sh, src_in, dstbuf, rowbuf,
                 sem0, sem1, semd0, semd1, sems, sca, scb):
    c = lax.axis_index("c")
    s = lax.axis_index("s")
    base = s * EPT

    pltpu.async_copy(src2_hbm.at[c, pl.ds(base, EPT)], src_in, sems)

    def zbody(i, carry):
        for k in range(HD // 16):
            rowbuf[0, i, pl.ds(k * 16, 16)] = jnp.zeros((16,), jnp.float32)
        return carry

    lax.fori_loop(0, K, zbody, 0)
    r0 = s * RPT
    for t in range(RPT // K):
        pltpu.sync_copy(rowbuf.at[0], acc_sh.at[pl.ds(r0 + t * K, K)])
    pltpu.make_async_copy(src2_hbm.at[c, pl.ds(base, EPT)], src_in, sems).wait()
    plsc.subcore_barrier()

    pltpu.async_copy(y_hbm.at[src_in.at[pl.ds(0, K)]], rowbuf.at[0], sem0)
    pltpu.async_copy(dst_hbm.at[pl.ds(base, K)], dstbuf.at[0], semd0)
    pltpu.async_copy(y_hbm.at[src_in.at[pl.ds(K, K)]], rowbuf.at[1], sem1)
    pltpu.async_copy(dst_hbm.at[pl.ds(base + K, K)], dstbuf.at[1], semd1)

    def mbody(jj, carry):
        for b in (0, 1):
            ch = jj * 2 + b
            sem = sem0 if b == 0 else sem1
            semd = semd0 if b == 0 else semd1
            pltpu.make_async_copy(
                y_hbm.at[src_in.at[pl.ds(0, K)]], rowbuf.at[b], sem
            ).wait()
            pltpu.make_async_copy(
                dst_hbm.at[pl.ds(base, K)], dstbuf.at[b], semd
            ).wait()
            pltpu.async_copy(
                rowbuf.at[b, pl.ds(0, K // 2)],
                acc_sh.at[dstbuf.at[b, pl.ds(0, K // 2)]], sca, add=True,
            )
            pltpu.async_copy(
                rowbuf.at[b, pl.ds(K // 2, K // 2)],
                acc_sh.at[dstbuf.at[b, pl.ds(K // 2, K // 2)]], scb, add=True,
            )
            pltpu.make_async_copy(
                rowbuf.at[b, pl.ds(0, K // 2)],
                acc_sh.at[dstbuf.at[b, pl.ds(0, K // 2)]], sca,
            ).wait()
            pltpu.make_async_copy(
                rowbuf.at[b, pl.ds(K // 2, K // 2)],
                acc_sh.at[dstbuf.at[b, pl.ds(K // 2, K // 2)]], scb,
            ).wait()

            @pl.when(ch + 2 < NCH)
            def _():
                pltpu.async_copy(
                    y_hbm.at[src_in.at[pl.ds((ch + 2) * K, K)]],
                    rowbuf.at[b], sem,
                )
                pltpu.async_copy(
                    dst_hbm.at[pl.ds(base + (ch + 2) * K, K)],
                    dstbuf.at[b], semd,
                )
        return carry

    lax.fori_loop(0, NCH // 2, mbody, 0)
    plsc.subcore_barrier()

    pltpu.sync_copy(acc_sh.at[pl.ds(r0, RPT)],
                    out_hbm.at[c, pl.ds(r0, RPT)])


@functools.cache
def _segsum_call():
    return pl.kernel(
        _segsum_body,
        out_type=jax.ShapeDtypeStruct((2, M, HD), jnp.float32),
        mesh=_mesh(),
        scratch_types=[
            pltpu.VMEM_SHARED((M, HD), jnp.float32),
            pltpu.VMEM((EPT,), jnp.int32),
            pltpu.VMEM((2, K), jnp.int32),
            pltpu.VMEM((2, K, HD), jnp.float32),
        ] + [pltpu.SemaphoreType.DMA] * 7,
        compiler_params=pltpu.CompilerParams(use_tc_tiling_on_sc=False),
    )


def _mm_scale_k(x_ref, w_ref, ds_ref, y_ref):
    xw = jnp.dot(x_ref[...], w_ref[...], preferred_element_type=jnp.float32)
    xw = xw * lax.rsqrt(ds_ref[...])
    y_ref[0] = xw[:, :HD]
    y_ref[1] = xw[:, HD:]


def _mid_k(s_ref, y_ref, ds_ref, b_ref, w_ref, o_ref):
    dinv = lax.rsqrt(ds_ref[...])
    h0 = jnp.maximum(
        dinv * (s_ref[0] + y_ref[0]) + b_ref[:, :HD], 0.0
    )
    h1 = jnp.maximum(
        dinv * (s_ref[1] + y_ref[1]) + b_ref[:, HD:], 0.0
    )
    o = (
        jnp.dot(h0, w_ref[:HD, :], preferred_element_type=jnp.float32)
        + jnp.dot(h1, w_ref[HD:, :], preferred_element_type=jnp.float32)
    ) * dinv
    o_ref[0] = o[:, :HD]
    o_ref[1] = o[:, HD:]


def _fin_k(s_ref, y_ref, ds_ref, b_ref, o_ref):
    dinv = lax.rsqrt(ds_ref[...])
    o_ref[:, :HD] = jnp.maximum(
        dinv * (s_ref[0] + y_ref[0]) + b_ref[:, :HD], 0.0
    )
    o_ref[:, HD:] = jnp.maximum(
        dinv * (s_ref[1] + y_ref[1]) + b_ref[:, HD:], 0.0
    )


def _mm_scale(x, w, ds_col, bm=2000):
    g = N // bm
    return pl.pallas_call(
        _mm_scale_k,
        grid=(g,),
        in_specs=[
            pl.BlockSpec((bm, D), lambda i: (i, 0)),
            pl.BlockSpec((D, D), lambda i: (0, 0)),
            pl.BlockSpec((bm, 1), lambda i: (i, 0)),
        ],
        out_specs=pl.BlockSpec((2, bm, HD), lambda i: (0, i, 0)),
        out_shape=jax.ShapeDtypeStruct((2, M, HD), jnp.float32),
    )(x, w, ds_col)


def _mid(s1, y1, ds_col, b1, w2, bm=2048):
    g = M // bm
    return pl.pallas_call(
        _mid_k,
        grid=(g,),
        in_specs=[
            pl.BlockSpec((2, bm, HD), lambda i: (0, i, 0)),
            pl.BlockSpec((2, bm, HD), lambda i: (0, i, 0)),
            pl.BlockSpec((bm, 1), lambda i: (i, 0)),
            pl.BlockSpec((1, D), lambda i: (0, 0)),
            pl.BlockSpec((D, D), lambda i: (0, 0)),
        ],
        out_specs=pl.BlockSpec((2, bm, HD), lambda i: (0, i, 0)),
        out_shape=jax.ShapeDtypeStruct((2, M, HD), jnp.float32),
    )(s1, y1, ds_col, b1, w2)


def _fin(s2, y2, ds_col, b2, bm=2000):
    g = N // bm
    return pl.pallas_call(
        _fin_k,
        grid=(g,),
        in_specs=[
            pl.BlockSpec((2, bm, HD), lambda i: (0, i, 0)),
            pl.BlockSpec((2, bm, HD), lambda i: (0, i, 0)),
            pl.BlockSpec((bm, 1), lambda i: (i, 0)),
            pl.BlockSpec((1, D), lambda i: (0, 0)),
        ],
        out_specs=pl.BlockSpec((bm, D), lambda i: (i, 0)),
        out_shape=jax.ShapeDtypeStruct((N, D), jnp.float32),
    )(s2, y2, ds_col, b2)


@jax.jit
def kernel(x, edge_index, W1, b1, W2, b2):
    src = edge_index[0]
    dst = edge_index[1]
    pad = jnp.arange(E_PAD - E, dtype=jnp.int32)
    src_p = jnp.concatenate([src, (pad * 131) % N])
    dst_p = jnp.concatenate([dst, N + (pad & 127)])
    src2 = jnp.stack([src_p, src_p + M])

    deg = _deg_call()(dst_p)
    ds_col = (deg[0] + deg[1] + 1.0)[:, None]

    y1 = _mm_scale(x, W1, ds_col)
    s1 = _segsum_call()(y1.reshape(2 * M, HD), src2, dst_p)
    y2 = _mid(s1, y1, ds_col, b1[None, :], W2)
    s2 = _segsum_call()(y2.reshape(2 * M, HD), src2, dst_p)
    return _fin(s2, y2, ds_col, b2[None, :])

# --- scband reference (transcript-rebuilt; emitter-appended) ---
"""Pipeline reference for scband-shared-gnn-88072599372367 (READ-ONLY COPY).

The authoritative reference and input builder live on the scoring server;
editing this copy changes nothing except your own understanding.
"""

import jax, jax.numpy as jnp
import numpy as np

N = 10000
E = 160000
D = 256
H = 256


def setup_inputs(seed: int = 0) -> dict:
    key = jax.random.key(seed)
    k1, k2, k3, k4, k5, k6 = jax.random.split(key, 6)
    x = jax.random.normal(k1, (N, D), dtype=jnp.float32)
    edge_index = jax.random.randint(k2, (2, E), 0, N, dtype=jnp.int32)
    s1 = 1.0 / np.sqrt(D)
    s2 = 1.0 / np.sqrt(H)
    W1 = jax.random.uniform(k3, (D, H), dtype=jnp.float32, minval=-s1, maxval=s1)
    b1 = jnp.zeros((H,), dtype=jnp.float32)
    W2 = jax.random.uniform(k4, (H, H), dtype=jnp.float32, minval=-s2, maxval=s2)
    b2 = jnp.zeros((H,), dtype=jnp.float32)
    return {"x": x, "edge_index": edge_index, "W1": W1, "b1": b1, "W2": W2, "b2": b2}


def _gcn_conv(x, src, dst, W, b):
    # GCNConv with self-loops and symmetric normalization:
    # x' = D^{-1/2} (A + I) D^{-1/2} (x W) + b
    xw = x @ W
    deg = jnp.zeros((N,), dtype=jnp.float32).at[dst].add(1.0) + 1.0  # +1 self loop
    dinv = 1.0 / jnp.sqrt(deg)
    norm = dinv[src] * dinv[dst]
    msgs = xw[src] * norm[:, None]
    agg = jnp.zeros((N, xw.shape[1]), dtype=jnp.float32).at[dst].add(msgs)
    # self-loop contribution: norm = dinv[i] * dinv[i]
    agg = agg + xw * (dinv * dinv)[:, None]
    return agg + b


def reference(x, edge_index, W1, b1, W2, b2):
    src = edge_index[0]
    dst = edge_index[1]
    h = _gcn_conv(x, src, dst, W1, b1)
    h = jax.nn.relu(h)
    h = _gcn_conv(h, src, dst, W2, b2)
    h = jax.nn.relu(h)
    return h

if __name__ == "__main__":
    import jax
    _d = setup_inputs()
    print(jax.jit(kernel)(*tuple(_d.values())))

</pallas_src>

<mosaic_0001>
#map = affine_map<(d0, d1) -> (0, 0)>
#map1 = affine_map<(d0, d1) -> (0)>
#map2 = affine_map<(d0, d1) -> (0, 0, 0)>
module attributes {stable_mosaic.version = 14 : i64} {
  func.func @_segsum_body(%arg0: i32, %arg1: i32, %arg2: memref<20480x128xf32, #tpu.memory_space<hbm>>, %arg3: memref<2x163840xi32, #tpu.memory_space<hbm>>, %arg4: memref<163840xi32, #tpu.memory_space<hbm>>, %arg5: memref<2x10240x128xf32, #tpu.memory_space<hbm>>, %arg6: memref<10240x128xf32, #tpu.memory_space<vmem_shared>>, %arg7: memref<10240xi32, #tpu.memory_space<vmem>>, %arg8: memref<2x128xi32, #tpu.memory_space<vmem>>, %arg9: memref<2x128x128xf32, #tpu.memory_space<vmem>>, %arg10: memref<!tpu.dma_semaphore, #tpu.memory_space<semaphore_mem>>, %arg11: memref<!tpu.dma_semaphore, #tpu.memory_space<semaphore_mem>>, %arg12: memref<!tpu.dma_semaphore, #tpu.memory_space<semaphore_mem>>, %arg13: memref<!tpu.dma_semaphore, #tpu.memory_space<semaphore_mem>>, %arg14: memref<!tpu.dma_semaphore, #tpu.memory_space<semaphore_mem>>, %arg15: memref<!tpu.dma_semaphore, #tpu.memory_space<semaphore_mem>>, %arg16: memref<!tpu.dma_semaphore, #tpu.memory_space<semaphore_mem>>) attributes {dimension_semantics = [#tpu.dimension_semantics<core_parallel>, #tpu.dimension_semantics<subcore_parallel>], iteration_bounds = array<i64: 2, 16>, scalar_prefetch = 0 : i64, scratch_operands = 11 : i64, tpu.core_type = #tpu.core_type<sc_vector_subcore>, window_params = [{transform_indices = #map}, {transform_indices = #map}, {transform_indices = #map1}, {transform_indices = #map2}]} {
    %mul3A = arith.constant 10240 : i32
    %mul3A_0 = arith.muli %arg1, %mul3A : i32
    %dma_start3A = tpu.memref_slice %arg3[%arg0, %mul3A_0] : memref<2x163840xi32, #tpu.memory_space<hbm>> -> memref<1x10240xi32, #tpu.memory_space<hbm>>
    %dma_start3A_1 = tpu.memref_squeeze %dma_start3A : memref<1x10240xi32, #tpu.memory_space<hbm>> -> memref<10240xi32, #tpu.memory_space<hbm>>
    %dma_start3A_2 = tpu.memref_slice %arg3[%arg0, %mul3A_0] : memref<2x163840xi32, #tpu.memory_space<hbm>> -> memref<1x10240xi32, #tpu.memory_space<hbm>>
    %dma_start3A_3 = tpu.memref_squeeze %dma_start3A_2 : memref<1x10240xi32, #tpu.memory_space<hbm>> -> memref<10240xi32, #tpu.memory_space<hbm>>
    tpu.enqueue_dma source(%dma_start3A_3 : memref<10240xi32, #tpu.memory_space<hbm>>) target(%arg7 : memref<10240xi32, #tpu.memory_space<vmem>>) target_semaphore(%arg14 : memref<!tpu.dma_semaphore, #tpu.memory_space<semaphore_mem>>)
    %scan3A = arith.constant 0 : i32
    %scan3A_4 = arith.constant 0 : i32
    %scan3A_5 = arith.constant 128 : i32
    %scan3A_6 = arith.addi %scan3A_4, %scan3A_5 : i32
    %scan3A_7 = arith.constant 1 : i32
    scf.for %scan3A_74 = %scan3A_4 to %scan3A_6 step %scan3A_7  : i32 {
      %broadcast_in_dim3A = arith.constant 0.000000e+00 : f32
      %broadcast_in_dim3A_75 = vector.broadcast %broadcast_in_dim3A : f32 to vector<16xf32>
      %swap3A = arith.constant 0 : i32
      %swap3A_76 = arith.index_cast %swap3A : i32 to index
      %swap3A_77 = arith.index_cast %scan3A_74 : i32 to index
      %swap3A_78 = arith.constant 0 : index
      %swap3A_79 = tpu.vector_load %arg9[%swap3A_76, %swap3A_77, %swap3A_78] {strides = array<i32>} : memref<2x128x128xf32, #tpu.memory_space<vmem>>, vector<1x1x16xf32>,
      %swap3A_80 = vector.shape_cast %swap3A_79 : vector<1x1x16xf32> to vector<16xf32>
      %swap3A_81 = vector.shape_cast %broadcast_in_dim3A_75 : vector<16xf32> to vector<1x1x16xf32>
      tpu.vector_store %arg9[%swap3A_76, %swap3A_77, %swap3A_78], %swap3A_81 {strides = array<i32>} : memref<2x128x128xf32, #tpu.memory_space<vmem>>, vector<1x1x16xf32>,
      %broadcast_in_dim3A_82 = arith.constant 0.000000e+00 : f32
      %broadcast_in_dim3A_83 = vector.broadcast %broadcast_in_dim3A_82 : f32 to vector<16xf32>
      %swap3A_84 = arith.constant 0 : i32
      %swap3A_85 = arith.index_cast %swap3A_84 : i32 to index
      %swap3A_86 = arith.index_cast %scan3A_74 : i32 to index
      %swap3A_87 = arith.constant 16 : index
      %swap3A_88 = tpu.vector_load %arg9[%swap3A_85, %swap3A_86, %swap3A_87] {strides = array<i32>} : memref<2x128x128xf32, #tpu.memory_space<vmem>>, vector<1x1x16xf32>,
      %swap3A_89 = vector.shape_cast %swap3A_88 : vector<1x1x16xf32> to vector<16xf32>
      %swap3A_90 = vector.shape_cast %broadcast_in_dim3A_83 : vector<16xf32> to vector<1x1x16xf32>
      tpu.vector_store %arg9[%swap3A_85, %swap3A_86, %swap3A_87], %swap3A_90 {strides = array<i32>} : memref<2x128x128xf32, #tpu.memory_space<vmem>>, vector<1x1x16xf32>,
      %broadcast_in_dim3A_91 = arith.constant 0.000000e+00 : f32
      %broadcast_in_dim3A_92 = vector.broadcast %broadcast_in_dim3A_91 : f32 to vector<16xf32>
      %swap3A_93 = arith.constant 0 : i32
      %swap3A_94 = arith.index_cast %swap3A_93 : i32 to index
      %swap3A_95 = arith.index_cast %scan3A_74 : i32 to index
      %swap3A_96 = arith.constant 32 : index
      %swap3A_97 = tpu.vector_load %arg9[%swap3A_94, %swap3A_95, %swap3A_96] {strides = array<i32>} : memref<2x128x128xf32, #tpu.memory_space<vmem>>, vector<1x1x16xf32>,
      %swap3A_98 = vector.shape_cast %swap3A_97 : vector<1x1x16xf32> to vector<16xf32>
      %swap3A_99 = vector.shape_cast %broadcast_in_dim3A_92 : vector<16xf32> to vector<1x1x16xf32>
      tpu.vector_store %arg9[%swap3A_94, %swap3A_95, %swap3A_96], %swap3A_99 {strides = array<i32>} : memref<2x128x128xf32, #tpu.memory_space<vmem>>, vector<1x1x16xf32>,
      %broadcast_in_dim3A_100 = arith.constant 0.000000e+00 : f32
      %broadcast_in_dim3A_101 = vector.broadcast %broadcast_in_dim3A_100 : f32 to vector<16xf32>
      %swap3A_102 = arith.constant 0 : i32
      %swap3A_103 = arith.index_cast %swap3A_102 : i32 to index
      %swap3A_104 = arith.index_cast %scan3A_74 : i32 to index
      %swap3A_105 = arith.constant 48 : index
      %swap3A_106 = tpu.vector_load %arg9[%swap3A_103, %swap3A_104, %swap3A_105] {strides = array<i32>} : memref<2x128x128xf32, #tpu.memory_space<vmem>>, vector<1x1x16xf32>,
      %swap3A_107 = vector.shape_cast %swap3A_106 : vector<1x1x16xf32> to vector<16xf32>
      %swap3A_108 = vector.shape_cast %broadcast_in_dim3A_101 : vector<16xf32> to vector<1x1x16xf32>
      tpu.vector_store %arg9[%swap3A_103, %swap3A_104, %swap3A_105], %swap3A_108 {strides = array<i32>} : memref<2x128x128xf32, #tpu.memory_space<vmem>>, vector<1x1x16xf32>,
      %broadcast_in_dim3A_109 = arith.constant 0.000000e+00 : f32
      %broadcast_in_dim3A_110 = vector.broadcast %broadcast_in_dim3A_109 : f32 to vector<16xf32>
      %swap3A_111 = arith.constant 0 : i32
      %swap3A_112 = arith.index_cast %swap3A_111 : i32 to index
      %swap3A_113 = arith.index_cast %scan3A_74 : i32 to index
      %swap3A_114 = arith.constant 64 : index
      %swap3A_115 = tpu.vector_load %arg9[%swap3A_112, %swap3A_113, %swap3A_114] {strides = array<i32>} : memref<2x128x128xf32, #tpu.memory_space<vmem>>, vector<1x1x16xf32>,
      %swap3A_116 = vector.shape_cast %swap3A_115 : vector<1x1x16xf32> to vector<16xf32>
      %swap3A_117 = vector.shape_cast %broadcast_in_dim3A_110 : vector<16xf32> to vector<1x1x16xf32>
      tpu.vector_store %arg9[%swap3A_112, %swap3A_113, %swap3A_114], %swap3A_117 {strides = array<i32>} : memref<2x128x128xf32, #tpu.memory_space<vmem>>, vector<1x1x16xf32>,
      %broadcast_in_dim3A_118 = arith.constant 0.000000e+00 : f32
      %broadcast_in_dim3A_119 = vector.broadcast %broadcast_in_dim3A_118 : f32 to vector<16xf32>
      %swap3A_120 = arith.constant 0 : i32
      %swap3A_121 = arith.index_cast %swap3A_120 : i32 to index
      %swap3A_122 = arith.index_cast %scan3A_74 : i32 to index
      %swap3A_123 = arith.constant 80 : index
      %swap3A_124 = tpu.vector_load %arg9[%swap3A_121, %swap3A_122, %swap3A_123] {strides = array<i32>} : memref<2x128x128xf32, #tpu.memory_space<vmem>>, vector<1x1x16xf32>,
      %swap3A_125 = vector.shape_cast %swap3A_124 : vector<1x1x16xf32> to vector<16xf32>
      %swap3A_126 = vector.shape_cast %broadcast_in_dim3A_119 : vector<16xf32> to vector<1x1x16xf32>
      tpu.vector_store %arg9[%swap3A_121, %swap3A_122, %swap3A_123], %swap3A_126 {strides = array<i32>} : memref<2x128x128xf32, #tpu.memory_space<vmem>>, vector<1x1x16xf32>,
      %broadcast_in_dim3A_127 = arith.constant 0.000000e+00 : f32
      %broadcast_in_dim3A_128 = vector.broadcast %broadcast_in_dim3A_127 : f32 to vector<16xf32>
      %swap3A_129 = arith.constant 0 : i32
      %swap3A_130 = arith.index_cast %swap3A_129 : i32 to index
      %swap3A_131 = arith.index_cast %scan3A_74 : i32 to index
      %swap3A_132 = arith.constant 96 : index
      %swap3A_133 = tpu.vector_load %arg9[%swap3A_130, %swap3A_131, %swap3A_132] {strides = array<i32>} : memref<2x128x128xf32, #tpu.memory_space<vmem>>, vector<1x1x16xf32>,
      %swap3A_134 = vector.shape_cast %swap3A_133 : vector<1x1x16xf32> to vector<16xf32>
      %swap3A_135 = vector.shape_cast %broadcast_in_dim3A_128 : vector<16xf32> to vector<1x1x16xf32>
      tpu.vector_store %arg9[%swap3A_130, %swap3A_131, %swap3A_132], %swap3A_135 {strides = array<i32>} : memref<2x128x128xf32, #tpu.memory_space<vmem>>, vector<1x1x16xf32>,
      %broadcast_in_dim3A_136 = arith.constant 0.000000e+00 : f32
      %broadcast_in_dim3A_137 = vector.broadcast %broadcast_in_dim3A_136 : f32 to vector<16xf32>
      %swap3A_138 = arith.constant 0 : i32
      %swap3A_139 = arith.index_cast %swap3A_138 : i32 to index
      %swap3A_140 = arith.index_cast %scan3A_74 : i32 to index
      %swap3A_141 = arith.constant 112 : index
      %swap3A_142 = tpu.vector_load %arg9[%swap3A_139, %swap3A_140, %swap3A_141] {strides = array<i32>} : memref<2x128x128xf32, #tpu.memory_space<vmem>>, vector<1x1x16xf32>,
      %swap3A_143 = vector.shape_cast %swap3A_142 : vector<1x1x16xf32> to vector<16xf32>
      %swap3A_144 = vector.shape_cast %broadcast_in_dim3A_137 : vector<16xf32> to vector<1x1x16xf32>
      tpu.vector_store %arg9[%swap3A_139, %swap3A_140, %swap3A_141], %swap3A_144 {strides = array<i32>} : memref<2x128x128xf32, #tpu.memory_space<vmem>>, vector<1x1x16xf32>,
    }
    %scan3A_8 = arith.constant 128 : i32
    %mul3A_9 = arith.constant 640 : i32
    %mul3A_10 = arith.muli %arg1, %mul3A_9 : i32
    %add3A = arith.constant 0 : i32
    %add3A_11 = arith.addi %mul3A_10, %add3A : i32
    %run_scoped3A = arith.constant 0 : i32
    "tpu.region"() ({
      %run_scoped3A_74 = tpu.sem_alloc : memref<!tpu.dma_semaphore, #tpu.memory_space<semaphore_mem>>
      %dma_start3A_75 = arith.constant 0 : i32
      %dma_start3A_76 = arith.constant 0 : i32
      %dma_start3A_77 = tpu.memref_slice %arg9[%run_scoped3A, %dma_start3A_75, %dma_start3A_76] : memref<2x128x128xf32, #tpu.memory_space<vmem>> -> memref<1x128x128xf32, #tpu.memory_space<vmem>>
      %dma_start3A_78 = tpu.memref_squeeze %dma_start3A_77 : memref<1x128x128xf32, #tpu.memory_space<vmem>> -> memref<128x128xf32, #tpu.memory_space<vmem>>
      %dma_start3A_79 = arith.constant 0 : i32
      %dma_start3A_80 = tpu.memref_slice %arg6[%add3A_11, %dma_start3A_79] : memref<10240x128xf32, #tpu.memory_space<vmem_shared>> -> memref<128x128xf32, #tpu.memory_space<vmem_shared>>
      %dma_start3A_81 = arith.constant 0 : i32
      %dma_start3A_82 = tpu.memref_slice %arg6[%add3A_11, %dma_start3A_81] : memref<10240x128xf32, #tpu.memory_space<vmem_shared>> -> memref<128x128xf32, #tpu.memory_space<vmem_shared>>
      %dma_start3A_83 = arith.constant 0 : i32
      %dma_start3A_84 = arith.constant 0 : i32
      %dma_start3A_85 = tpu.memref_slice %arg9[%run_scoped3A, %dma_start3A_83, %dma_start3A_84] : memref<2x128x128xf32, #tpu.memory_space<vmem>> -> memref<1x128x128xf32, #tpu.memory_space<vmem>>
      %dma_start3A_86 = tpu.memref_squeeze %dma_start3A_85 : memref<1x128x128xf32, #tpu.memory_space<vmem>> -> memref<128x128xf32, #tpu.memory_space<vmem>>
      tpu.enqueue_dma source(%dma_start3A_86 : memref<128x128xf32, #tpu.memory_space<vmem>>) target(%dma_start3A_82 : memref<128x128xf32, #tpu.memory_space<vmem_shared>>) target_semaphore(%run_scoped3A_74 : memref<!tpu.dma_semaphore, #tpu.memory_space<semaphore_mem>>)
      %dma_wait3A_87 = arith.constant 0 : i32
      %dma_wait3A_88 = arith.constant 0 : i32
      %dma_wait3A_89 = tpu.memref_slice %arg9[%run_scoped3A, %dma_wait3A_87, %dma_wait3A_88] : memref<2x128x128xf32, #tpu.memory_space<vmem>> -> memref<1x128x128xf32, #tpu.memory_space<vmem>>
      %dma_wait3A_90 = tpu.memref_squeeze %dma_wait3A_89 : memref<1x128x128xf32, #tpu.memory_space<vmem>> -> memref<128x128xf32, #tpu.memory_space<vmem>>
      %dma_wait3A_91 = arith.constant 0 : i32
      %dma_wait3A_92 = tpu.memref_slice %arg6[%add3A_11, %dma_wait3A_91] : memref<10240x128xf32, #tpu.memory_space<vmem_shared>> -> memref<128x128xf32, #tpu.memory_space<vmem_shared>>
      %dma_wait3A_93 = arith.constant 0 : i32
      %dma_wait3A_94 = tpu.memref_slice %arg6[%add3A_11, %dma_wait3A_93] : memref<10240x128xf32, #tpu.memory_space<vmem_shared>> -> memref<128x128xf32, #tpu.memory_space<vmem_shared>>
      %dma_wait3A_95 = arith.constant 0 : i32
      %dma_wait3A_96 = arith.constant 0 : i32
      %dma_wait3A_97 = tpu.memref_slice %arg9[%run_scoped3A, %dma_wait3A_95, %dma_wait3A_96] : memref<2x128x128xf32, #tpu.memory_space<vmem>> -> memref<1x128x128xf32, #tpu.memory_space<vmem>>
      %dma_wait3A_98 = tpu.memref_squeeze %dma_wait3A_97 : memref<1x128x128xf32, #tpu.memory_space<vmem>> -> memref<128x128xf32, #tpu.memory_space<vmem>>
      tpu.wait_dma2 semaphore(%run_scoped3A_74 : memref<!tpu.dma_semaphore, #tpu.memory_space<semaphore_mem>>) src(%dma_wait3A_98 : memref<128x128xf32, #tpu.memory_space<vmem>>) dst(%dma_wait3A_94 : memref<128x128xf32, #tpu.memory_space<vmem_shared>>)
      tpu.yield
    }) : () -> ()
    %add3A_12 = arith.constant 128 : i32
    %add3A_13 = arith.addi %mul3A_10, %add3A_12 : i32
    %run_scoped3A_14 = arith.constant 0 : i32
    "tpu.region"() ({
      %run_scoped3A_74 = tpu.sem_alloc : memref<!tpu.dma_semaphore, #tpu.memory_space<semaphore_mem>>
      %dma_start3A_75 = arith.constant 0 : i32
      %dma_start3A_76 = arith.constant 0 : i32
      %dma_start3A_77 = tpu.memref_slice %arg9[%run_scoped3A_14, %dma_start3A_75, %dma_start3A_76] : memref<2x128x128xf32, #tpu.memory_space<vmem>> -> memref<1x128x128xf32, #tpu.memory_space<vmem>>
      %dma_start3A_78 = tpu.memref_squeeze %dma_start3A_77 : memref<1x128x128xf32, #tpu.memory_space<vmem>> -> memref<128x128xf32, #tpu.memory_space<vmem>>
      %dma_start3A_79 = arith.constant 0 : i32
      %dma_start3A_80 = tpu.memref_slice %arg6[%add3A_13, %dma_start3A_79] : memref<10240x128xf32, #tpu.memory_space<vmem_shared>> -> memref<128x128xf32, #tpu.memory_space<vmem_shared>>
      %dma_start3A_81 = arith.constant 0 : i32
      %dma_start3A_82 = tpu.memref_slice %arg6[%add3A_13, %dma_start3A_81] : memref<10240x128xf32, #tpu.memory_space<vmem_shared>> -> memref<128x128xf32, #tpu.memory_space<vmem_shared>>
      %dma_start3A_83 = arith.constant 0 : i32
      %dma_start3A_84 = arith.constant 0 : i32
      %dma_start3A_85 = tpu.memref_slice %arg9[%run_scoped3A_14, %dma_start3A_83, %dma_start3A_84] : memref<2x128x128xf32, #tpu.memory_space<vmem>> -> memref<1x128x128xf32, #tpu.memory_space<vmem>>
      %dma_start3A_86 = tpu.memref_squeeze %dma_start3A_85 : memref<1x128x128xf32, #tpu.memory_space<vmem>> -> memref<128x128xf32, #tpu.memory_space<vmem>>
      tpu.enqueue_dma source(%dma_start3A_86 : memref<128x128xf32, #tpu.memory_space<vmem>>) target(%dma_start3A_82 : memref<128x128xf32, #tpu.memory_space<vmem_shared>>) target_semaphore(%run_scoped3A_74 : memref<!tpu.dma_semaphore, #tpu.memory_space<semaphore_mem>>)
      %dma_wait3A_87 = arith.constant 0 : i32
      %dma_wait3A_88 = arith.constant 0 : i32
      %dma_wait3A_89 = tpu.memref_slice %arg9[%run_scoped3A_14, %dma_wait3A_87, %dma_wait3A_88] : memref<2x128x128xf32, #tpu.memory_space<vmem>> -> memref<1x128x128xf32, #tpu.memory_space<vmem>>
      %dma_wait3A_90 = tpu.memref_squeeze %dma_wait3A_89 : memref<1x128x128xf32, #tpu.memory_space<vmem>> -> memref<128x128xf32, #tpu.memory_space<vmem>>
      %dma_wait3A_91 = arith.constant 0 : i32
      %dma_wait3A_92 = tpu.memref_slice %arg6[%add3A_13, %dma_wait3A_91] : memref<10240x128xf32, #tpu.memory_space<vmem_shared>> -> memref<128x128xf32, #tpu.memory_space<vmem_shared>>
      %dma_wait3A_93 = arith.constant 0 : i32
      %dma_wait3A_94 = tpu.memref_slice %arg6[%add3A_13, %dma_wait3A_93] : memref<10240x128xf32, #tpu.memory_space<vmem_shared>> -> memref<128x128xf32, #tpu.memory_space<vmem_shared>>
      %dma_wait3A_95 = arith.constant 0 : i32
      %dma_wait3A_96 = arith.constant 0 : i32
      %dma_wait3A_97 = tpu.memref_slice %arg9[%run_scoped3A_14, %dma_wait3A_95, %dma_wait3A_96] : memref<2x128x128xf32, #tpu.memory_space<vmem>> -> memref<1x128x128xf32, #tpu.memory_space<vmem>>
      %dma_wait3A_98 = tpu.memref_squeeze %dma_wait3A_97 : memref<1x128x128xf32, #tpu.memory_space<vmem>> -> memref<128x128xf32, #tpu.memory_space<vmem>>
      tpu.wait_dma2 semaphore(%run_scoped3A_74 : memref<!tpu.dma_semaphore, #tpu.memory_space<semaphore_mem>>) src(%dma_wait3A_98 : memref<128x128xf32, #tpu.memory_space<vmem>>) dst(%dma_wait3A_94 : memref<128x128xf32, #tpu.memory_space<vmem_shared>>)
      tpu.yield
    }) : () -> ()
    %add3A_15 = arith.constant 256 : i32
    %add3A_16 = arith.addi %mul3A_10, %add3A_15 : i32
    %run_scoped3A_17 = arith.constant 0 : i32
    "tpu.region"() ({
      %run_scoped3A_74 = tpu.sem_alloc : memref<!tpu.dma_semaphore, #tpu.memory_space<semaphore_mem>>
      %dma_start3A_75 = arith.constant 0 : i32
      %dma_start3A_76 = arith.constant 0 : i32
      %dma_start3A_77 = tpu.memref_slice %arg9[%run_scoped3A_17, %dma_start3A_75, %dma_start3A_76] : memref<2x128x128xf32, #tpu.memory_space<vmem>> -> memref<1x128x128xf32, #tpu.memory_space<vmem>>
      %dma_start3A_78 = tpu.memref_squeeze %dma_start3A_77 : memref<1x128x128xf32, #tpu.memory_space<vmem>> -> memref<128x128xf32, #tpu.memory_space<vmem>>
      %dma_start3A_79 = arith.constant 0 : i32
      %dma_start3A_80 = tpu.memref_slice %arg6[%add3A_16, %dma_start3A_79] : memref<10240x128xf32, #tpu.memory_space<vmem_shared>> -> memref<128x128xf32, #tpu.memory_space<vmem_shared>>
      %dma_start3A_81 = arith.constant 0 : i32
      %dma_start3A_82 = tpu.memref_slice %arg6[%add3A_16, %dma_start3A_81] : memref<10240x128xf32, #tpu.memory_space<vmem_shared>> -> memref<128x128xf32, #tpu.memory_space<vmem_shared>>
      %dma_start3A_83 = arith.constant 0 : i32
      %dma_start3A_84 = arith.constant 0 : i32
      %dma_start3A_85 = tpu.memref_slice %arg9[%run_scoped3A_17, %dma_start3A_83, %dma_start3A_84] : memref<2x128x128xf32, #tpu.memory_space<vmem>> -> memref<1x128x128xf32, #tpu.memory_space<vmem>>
      %dma_start3A_86 = tpu.memref_squeeze %dma_start3A_85 : memref<1x128x128xf32, #tpu.memory_space<vmem>> -> memref<128x128xf32, #tpu.memory_space<vmem>>
      tpu.enqueue_dma source(%dma_start3A_86 : memref<128x128xf32, #tpu.memory_space<vmem>>) target(%dma_start3A_82 : memref<128x128xf32, #tpu.memory_space<vmem_shared>>) target_semaphore(%run_scoped3A_74 : memref<!tpu.dma_semaphore, #tpu.memory_space<semaphore_mem>>)
      %dma_wait3A_87 = arith.constant 0 : i32
      %dma_wait3A_88 = arith.constant 0 : i32
      %dma_wait3A_89 = tpu.memref_slice %arg9[%run_scoped3A_17, %dma_wait3A_87, %dma_wait3A_88] : memref<2x128x128xf32, #tpu.memory_space<vmem>> -> memref<1x128x128xf32, #tpu.memory_space<vmem>>
      %dma_wait3A_90 = tpu.memref_squeeze %dma_wait3A_89 : memref<1x128x128xf32, #tpu.memory_space<vmem>> -> memref<128x128xf32, #tpu.memory_space<vmem>>
      %dma_wait3A_91 = arith.constant 0 : i32
      %dma_wait3A_92 = tpu.memref_slice %arg6[%add3A_16, %dma_wait3A_91] : memref<10240x128xf32, #tpu.memory_space<vmem_shared>> -> memref<128x128xf32, #tpu.memory_space<vmem_shared>>
      %dma_wait3A_93 = arith.constant 0 : i32
      %dma_wait3A_94 = tpu.memref_slice %arg6[%add3A_16, %dma_wait3A_93] : memref<10240x128xf32, #tpu.memory_space<vmem_shared>> -> memref<128x128xf32, #tpu.memory_space<vmem_shared>>
      %dma_wait3A_95 = arith.constant 0 : i32
      %dma_wait3A_96 = arith.constant 0 : i32
      %dma_wait3A_97 = tpu.memref_slice %arg9[%run_scoped3A_17, %dma_wait3A_95, %dma_wait3A_96] : memref<2x128x128xf32, #tpu.memory_space<vmem>> -> memref<1x128x128xf32, #tpu.memory_space<vmem>>
      %dma_wait3A_98 = tpu.memref_squeeze %dma_wait3A_97 : memref<1x128x128xf32, #tpu.memory_space<vmem>> -> memref<128x128xf32, #tpu.memory_space<vmem>>
      tpu.wait_dma2 semaphore(%run_scoped3A_74 : memref<!tpu.dma_semaphore, #tpu.memory_space<semaphore_mem>>) src(%dma_wait3A_98 : memref<128x128xf32, #tpu.memory_space<vmem>>) dst(%dma_wait3A_94 : memref<128x128xf32, #tpu.memory_space<vmem_shared>>)
      tpu.yield
    }) : () -> ()
    %add3A_18 = arith.constant 384 : i32
    %add3A_19 = arith.addi %mul3A_10, %add3A_18 : i32
    %run_scoped3A_20 = arith.constant 0 : i32
    "tpu.region"() ({
      %run_scoped3A_74 = tpu.sem_alloc : memref<!tpu.dma_semaphore, #tpu.memory_space<semaphore_mem>>
      %dma_start3A_75 = arith.constant 0 : i32
      %dma_start3A_76 = arith.constant 0 : i32
      %dma_start3A_77 = tpu.memref_slice %arg9[%run_scoped3A_20, %dma_start3A_75, %dma_start3A_76] : memref<2x128x128xf32, #tpu.memory_space<vmem>> -> memref<1x128x128xf32, #tpu.memory_space<vmem>>
      %dma_start3A_78 = tpu.memref_squeeze %dma_start3A_77 : memref<1x128x128xf32, #tpu.memory_space<vmem>> -> memref<128x128xf32, #tpu.memory_space<vmem>>
      %dma_start3A_79 = arith.constant 0 : i32
      %dma_start3A_80 = tpu.memref_slice %arg6[%add3A_19, %dma_start3A_79] : memref<10240x128xf32, #tpu.memory_space<vmem_shared>> -> memref<128x128xf32, #tpu.memory_space<vmem_shared>>
      %dma_start3A_81 = arith.constant 0 : i32
      %dma_start3A_82 = tpu.memref_slice %arg6[%add3A_19, %dma_start3A_81] : memref<10240x128xf32, #tpu.memory_space<vmem_shared>> -> memref<128x128xf32, #tpu.memory_space<vmem_shared>>
      %dma_start3A_83 = arith.constant 0 : i32
      %dma_start3A_84 = arith.constant 0 : i32
      %dma_start3A_85 = tpu.memref_slice %arg9[%run_scoped3A_20, %dma_start3A_83, %dma_start3A_84] : memref<2x128x128xf32, #tpu.memory_space<vmem>> -> memref<1x128x128xf32, #tpu.memory_space<vmem>>
      %dma_start3A_86 = tpu.memref_squeeze %dma_start3A_85 : memref<1x128x128xf32, #tpu.memory_space<vmem>> -> memref<128x128xf32, #tpu.memory_space<vmem>>
      tpu.enqueue_dma source(%dma_start3A_86 : memref<128x128xf32, #tpu.memory_space<vmem>>) target(%dma_start3A_82 : memref<128x128xf32, #tpu.memory_space<vmem_shared>>) target_semaphore(%run_scoped3A_74 : memref<!tpu.dma_semaphore, #tpu.memory_space<semaphore_mem>>)
      %dma_wait3A_87 = arith.constant 0 : i32
      %dma_wait3A_88 = arith.constant 0 : i32
      %dma_wait3A_89 = tpu.memref_slice %arg9[%run_scoped3A_20, %dma_wait3A_87, %dma_wait3A_88] : memref<2x128x128xf32, #tpu.memory_space<vmem>> -> memref<1x128x128xf32, #tpu.memory_space<vmem>>
      %dma_wait3A_90 = tpu.memref_squeeze %dma_wait3A_89 : memref<1x128x128xf32, #tpu.memory_space<vmem>> -> memref<128x128xf32, #tpu.memory_space<vmem>>
      %dma_wait3A_91 = arith.constant 0 : i32
      %dma_wait3A_92 = tpu.memref_slice %arg6[%add3A_19, %dma_wait3A_91] : memref<10240x128xf32, #tpu.memory_space<vmem_shared>> -> memref<128x128xf32, #tpu.memory_space<vmem_shared>>
      %dma_wait3A_93 = arith.constant 0 : i32
      %dma_wait3A_94 = tpu.memref_slice %arg6[%add3A_19, %dma_wait3A_93] : memref<10240x128xf32, #tpu.memory_space<vmem_shared>> -> memref<128x128xf32, #tpu.memory_space<vmem_shared>>
      %dma_wait3A_95 = arith.constant 0 : i32
      %dma_wait3A_96 = arith.constant 0 : i32
      %dma_wait3A_97 = tpu.memref_slice %arg9[%run_scoped3A_20, %dma_wait3A_95, %dma_wait3A_96] : memref<2x128x128xf32, #tpu.memory_space<vmem>> -> memref<1x128x128xf32, #tpu.memory_space<vmem>>
      %dma_wait3A_98 = tpu.memref_squeeze %dma_wait3A_97 : memref<1x128x128xf32, #tpu.memory_space<vmem>> -> memref<128x128xf32, #tpu.memory_space<vmem>>
      tpu.wait_dma2 semaphore(%run_scoped3A_74 : memref<!tpu.dma_semaphore, #tpu.memory_space<semaphore_mem>>) src(%dma_wait3A_98 : memref<128x128xf32, #tpu.memory_space<vmem>>) dst(%dma_wait3A_94 : memref<128x128xf32, #tpu.memory_space<vmem_shared>>)
      tpu.yield
    }) : () -> ()
    %add3A_21 = arith.constant 512 : i32
    %add3A_22 = arith.addi %mul3A_10, %add3A_21 : i32
    %run_scoped3A_23 = arith.constant 0 : i32
    "tpu.region"() ({
      %run_scoped3A_74 = tpu.sem_alloc : memref<!tpu.dma_semaphore, #tpu.memory_space<semaphore_mem>>
      %dma_start3A_75 = arith.constant 0 : i32
      %dma_start3A_76 = arith.constant 0 : i32
      %dma_start3A_77 = tpu.memref_slice %arg9[%run_scoped3A_23, %dma_start3A_75, %dma_start3A_76] : memref<2x128x128xf32, #tpu.memory_space<vmem>> -> memref<1x128x128xf32, #tpu.memory_space<vmem>>
      %dma_start3A_78 = tpu.memref_squeeze %dma_start3A_77 : memref<1x128x128xf32, #tpu.memory_space<vmem>> -> memref<128x128xf32, #tpu.memory_space<vmem>>
      %dma_start3A_79 = arith.constant 0 : i32
      %dma_start3A_80 = tpu.memref_slice %arg6[%add3A_22, %dma_start3A_79] : memref<10240x128xf32, #tpu.memory_space<vmem_shared>> -> memref<128x128xf32, #tpu.memory_space<vmem_shared>>
      %dma_start3A_81 = arith.constant 0 : i32
      %dma_start3A_82 = tpu.memref_slice %arg6[%add3A_22, %dma_start3A_81] : memref<10240x128xf32, #tpu.memory_space<vmem_shared>> -> memref<128x128xf32, #tpu.memory_space<vmem_shared>>
      %dma_start3A_83 = arith.constant 0 : i32
      %dma_start3A_84 = arith.constant 0 : i32
      %dma_start3A_85 = tpu.memref_slice %arg9[%run_scoped3A_23, %dma_start3A_83, %dma_start3A_84] : memref<2x128x128xf32, #tpu.memory_space<vmem>> -> memref<1x128x128xf32, #tpu.memory_space<vmem>>
      %dma_start3A_86 = tpu.memref_squeeze %dma_start3A_85 : memref<1x128x128xf32, #tpu.memory_space<vmem>> -> memref<128x128xf32, #tpu.memory_space<vmem>>
      tpu.enqueue_dma source(%dma_start3A_86 : memref<128x128xf32, #tpu.memory_space<vmem>>) target(%dma_start3A_82 : memref<128x128xf32, #tpu.memory_space<vmem_shared>>) target_semaphore(%run_scoped3A_74 : memref<!tpu.dma_semaphore, #tpu.memory_space<semaphore_mem>>)
      %dma_wait3A_87 = arith.constant 0 : i32
      %dma_wait3A_88 = arith.constant 0 : i32
      %dma_wait3A_89 = tpu.memref_slice %arg9[%run_scoped3A_23, %dma_wait3A_87, %dma_wait3A_88] : memref<2x128x128xf32, #tpu.memory_space<vmem>> -> memref<1x128x128xf32, #tpu.memory_space<vmem>>
      %dma_wait3A_90 = tpu.memref_squeeze %dma_wait3A_89 : memref<1x128x128xf32, #tpu.memory_space<vmem>> -> memref<128x128xf32, #tpu.memory_space<vmem>>
      %dma_wait3A_91 = arith.constant 0 : i32
      %dma_wait3A_92 = tpu.memref_slice %arg6[%add3A_22, %dma_wait3A_91] : memref<10240x128xf32, #tpu.memory_space<vmem_shared>> -> memref<128x128xf32, #tpu.memory_space<vmem_shared>>
      %dma_wait3A_93 = arith.constant 0 : i32
      %dma_wait3A_94 = tpu.memref_slice %arg6[%add3A_22, %dma_wait3A_93] : memref<10240x128xf32, #tpu.memory_space<vmem_shared>> -> memref<128x128xf32, #tpu.memory_space<vmem_shared>>
      %dma_wait3A_95 = arith.constant 0 : i32
      %dma_wait3A_96 = arith.constant 0 : i32
      %dma_wait3A_97 = tpu.memref_slice %arg9[%run_scoped3A_23, %dma_wait3A_95, %dma_wait3A_96] : memref<2x128x128xf32, #tpu.memory_space<vmem>> -> memref<1x128x128xf32, #tpu.memory_space<vmem>>
      %dma_wait3A_98 = tpu.memref_squeeze %dma_wait3A_97 : memref<1x128x128xf32, #tpu.memory_space<vmem>> -> memref<128x128xf32, #tpu.memory_space<vmem>>
      tpu.wait_dma2 semaphore(%run_scoped3A_74 : memref<!tpu.dma_semaphore, #tpu.memory_space<semaphore_mem>>) src(%dma_wait3A_98 : memref<128x128xf32, #tpu.memory_space<vmem>>) dst(%dma_wait3A_94 : memref<128x128xf32, #tpu.memory_space<vmem_shared>>)
      tpu.yield
    }) : () -> ()
    %dma_wait3A = tpu.memref_slice %arg3[%arg0, %mul3A_0] : memref<2x163840xi32, #tpu.memory_space<hbm>> -> memref<1x10240xi32, #tpu.memory_space<hbm>>
    %dma_wait3A_24 = tpu.memref_squeeze %dma_wait3A : memref<1x10240xi32, #tpu.memory_space<hbm>> -> memref<10240xi32, #tpu.memory_space<hbm>>
    %dma_wait3A_25 = tpu.memref_slice %arg3[%arg0, %mul3A_0] : memref<2x163840xi32, #tpu.memory_space<hbm>> -> memref<1x10240xi32, #tpu.memory_space<hbm>>
    %dma_wait3A_26 = tpu.memref_squeeze %dma_wait3A_25 : memref<1x10240xi32, #tpu.memory_space<hbm>> -> memref<10240xi32, #tpu.memory_space<hbm>>
    tpu.wait_dma2 semaphore(%arg14 : memref<!tpu.dma_semaphore, #tpu.memory_space<semaphore_mem>>) src(%dma_wait3A_26 : memref<10240xi32, #tpu.memory_space<hbm>>) dst(%arg7 : memref<10240xi32, #tpu.memory_space<vmem>>)
    %barrier3A = arith.constant 0 : index
    tpu.barrier barrier_id(%barrier3A)
    %dma_start3A_27 = arith.constant 0 : i32
    %dma_start3A_28 = arith.constant 0 : i32
    %dma_start3A_29 = arith.constant 0 : i32
    %dma_start3A_30 = tpu.memref_slice %arg9[%dma_start3A_27, %dma_start3A_28, %dma_start3A_29] : memref<2x128x128xf32, #tpu.memory_space<vmem>> -> memref<1x128x128xf32, #tpu.memory_space<vmem>>
    %dma_start3A_31 = tpu.memref_squeeze %dma_start3A_30 : memref<1x128x128xf32, #tpu.memory_space<vmem>> -> memref<128x128xf32, #tpu.memory_space<vmem>>
    %dma_start3A_32 = arith.constant 0 : i32
    %dma_start3A_33 = tpu.memref_slice %arg7[%dma_start3A_32] : memref<10240xi32, #tpu.memory_space<vmem>> -> memref<128xi32, #tpu.memory_space<vmem>>
    %dma_start3A_34 = arith.constant 0 : i32
    %dma_start3A_35 = arith.constant 0 : i32
    %dma_start3A_36 = tpu.memref_slice %arg2[%dma_start3A_34, %dma_start3A_35] : memref<20480x128xf32, #tpu.memory_space<hbm>> -> memref<20480x128xf32, #tpu.memory_space<hbm>>
    tpu.enqueue_indirect_dma source(%dma_start3A_36 : memref<20480x128xf32, #tpu.memory_space<hbm>>) target(%dma_start3A_31 : memref<128x128xf32, #tpu.memory_space<vmem>>) offsets(%dma_start3A_33 : memref<128xi32, #tpu.memory_space<vmem>>) semaphore(%arg10 : memref<!tpu.dma_semaphore, #tpu.memory_space<semaphore_mem>>)
    %dma_start3A_37 = arith.constant 0 : i32
    %dma_start3A_38 = arith.constant 0 : i32
    %dma_start3A_39 = tpu.memref_slice %arg8[%dma_start3A_37, %dma_start3A_38] : memref<2x128xi32, #tpu.memory_space<vmem>> -> memref<1x128xi32, #tpu.memory_space<vmem>>
    %dma_start3A_40 = tpu.memref_squeeze %dma_start3A_39 : memref<1x128xi32, #tpu.memory_space<vmem>> -> memref<128xi32, #tpu.memory_space<vmem>>
    %dma_start3A_41 = tpu.memref_slice %arg4[%mul3A_0] : memref<163840xi32, #tpu.memory_space<hbm>> -> memref<128xi32, #tpu.memory_space<hbm>>
    %dma_start3A_42 = arith.constant 0 : i32
    %dma_start3A_43 = tpu.memref_slice %arg8[%dma_start3A_37, %dma_start3A_42] : memref<2x128xi32, #tpu.memory_space<vmem>> -> memref<1x128xi32, #tpu.memory_space<vmem>>
    %dma_start3A_44 = tpu.memref_squeeze %dma_start3A_43 : memref<1x128xi32, #tpu.memory_space<vmem>> -> memref<128xi32, #tpu.memory_space<vmem>>
    %dma_start3A_45 = tpu.memref_slice %arg4[%mul3A_0] : memref<163840xi32, #tpu.memory_space<hbm>> -> memref<128xi32, #tpu.memory_space<hbm>>
    tpu.enqueue_dma source(%dma_start3A_45 : memref<128xi32, #tpu.memory_space<hbm>>) target(%dma_start3A_44 : memref<128xi32, #tpu.memory_space<vmem>>) target_semaphore(%arg12 : memref<!tpu.dma_semaphore, #tpu.memory_space<semaphore_mem>>)
    %dma_start3A_46 = arith.constant 1 : i32
    %dma_start3A_47 = arith.constant 0 : i32
    %dma_start3A_48 = arith.constant 0 : i32
    %dma_start3A_49 = tpu.memref_slice %arg9[%dma_start3A_46, %dma_start3A_47, %dma_start3A_48] : memref<2x128x128xf32, #tpu.memory_space<vmem>> -> memref<1x128x128xf32, #tpu.memory_space<vmem>>
    %dma_start3A_50 = tpu.memref_squeeze %dma_start3A_49 : memref<1x128x128xf32, #tpu.memory_space<vmem>> -> memref<128x128xf32, #tpu.memory_space<vmem>>
    %dma_start3A_51 = arith.constant 128 : i32
    %dma_start3A_52 = tpu.memref_slice %arg7[%dma_start3A_51] : memref<10240xi32, #tpu.memory_space<vmem>> -> memref<128xi32, #tpu.memory_space<vmem>>
    %dma_start3A_53 = arith.constant 0 : i32
    %dma_start3A_54 = arith.constant 0 : i32
    %dma_start3A_55 = tpu.memref_slice %arg2[%dma_start3A_53, %dma_start3A_54] : memref<20480x128xf32, #tpu.memory_space<hbm>> -> memref<20480x128xf32, #tpu.memory_space<hbm>>
    tpu.enqueue_indirect_dma source(%dma_start3A_55 : memref<20480x128xf32, #tpu.memory_space<hbm>>) target(%dma_start3A_50 : memref<128x128xf32, #tpu.memory_space<vmem>>) offsets(%dma_start3A_52 : memref<128xi32, #tpu.memory_space<vmem>>) semaphore(%arg11 : memref<!tpu.dma_semaphore, #tpu.memory_space<semaphore_mem>>)
    %add3A_56 = arith.constant 128 : i32
    %add3A_57 = arith.addi %mul3A_0, %add3A_56 : i32
    %dma_start3A_58 = arith.constant 1 : i32
    %dma_start3A_59 = arith.constant 0 : i32
    %dma_start3A_60 = tpu.memref_slice %arg8[%dma_start3A_58, %dma_start3A_59] : memref<2x128xi32, #tpu.memory_space<vmem>> -> memref<1x128xi32, #tpu.memory_space<vmem>>
    %dma_start3A_61 = tpu.memref_squeeze %dma_start3A_60 : memref<1x128xi32, #tpu.memory_space<vmem>> -> memref<128xi32, #tpu.memory_space<vmem>>
    %dma_start3A_62 = tpu.memref_slice %arg4[%add3A_57] : memref<163840xi32, #tpu.memory_space<hbm>> -> memref<128xi32, #tpu.memory_space<hbm>>
    %dma_start3A_63 = arith.constant 0 : i32
    %dma_start3A_64 = tpu.memref_slice %arg8[%dma_start3A_58, %dma_start3A_63] : memref<2x128xi32, #tpu.memory_space<vmem>> -> memref<1x128xi32, #tpu.memory_space<vmem>>
    %dma_start3A_65 = tpu.memref_squeeze %dma_start3A_64 : memref<1x128xi32, #tpu.memory_space<vmem>> -> memref<128xi32, #tpu.memory_space<vmem>>
    %dma_start3A_66 = tpu.memref_slice %arg4[%add3A_57] : memref<163840xi32, #tpu.memory_space<hbm>> -> memref<128xi32, #tpu.memory_space<hbm>>
    tpu.enqueue_dma source(%dma_start3A_66 : memref<128xi32, #tpu.memory_space<hbm>>) target(%dma_start3A_65 : memref<128xi32, #tpu.memory_space<vmem>>) target_semaphore(%arg13 : memref<!tpu.dma_semaphore, #tpu.memory_space<semaphore_mem>>)
    %scan3A_67 = arith.constant 0 : i32
    %scan3A_68 = arith.constant 0 : i32
    %scan3A_69 = arith.constant 40 : i32
    %scan3A_70 = arith.addi %scan3A_68, %scan3A_69 : i32
    %scan3A_71 = arith.constant 1 : i32
    scf.for %scan3A_74 = %scan3A_68 to %scan3A_70 step %scan3A_71  : i32 {
      %mul3A_75 = arith.constant 2 : i32
      %mul3A_76 = arith.muli %scan3A_74, %mul3A_75 : i32
      %add3A_77 = arith.constant 0 : i32
      %add3A_78 = arith.addi %mul3A_76, %add3A_77 : i32
      %dma_wait3A_79 = arith.constant 0 : i32
      %dma_wait3A_80 = arith.constant 0 : i32
      %dma_wait3A_81 = arith.constant 0 : i32
      %dma_wait3A_82 = tpu.memref_slice %arg9[%dma_wait3A_79, %dma_wait3A_80, %dma_wait3A_81] : memref<2x128x128xf32, #tpu.memory_space<vmem>> -> memref<1x128x128xf32, #tpu.memory_space<vmem>>
      %dma_wait3A_83 = tpu.memref_squeeze %dma_wait3A_82 : memref<1x128x128xf32, #tpu.memory_space<vmem>> -> memref<128x128xf32, #tpu.memory_space<vmem>>
      %dma_wait3A_84 = arith.constant 0 : i32
      %dma_wait3A_85 = tpu.memref_slice %arg7[%dma_wait3A_84] : memref<10240xi32, #tpu.memory_space<vmem>> -> memref<128xi32, #tpu.memory_space<vmem>>
      %dma_wait3A_86 = arith.constant 0 : i32
      %dma_wait3A_87 = arith.constant 0 : i32
      %dma_wait3A_88 = tpu.memref_slice %arg2[%dma_wait3A_86, %dma_wait3A_87] : memref<20480x128xf32, #tpu.memory_space<hbm>> -> memref<20480x128xf32, #tpu.memory_space<hbm>>
      tpu.wait_indirect_dma semaphore(%arg10 : memref<!tpu.dma_semaphore, #tpu.memory_space<semaphore_mem>>) src(%dma_wait3A_88 : memref<20480x128xf32, #tpu.memory_space<hbm>>) dst(%dma_wait3A_83 : memref<128x128xf32, #tpu.memory_space<vmem>>)
      %dma_wait3A_89 = arith.constant 0 : i32
      %dma_wait3A_90 = arith.constant 0 : i32
      %dma_wait3A_91 = tpu.memref_slice %arg8[%dma_wait3A_89, %dma_wait3A_90] : memref<2x128xi32, #tpu.memory_space<vmem>> -> memref<1x128xi32, #tpu.memory_space<vmem>>
      %dma_wait3A_92 = tpu.memref_squeeze %dma_wait3A_91 : memref<1x128xi32, #tpu.memory_space<vmem>> -> memref<128xi32, #tpu.memory_space<vmem>>
      %dma_wait3A_93 = tpu.memref_slice %arg4[%mul3A_0] : memref<163840xi32, #tpu.memory_space<hbm>> -> memref<128xi32, #tpu.memory_space<hbm>>
      %dma_wait3A_94 = arith.constant 0 : i32
      %dma_wait3A_95 = tpu.memref_slice %arg8[%dma_wait3A_89, %dma_wait3A_94] : memref<2x128xi32, #tpu.memory_space<vmem>> -> memref<1x128xi32, #tpu.memory_space<vmem>>
      %dma_wait3A_96 = tpu.memref_squeeze %dma_wait3A_95 : memref<1x128xi32, #tpu.memory_space<vmem>> -> memref<128xi32, #tpu.memory_space<vmem>>
      %dma_wait3A_97 = tpu.memref_slice %arg4[%mul3A_0] : memref<163840xi32, #tpu.memory_space<hbm>> -> memref<128xi32, #tpu.memory_space<hbm>>
      tpu.wait_dma2 semaphore(%arg12 : memref<!tpu.dma_semaphore, #tpu.memory_space<semaphore_mem>>) src(%dma_wait3A_97 : memref<128xi32, #tpu.memory_space<hbm>>) dst(%dma_wait3A_96 : memref<128xi32, #tpu.memory_space<vmem>>)
      %dma_start3A_98 = arith.constant 0 : i32
      %dma_start3A_99 = arith.constant 0 : i32
      %dma_start3A_100 = arith.constant 0 : i32
      %dma_start3A_101 = arith.constant 0 : i32
      %dma_start3A_102 = tpu.memref_slice %arg9[%dma_start3A_98, %dma_start3A_100, %dma_start3A_101] : memref<2x128x128xf32, #tpu.memory_space<vmem>> -> memref<1x64x128xf32, #tpu.memory_space<vmem>>
      %dma_start3A_103 = tpu.memref_squeeze %dma_start3A_102 : memref<1x64x128xf32, #tpu.memory_space<vmem>> -> memref<64x128xf32, #tpu.memory_space<vmem>>
      %dma_start3A_104 = arith.constant 0 : i32
      %dma_start3A_105 = tpu.memref_slice %arg8[%dma_start3A_99, %dma_start3A_104] : memref<2x128xi32, #tpu.memory_space<vmem>> -> memref<1x64xi32, #tpu.memory_space<vmem>>
      %dma_start3A_106 = tpu.memref_squeeze %dma_start3A_105 : memref<1x64xi32, #tpu.memory_space<vmem>> -> memref<64xi32, #tpu.memory_space<vmem>>
      %dma_start3A_107 = arith.constant 0 : i32
      %dma_start3A_108 = arith.constant 0 : i32
      %dma_start3A_109 = tpu.memref_slice %arg6[%dma_start3A_107, %dma_start3A_108] : memref<10240x128xf32, #tpu.memory_space<vmem_shared>> -> memref<10240x128xf32, #tpu.memory_space<vmem_shared>>
      tpu.enqueue_indirect_dma source(%dma_start3A_103 : memref<64x128xf32, #tpu.memory_space<vmem>>) target(%dma_start3A_109 : memref<10240x128xf32, #tpu.memory_space<vmem_shared>>) offsets(%dma_start3A_106 : memref<64xi32, #tpu.memory_space<vmem>>) semaphore(%arg15 : memref<!tpu.dma_semaphore, #tpu.memory_space<semaphore_mem>>) {add = true}
      %dma_start3A_110 = arith.constant 0 : i32
      %dma_start3A_111 = arith.constant 0 : i32
      %dma_start3A_112 = arith.constant 64 : i32
      %dma_start3A_113 = arith.constant 0 : i32
      %dma_start3A_114 = tpu.memref_slice %arg9[%dma_start3A_110, %dma_start3A_112, %dma_start3A_113] : memref<2x128x128xf32, #tpu.memory_space<vmem>> -> memref<1x64x128xf32, #tpu.memory_space<vmem>>
      %dma_start3A_115 = tpu.memref_squeeze %dma_start3A_114 : memref<1x64x128xf32, #tpu.memory_space<vmem>> -> memref<64x128xf32, #tpu.memory_space<vmem>>
      %dma_start3A_116 = arith.constant 64 : i32
      %dma_start3A_117 = tpu.memref_slice %arg8[%dma_start3A_111, %dma_start3A_116] : memref<2x128xi32, #tpu.memory_space<vmem>> -> memref<1x64xi32, #tpu.memory_space<vmem>>
      %dma_start3A_118 = tpu.memref_squeeze %dma_start3A_117 : memref<1x64xi32, #tpu.memory_space<vmem>> -> memref<64xi32, #tpu.memory_space<vmem>>
      %dma_start3A_119 = arith.constant 0 : i32
      %dma_start3A_120 = arith.constant 0 : i32
      %dma_start3A_121 = tpu.memref_slice %arg6[%dma_start3A_119, %dma_start3A_120] : memref<10240x128xf32, #tpu.memory_space<vmem_shared>> -> memref<10240x128xf32, #tpu.memory_space<vmem_shared>>
      tpu.enqueue_indirect_dma source(%dma_start3A_115 : memref<64x128xf32, #tpu.memory_space<vmem>>) target(%dma_start3A_121 : memref<10240x128xf32, #tpu.memory_space<vmem_shared>>) offsets(%dma_start3A_118 : memref<64xi32, #tpu.memory_space<vmem>>) semaphore(%arg16 : memref<!tpu.dma_semaphore, #tpu.memory_space<semaphore_mem>>) {add = true}
      %dma_wait3A_122 = arith.constant 0 : i32
      %dma_wait3A_123 = arith.constant 0 : i32
      %dma_wait3A_124 = arith.constant 0 : i32
      %dma_wait3A_125 = arith.constant 0 : i32
      %dma_wait3A_126 = tpu.memref_slice %arg9[%dma_wait3A_122, %dma_wait3A_124, %dma_wait3A_125] : memref<2x128x128xf32, #tpu.memory_space<vmem>> -> memref<1x64x128xf32, #tpu.memory_space<vmem>>
      %dma_wait3A_127 = tpu.memref_squeeze %dma_wait3A_126 : memref<1x64x128xf32, #tpu.memory_space<vmem>> -> memref<64x128xf32, #tpu.memory_space<vmem>>
      %dma_wait3A_128 = arith.constant 0 : i32
      %dma_wait3A_129 = tpu.memref_slice %arg8[%dma_wait3A_123, %dma_wait3A_128] : memref<2x128xi32, #tpu.memory_space<vmem>> -> memref<1x64xi32, #tpu.memory_space<vmem>>
      %dma_wait3A_130 = tpu.memref_squeeze %dma_wait3A_129 : memref<1x64xi32, #tpu.memory_space<vmem>> -> memref<64xi32, #tpu.memory_space<vmem>>
      %dma_wait3A_131 = arith.constant 0 : i32
      %dma_wait3A_132 = arith.constant 0 : i32
      %dma_wait3A_133 = tpu.memref_slice %arg6[%dma_wait3A_131, %dma_wait3A_132] : memref<10240x128xf32, #tpu.memory_space<vmem_shared>> -> memref<10240x128xf32, #tpu.memory_space<vmem_shared>>
      tpu.wait_indirect_dma semaphore(%arg15 : memref<!tpu.dma_semaphore, #tpu.memory_space<semaphore_mem>>) src(%dma_wait3A_127 : memref<64x128xf32, #tpu.memory_space<vmem>>) dst(%dma_wait3A_133 : memref<10240x128xf32, #tpu.memory_space<vmem_shared>>)
      %dma_wait3A_134 = arith.constant 0 : i32
      %dma_wait3A_135 = arith.constant 0 : i32
      %dma_wait3A_136 = arith.constant 64 : i32
      %dma_wait3A_137 = arith.constant 0 : i32
      %dma_wait3A_138 = tpu.memref_slice %arg9[%dma_wait3A_134, %dma_wait3A_136, %dma_wait3A_137] : memref<2x128x128xf32, #tpu.memory_space<vmem>> -> memref<1x64x128xf32, #tpu.memory_space<vmem>>
      %dma_wait3A_139 = tpu.memref_squeeze %dma_wait3A_138 : memref<1x64x128xf32, #tpu.memory_space<vmem>> -> memref<64x128xf32, #tpu.memory_space<vmem>>
      %dma_wait3A_140 = arith.constant 64 : i32
      %dma_wait3A_141 = tpu.memref_slice %arg8[%dma_wait3A_135, %dma_wait3A_140] : memref<2x128xi32, #tpu.memory_space<vmem>> -> memref<1x64xi32, #tpu.memory_space<vmem>>
      %dma_wait3A_142 = tpu.memref_squeeze %dma_wait3A_141 : memref<1x64xi32, #tpu.memory_space<vmem>> -> memref<64xi32, #tpu.memory_space<vmem>>
      %dma_wait3A_143 = arith.constant 0 : i32
      %dma_wait3A_144 = arith.constant 0 : i32
      %dma_wait3A_145 = tpu.memref_slice %arg6[%dma_wait3A_143, %dma_wait3A_144] : memref<10240x128xf32, #tpu.memory_space<vmem_shared>> -> memref<10240x128xf32, #tpu.memory_space<vmem_shared>>
      tpu.wait_indirect_dma semaphore(%arg16 : memref<!tpu.dma_semaphore, #tpu.memory_space<semaphore_mem>>) src(%dma_wait3A_139 : memref<64x128xf32, #tpu.memory_space<vmem>>) dst(%dma_wait3A_145 : memref<10240x128xf32, #tpu.memory_space<vmem_shared>>)
      %add3A_146 = arith.constant 2 : i32
      %add3A_147 = arith.addi %add3A_78, %add3A_146 : i32
      %lt3A = arith.constant 80 : i32
      %lt3A_148 = arith.cmpi slt, %add3A_147, %lt3A : i32
      %convert_element_type3A = arith.extui %lt3A_148 : i1 to i32
      %cond3A = arith.constant 0 : i32
      %cond3A_149 = arith.cmpi ne, %convert_element_type3A, %cond3A : i32
      scf.if %cond3A_149 {
        %add3A_228 = arith.constant 2 : i32
        %add3A_229 = arith.addi %add3A_78, %add3A_228 : i32
        %mul3A_230 = arith.constant 128 : i32
        %mul3A_231 = arith.muli %add3A_229, %mul3A_230 : i32
        %dma_start3A_232 = arith.constant 0 : i32
        %dma_start3A_233 = arith.constant 0 : i32
        %dma_start3A_234 = arith.constant 0 : i32
        %dma_start3A_235 = tpu.memref_slice %arg9[%dma_start3A_232, %dma_start3A_233, %dma_start3A_234] : memref<2x128x128xf32, #tpu.memory_space<vmem>> -> memref<1x128x128xf32, #tpu.memory_space<vmem>>
        %dma_start3A_236 = tpu.memref_squeeze %dma_start3A_235 : memref<1x128x128xf32, #tpu.memory_space<vmem>> -> memref<128x128xf32, #tpu.memory_space<vmem>>
        %dma_start3A_237 = tpu.memref_slice %arg7[%mul3A_231] : memref<10240xi32, #tpu.memory_space<vmem>> -> memref<128xi32, #tpu.memory_space<vmem>>
        %dma_start3A_238 = arith.constant 0 : i32
        %dma_start3A_239 = arith.constant 0 : i32
        %dma_start3A_240 = tpu.memref_slice %arg2[%dma_start3A_238, %dma_start3A_239] : memref<20480x128xf32, #tpu.memory_space<hbm>> -> memref<20480x128xf32, #tpu.memory_space<hbm>>
        tpu.enqueue_indirect_dma source(%dma_start3A_240 : memref<20480x128xf32, #tpu.memory_space<hbm>>) target(%dma_start3A_236 : memref<128x128xf32, #tpu.memory_space<vmem>>) offsets(%dma_start3A_237 : memref<128xi32, #tpu.memory_space<vmem>>) semaphore(%arg10 : memref<!tpu.dma_semaphore, #tpu.memory_space<semaphore_mem>>)
        %add3A_241 = arith.constant 2 : i32
        %add3A_242 = arith.addi %add3A_78, %add3A_241 : i32
        %mul3A_243 = arith.constant 128 : i32
        %mul3A_244 = arith.muli %add3A_242, %mul3A_243 : i32
        %add3A_245 = arith.addi %mul3A_0, %mul3A_244 : i32
        %dma_start3A_246 = arith.constant 0 : i32
        %dma_start3A_247 = arith.constant 0 : i32
        %dma_start3A_248 = tpu.memref_slice %arg8[%dma_start3A_246, %dma_start3A_247] : memref<2x128xi32, #tpu.memory_space<vmem>> -> memref<1x128xi32, #tpu.memory_space<vmem>>
        %dma_start3A_249 = tpu.memref_squeeze %dma_start3A_248 : memref<1x128xi32, #tpu.memory_space<vmem>> -> memref<128xi32, #tpu.memory_space<vmem>>
        %dma_start3A_250 = tpu.memref_slice %arg4[%add3A_245] : memref<163840xi32, #tpu.memory_space<hbm>> -> memref<128xi32, #tpu.memory_space<hbm>>
        %dma_start3A_251 = arith.constant 0 : i32
        %dma_start3A_252 = tpu.memref_slice %arg8[%dma_start3A_246, %dma_start3A_251] : memref<2x128xi32, #tpu.memory_space<vmem>> -> memref<1x128xi32, #tpu.memory_space<vmem>>
        %dma_start3A_253 = tpu.memref_squeeze %dma_start3A_252 : memref<1x128xi32, #tpu.memory_space<vmem>> -> memref<128xi32, #tpu.memory_space<vmem>>
        %dma_start3A_254 = tpu.memref_slice %arg4[%add3A_245] : memref<163840xi32, #tpu.memory_space<hbm>> -> memref<128xi32, #tpu.memory_space<hbm>>
        tpu.enqueue_dma source(%dma_start3A_254 : memref<128xi32, #tpu.memory_space<hbm>>) target(%dma_start3A_253 : memref<128xi32, #tpu.memory_space<vmem>>) target_semaphore(%arg12 : memref<!tpu.dma_semaphore, #tpu.memory_space<semaphore_mem>>)
      } else {
      }
      %mul3A_150 = arith.constant 2 : i32
      %mul3A_151 = arith.muli %scan3A_74, %mul3A_150 : i32
      %add3A_152 = arith.constant 1 : i32
      %add3A_153 = arith.addi %mul3A_151, %add3A_152 : i32
      %dma_wait3A_154 = arith.constant 1 : i32
      %dma_wait3A_155 = arith.constant 0 : i32
      %dma_wait3A_156 = arith.constant 0 : i32
      %dma_wait3A_157 = tpu.memref_slice %arg9[%dma_wait3A_154, %dma_wait3A_155, %dma_wait3A_156] : memref<2x128x128xf32, #tpu.memory_space<vmem>> -> memref<1x128x128xf32, #tpu.memory_space<vmem>>
      %dma_wait3A_158 = tpu.memref_squeeze %dma_wait3A_157 : memref<1x128x128xf32, #tpu.memory_space<vmem>> -> memref<128x128xf32, #tpu.memory_space<vmem>>
      %dma_wait3A_159 = arith.constant 0 : i32
      %dma_wait3A_160 = tpu.memref_slice %arg7[%dma_wait3A_159] : memref<10240xi32, #tpu.memory_space<vmem>> -> memref<128xi32, #tpu.memory_space<vmem>>
      %dma_wait3A_161 = arith.constant 0 : i32
      %dma_wait3A_162 = arith.constant 0 : i32
      %dma_wait3A_163 = tpu.memref_slice %arg2[%dma_wait3A_161, %dma_wait3A_162] : memref<20480x128xf32, #tpu.memory_space<hbm>> -> memref<20480x128xf32, #tpu.memory_space<hbm>>
      tpu.wait_indirect_dma semaphore(%arg11 : memref<!tpu.dma_semaphore, #tpu.memory_space<semaphore_mem>>) src(%dma_wait3A_163 : memref<20480x128xf32, #tpu.memory_space<hbm>>) dst(%dma_wait3A_158 : memref<128x128xf32, #tpu.memory_space<vmem>>)
      %dma_wait3A_164 = arith.constant 1 : i32
      %dma_wait3A_165 = arith.constant 0 : i32
      %dma_wait3A_166 = tpu.memref_slice %arg8[%dma_wait3A_164, %dma_wait3A_165] : memref<2x128xi32, #tpu.memory_space<vmem>> -> memref<1x128xi32, #tpu.memory_space<vmem>>
      %dma_wait3A_167 = tpu.memref_squeeze %dma_wait3A_166 : memref<1x128xi32, #tpu.memory_space<vmem>> -> memref<128xi32, #tpu.memory_space<vmem>>
      %dma_wait3A_168 = tpu.memref_slice %arg4[%mul3A_0] : memref<163840xi32, #tpu.memory_space<hbm>> -> memref<128xi32, #tpu.memory_space<hbm>>
      %dma_wait3A_169 = arith.constant 0 : i32
      %dma_wait3A_170 = tpu.memref_slice %arg8[%dma_wait3A_164, %dma_wait3A_169] : memref<2x128xi32, #tpu.memory_space<vmem>> -> memref<1x128xi32, #tpu.memory_space<vmem>>
      %dma_wait3A_171 = tpu.memref_squeeze %dma_wait3A_170 : memref<1x128xi32, #tpu.memory_space<vmem>> -> memref<128xi32, #tpu.memory_space<vmem>>
      %dma_wait3A_172 = tpu.memref_slice %arg4[%mul3A_0] : memref<163840xi32, #tpu.memory_space<hbm>> -> memref<128xi32, #tpu.memory_space<hbm>>
      tpu.wait_dma2 semaphore(%arg13 : memref<!tpu.dma_semaphore, #tpu.memory_space<semaphore_mem>>) src(%dma_wait3A_172 : memref<128xi32, #tpu.memory_space<hbm>>) dst(%dma_wait3A_171 : memref<128xi32, #tpu.memory_space<vmem>>)
      %dma_start3A_173 = arith.constant 1 : i32
      %dma_start3A_174 = arith.constant 1 : i32
      %dma_start3A_175 = arith.constant 0 : i32
      %dma_start3A_176 = arith.constant 0 : i32
      %dma_start3A_177 = tpu.memref_slice %arg9[%dma_start3A_173, %dma_start3A_175, %dma_start3A_176] : memref<2x128x128xf32, #tpu.memory_space<vmem>> -> memref<1x64x128xf32, #tpu.memory_space<vmem>>
      %dma_start3A_178 = tpu.memref_squeeze %dma_start3A_177 : memref<1x64x128xf32, #tpu.memory_space<vmem>> -> memref<64x128xf32, #tpu.memory_space<vmem>>
      %dma_start3A_179 = arith.constant 0 : i32
      %dma_start3A_180 = tpu.memref_slice %arg8[%dma_start3A_174, %dma_start3A_179] : memref<2x128xi32, #tpu.memory_space<vmem>> -> memref<1x64xi32, #tpu.memory_space<vmem>>
      %dma_start3A_181 = tpu.memref_squeeze %dma_start3A_180 : memref<1x64xi32, #tpu.memory_space<vmem>> -> memref<64xi32, #tpu.memory_space<vmem>>
      %dma_start3A_182 = arith.constant 0 : i32
      %dma_start3A_183 = arith.constant 0 : i32
      %dma_start3A_184 = tpu.memref_slice %arg6[%dma_start3A_182, %dma_start3A_183] : memref<10240x128xf32, #tpu.memory_space<vmem_shared>> -> memref<10240x128xf32, #tpu.memory_space<vmem_shared>>
      tpu.enqueue_indirect_dma source(%dma_start3A_178 : memref<64x128xf32, #tpu.memory_space<vmem>>) target(%dma_start3A_184 : memref<10240x128xf32, #tpu.memory_space<vmem_shared>>) offsets(%dma_start3A_181 : memref<64xi32, #tpu.memory_space<vmem>>) semaphore(%arg15 : memref<!tpu.dma_semaphore, #tpu.memory_space<semaphore_mem>>) {add = true}
      %dma_start3A_185 = arith.constant 1 : i32
      %dma_start3A_186 = arith.constant 1 : i32
      %dma_start3A_187 = arith.constant 64 : i32
      %dma_start3A_188 = arith.constant 0 : i32
      %dma_start3A_189 = tpu.memref_slice %arg9[%dma_start3A_185, %dma_start3A_187, %dma_start3A_188] : memref<2x128x128xf32, #tpu.memory_space<vmem>> -> memref<1x64x128xf32, #tpu.memory_space<vmem>>
      %dma_start3A_190 = tpu.memref_squeeze %dma_start3A_189 : memref<1x64x128xf32, #tpu.memory_space<vmem>> -> memref<64x128xf32, #tpu.memory_space<vmem>>
      %dma_start3A_191 = arith.constant 64 : i32
      %dma_start3A_192 = tpu.memref_slice %arg8[%dma_start3A_186, %dma_start3A_191] : memref<2x128xi32, #tpu.memory_space<vmem>> -> memref<1x64xi32, #tpu.memory_space<vmem>>
      %dma_start3A_193 = tpu.memref_squeeze %dma_start3A_192 : memref<1x64xi32, #tpu.memory_space<vmem>> -> memref<64xi32, #tpu.memory_space<vmem>>
      %dma_start3A_194 = arith.constant 0 : i32
      %dma_start3A_195 = arith.constant 0 : i32
      %dma_start3A_196 = tpu.memref_slice %arg6[%dma_start3A_194, %dma_start3A_195] : memref<10240x128xf32, #tpu.memory_space<vmem_shared>> -> memref<10240x128xf32, #tpu.memory_space<vmem_shared>>
      tpu.enqueue_indirect_dma source(%dma_start3A_190 : memref<64x128xf32, #tpu.memory_space<vmem>>) target(%dma_start3A_196 : memref<10240x128xf32, #tpu.memory_space<vmem_shared>>) offsets(%dma_start3A_193 : memref<64xi32, #tpu.memory_space<vmem>>) semaphore(%arg16 : memref<!tpu.dma_semaphore, #tpu.memory_space<semaphore_mem>>) {add = true}
      %dma_wait3A_197 = arith.constant 1 : i32
      %dma_wait3A_198 = arith.constant 1 : i32
      %dma_wait3A_199 = arith.constant 0 : i32
      %dma_wait3A_200 = arith.constant 0 : i32
      %dma_wait3A_201 = tpu.memref_slice %arg9[%dma_wait3A_197, %dma_wait3A_199, %dma_wait3A_200] : memref<2x128x128xf32, #tpu.memory_space<vmem>> -> memref<1x64x128xf32, #tpu.memory_space<vmem>>
      %dma_wait3A_202 = tpu.memref_squeeze %dma_wait3A_201 : memref<1x64x128xf32, #tpu.memory_space<vmem>> -> memref<64x128xf32, #tpu.memory_space<vmem>>
      %dma_wait3A_203 = arith.constant 0 : i32
      %dma_wait3A_204 = tpu.memref_slice %arg8[%dma_wait3A_198, %dma_wait3A_203] : memref<2x128xi32, #tpu.memory_space<vmem>> -> memref<1x64xi32, #tpu.memory_space<vmem>>
      %dma_wait3A_205 = tpu.memref_squeeze %dma_wait3A_204 : memref<1x64xi32, #tpu.memory_space<vmem>> -> memref<64xi32, #tpu.memory_space<vmem>>
      %dma_wait3A_206 = arith.constant 0 : i32
      %dma_wait3A_207 = arith.constant 0 : i32
      %dma_wait3A_208 = tpu.memref_slice %arg6[%dma_wait3A_206, %dma_wait3A_207] : memref<10240x128xf32, #tpu.memory_space<vmem_shared>> -> memref<10240x128xf32, #tpu.memory_space<vmem_shared>>
      tpu.wait_indirect_dma semaphore(%arg15 : memref<!tpu.dma_semaphore, #tpu.memory_space<semaphore_mem>>) src(%dma_wait3A_202 : memref<64x128xf32, #tpu.memory_space<vmem>>) dst(%dma_wait3A_208 : memref<10240x128xf32, #tpu.memory_space<vmem_shared>>)
      %dma_wait3A_209 = arith.constant 1 : i32
      %dma_wait3A_210 = arith.constant 1 : i32
      %dma_wait3A_211 = arith.constant 64 : i32
      %dma_wait3A_212 = arith.constant 0 : i32
      %dma_wait3A_213 = tpu.memref_slice %arg9[%dma_wait3A_209, %dma_wait3A_211, %dma_wait3A_212] : memref<2x128x128xf32, #tpu.memory_space<vmem>> -> memref<1x64x128xf32, #tpu.memory_space<vmem>>
      %dma_wait3A_214 = tpu.memref_squeeze %dma_wait3A_213 : memref<1x64x128xf32, #tpu.memory_space<vmem>> -> memref<64x128xf32, #tpu.memory_space<vmem>>
      %dma_wait3A_215 = arith.constant 64 : i32
      %dma_wait3A_216 = tpu.memref_slice %arg8[%dma_wait3A_210, %dma_wait3A_215] : memref<2x128xi32, #tpu.memory_space<vmem>> -> memref<1x64xi32, #tpu.memory_space<vmem>>
      %dma_wait3A_217 = tpu.memref_squeeze %dma_wait3A_216 : memref<1x64xi32, #tpu.memory_space<vmem>> -> memref<64xi32, #tpu.memory_space<vmem>>
      %dma_wait3A_218 = arith.constant 0 : i32
      %dma_wait3A_219 = arith.constant 0 : i32
      %dma_wait3A_220 = tpu.memref_slice %arg6[%dma_wait3A_218, %dma_wait3A_219] : memref<10240x128xf32, #tpu.memory_space<vmem_shared>> -> memref<10240x128xf32, #tpu.memory_space<vmem_shared>>
      tpu.wait_indirect_dma semaphore(%arg16 : memref<!tpu.dma_semaphore, #tpu.memory_space<semaphore_mem>>) src(%dma_wait3A_214 : memref<64x128xf32, #tpu.memory_space<vmem>>) dst(%dma_wait3A_220 : memref<10240x128xf32, #tpu.memory_space<vmem_shared>>)
      %add3A_221 = arith.constant 2 : i32
      %add3A_222 = arith.addi %add3A_153, %add3A_221 : i32
      %lt3A_223 = arith.constant 80 : i32
      %lt3A_224 = arith.cmpi slt, %add3A_222, %lt3A_223 : i32
      %convert_element_type3A_225 = arith.extui %lt3A_224 : i1 to i32
      %cond3A_226 = arith.constant 0 : i32
      %cond3A_227 = arith.cmpi ne, %convert_element_type3A_225, %cond3A_226 : i32
      scf.if %cond3A_227 {
        %add3A_228 = arith.constant 2 : i32
        %add3A_229 = arith.addi %add3A_153, %add3A_228 : i32
        %mul3A_230 = arith.constant 128 : i32
        %mul3A_231 = arith.muli %add3A_229, %mul3A_230 : i32
        %dma_start3A_232 = arith.constant 1 : i32
        %dma_start3A_233 = arith.constant 0 : i32
        %dma_start3A_234 = arith.constant 0 : i32
        %dma_start3A_235 = tpu.memref_slice %arg9[%dma_start3A_232, %dma_start3A_233, %dma_start3A_234] : memref<2x128x128xf32, #tpu.memory_space<vmem>> -> memref<1x128x128xf32, #tpu.memory_space<vmem>>
        %dma_start3A_236 = tpu.memref_squeeze %dma_start3A_235 : memref<1x128x128xf32, #tpu.memory_space<vmem>> -> memref<128x128xf32, #tpu.memory_space<vmem>>
        %dma_start3A_237 = tpu.memref_slice %arg7[%mul3A_231] : memref<10240xi32, #tpu.memory_space<vmem>> -> memref<128xi32, #tpu.memory_space<vmem>>
        %dma_start3A_238 = arith.constant 0 : i32
        %dma_start3A_239 = arith.constant 0 : i32
        %dma_start3A_240 = tpu.memref_slice %arg2[%dma_start3A_238, %dma_start3A_239] : memref<20480x128xf32, #tpu.memory_space<hbm>> -> memref<20480x128xf32, #tpu.memory_space<hbm>>
        tpu.enqueue_indirect_dma source(%dma_start3A_240 : memref<20480x128xf32, #tpu.memory_space<hbm>>) target(%dma_start3A_236 : memref<128x128xf32, #tpu.memory_space<vmem>>) offsets(%dma_start3A_237 : memref<128xi32, #tpu.memory_space<vmem>>) semaphore(%arg11 : memref<!tpu.dma_semaphore, #tpu.memory_space<semaphore_mem>>)
        %add3A_241 = arith.constant 2 : i32
        %add3A_242 = arith.addi %add3A_153, %add3A_241 : i32
        %mul3A_243 = arith.constant 128 : i32
        %mul3A_244 = arith.muli %add3A_242, %mul3A_243 : i32
        %add3A_245 = arith.addi %mul3A_0, %mul3A_244 : i32
        %dma_start3A_246 = arith.constant 1 : i32
        %dma_start3A_247 = arith.constant 0 : i32
        %dma_start3A_248 = tpu.memref_slice %arg8[%dma_start3A_246, %dma_start3A_247] : memref<2x128xi32, #tpu.memory_space<vmem>> -> memref<1x128xi32, #tpu.memory_space<vmem>>
        %dma_start3A_249 = tpu.memref_squeeze %dma_start3A_248 : memref<1x128xi32, #tpu.memory_space<vmem>> -> memref<128xi32, #tpu.memory_space<vmem>>
        %dma_start3A_250 = tpu.memref_slice %arg4[%add3A_245] : memref<163840xi32, #tpu.memory_space<hbm>> -> memref<128xi32, #tpu.memory_space<hbm>>
        %dma_start3A_251 = arith.constant 0 : i32
        %dma_start3A_252 = tpu.memref_slice %arg8[%dma_start3A_246, %dma_start3A_251] : memref<2x128xi32, #tpu.memory_space<vmem>> -> memref<1x128xi32, #tpu.memory_space<vmem>>
        %dma_start3A_253 = tpu.memref_squeeze %dma_start3A_252 : memref<1x128xi32, #tpu.memory_space<vmem>> -> memref<128xi32, #tpu.memory_space<vmem>>
        %dma_start3A_254 = tpu.memref_slice %arg4[%add3A_245] : memref<163840xi32, #tpu.memory_space<hbm>> -> memref<128xi32, #tpu.memory_space<hbm>>
        tpu.enqueue_dma source(%dma_start3A_254 : memref<128xi32, #tpu.memory_space<hbm>>) target(%dma_start3A_253 : memref<128xi32, #tpu.memory_space<vmem>>) target_semaphore(%arg13 : memref<!tpu.dma_semaphore, #tpu.memory_space<semaphore_mem>>)
      } else {
      }
    }
    %scan3A_72 = arith.constant 40 : i32
    %barrier3A_73 = arith.constant 0 : index
    tpu.barrier barrier_id(%barrier3A_73)
    "tpu.region"() ({
      %run_scoped3A_74 = tpu.sem_alloc : memref<!tpu.dma_semaphore, #tpu.memory_space<semaphore_mem>>
      %dma_start3A_75 = arith.constant 0 : i32
      %dma_start3A_76 = tpu.memref_slice %arg5[%arg0, %mul3A_10, %dma_start3A_75] : memref<2x10240x128xf32, #tpu.memory_space<hbm>> -> memref<1x640x128xf32, #tpu.memory_space<hbm>>
      %dma_start3A_77 = tpu.memref_squeeze %dma_start3A_76 : memref<1x640x128xf32, #tpu.memory_space<hbm>> -> memref<640x128xf32, #tpu.memory_space<hbm>>
      %dma_start3A_78 = arith.constant 0 : i32
      %dma_start3A_79 = tpu.memref_slice %arg6[%mul3A_10, %dma_start3A_78] : memref<10240x128xf32, #tpu.memory_space<vmem_shared>> -> memref<640x128xf32, #tpu.memory_space<vmem_shared>>
      tpu.enqueue_dma source(%dma_start3A_79 : memref<640x128xf32, #tpu.memory_space<vmem_shared>>) target(%dma_start3A_77 : memref<640x128xf32, #tpu.memory_space<hbm>>) target_semaphore(%run_scoped3A_74 : memref<!tpu.dma_semaphore, #tpu.memory_space<semaphore_mem>>)
      %dma_wait3A_80 = arith.constant 0 : i32
      %dma_wait3A_81 = tpu.memref_slice %arg5[%arg0, %mul3A_10, %dma_wait3A_80] : memref<2x10240x128xf32, #tpu.memory_space<hbm>> -> memref<1x640x128xf32, #tpu.memory_space<hbm>>
      %dma_wait3A_82 = tpu.memref_squeeze %dma_wait3A_81 : memref<1x640x128xf32, #tpu.memory_space<hbm>> -> memref<640x128xf32, #tpu.memory_space<hbm>>
      %dma_wait3A_83 = arith.constant 0 : i32
      %dma_wait3A_84 = tpu.memref_slice %arg6[%mul3A_10, %dma_wait3A_83] : memref<10240x128xf32, #tpu.memory_space<vmem_shared>> -> memref<640x128xf32, #tpu.memory_space<vmem_shared>>
      tpu.wait_dma2 semaphore(%run_scoped3A_74 : memref<!tpu.dma_semaphore, #tpu.memory_space<semaphore_mem>>) src(%dma_wait3A_84 : memref<640x128xf32, #tpu.memory_space<vmem_shared>>) dst(%dma_wait3A_82 : memref<640x128xf32, #tpu.memory_space<hbm>>)
      tpu.yield
    }) : () -> ()
    return
  }
}

#map = affine_map<(d0, d1) -> (0)>
#map1 = affine_map<(d0, d1) -> (0, 0)>
module attributes {stable_mosaic.version = 14 : i64} {
  func.func @_deg_body(%arg0: i32, %arg1: i32, %arg2: memref<163840xi32, #tpu.memory_space<hbm>>, %arg3: memref<2x10240xf32, #tpu.memory_space<hbm>>, %arg4: memref<10240xf32, #tpu.memory_space<vmem_shared>>, %arg5: memref<128xf32, #tpu.memory_space<vmem>>, %arg6: memref<2x512xi32, #tpu.memory_space<vmem>>, %arg7: memref<640xf32, #tpu.memory_space<vmem>>, %arg8: memref<!tpu.dma_semaphore, #tpu.memory_space<semaphore_mem>>, %arg9: memref<!tpu.dma_semaphore, #tpu.memory_space<semaphore_mem>>) attributes {dimension_semantics = [#tpu.dimension_semantics<core_parallel>, #tpu.dimension_semantics<subcore_parallel>], iteration_bounds = array<i64: 2, 16>, scalar_prefetch = 0 : i64, scratch_operands = 6 : i64, tpu.core_type = #tpu.core_type<sc_vector_subcore>, window_params = [{transform_indices = #map}, {transform_indices = #map1}]} {
    %broadcast_in_dim3A = arith.constant 1.000000e+00 : f32
    %broadcast_in_dim3A_0 = vector.broadcast %broadcast_in_dim3A : f32 to vector<16xf32>
    %swap3A = arith.constant 0 : index
    %swap3A_1 = tpu.vector_load %arg5[%swap3A] {strides = array<i32>} : memref<128xf32, #tpu.memory_space<vmem>>, vector<16xf32>,
    %swap3A_2 = vector.shape_cast %swap3A_1 : vector<16xf32> to vector<16xf32>
    %swap3A_3 = vector.shape_cast %broadcast_in_dim3A_0 : vector<16xf32> to vector<16xf32>
    tpu.vector_store %arg5[%swap3A], %swap3A_3 {strides = array<i32>} : memref<128xf32, #tpu.memory_space<vmem>>, vector<16xf32>,
    %broadcast_in_dim3A_4 = arith.constant 1.000000e+00 : f32
    %broadcast_in_dim3A_5 = vector.broadcast %broadcast_in_dim3A_4 : f32 to vector<16xf32>
    %swap3A_6 = arith.constant 16 : index
    %swap3A_7 = tpu.vector_load %arg5[%swap3A_6] {strides = array<i32>} : memref<128xf32, #tpu.memory_space<vmem>>, vector<16xf32>,
    %swap3A_8 = vector.shape_cast %swap3A_7 : vector<16xf32> to vector<16xf32>
    %swap3A_9 = vector.shape_cast %broadcast_in_dim3A_5 : vector<16xf32> to vector<16xf32>
    tpu.vector_store %arg5[%swap3A_6], %swap3A_9 {strides = array<i32>} : memref<128xf32, #tpu.memory_space<vmem>>, vector<16xf32>,
    %broadcast_in_dim3A_10 = arith.constant 1.000000e+00 : f32
    %broadcast_in_dim3A_11 = vector.broadcast %broadcast_in_dim3A_10 : f32 to vector<16xf32>
    %swap3A_12 = arith.constant 32 : index
    %swap3A_13 = tpu.vector_load %arg5[%swap3A_12] {strides = array<i32>} : memref<128xf32, #tpu.memory_space<vmem>>, vector<16xf32>,
    %swap3A_14 = vector.shape_cast %swap3A_13 : vector<16xf32> to vector<16xf32>
    %swap3A_15 = vector.shape_cast %broadcast_in_dim3A_11 : vector<16xf32> to vector<16xf32>
    tpu.vector_store %arg5[%swap3A_12], %swap3A_15 {strides = array<i32>} : memref<128xf32, #tpu.memory_space<vmem>>, vector<16xf32>,
    %broadcast_in_dim3A_16 = arith.constant 1.000000e+00 : f32
    %broadcast_in_dim3A_17 = vector.broadcast %broadcast_in_dim3A_16 : f32 to vector<16xf32>
    %swap3A_18 = arith.constant 48 : index
    %swap3A_19 = tpu.vector_load %arg5[%swap3A_18] {strides = array<i32>} : memref<128xf32, #tpu.memory_space<vmem>>, vector<16xf32>,
    %swap3A_20 = vector.shape_cast %swap3A_19 : vector<16xf32> to vector<16xf32>
    %swap3A_21 = vector.shape_cast %broadcast_in_dim3A_17 : vector<16xf32> to vector<16xf32>
    tpu.vector_store %arg5[%swap3A_18], %swap3A_21 {strides = array<i32>} : memref<128xf32, #tpu.memory_space<vmem>>, vector<16xf32>,
    %broadcast_in_dim3A_22 = arith.constant 1.000000e+00 : f32
    %broadcast_in_dim3A_23 = vector.broadcast %broadcast_in_dim3A_22 : f32 to vector<16xf32>
    %swap3A_24 = arith.constant 64 : index
    %swap3A_25 = tpu.vector_load %arg5[%swap3A_24] {strides = array<i32>} : memref<128xf32, #tpu.memory_space<vmem>>, vector<16xf32>,
    %swap3A_26 = vector.shape_cast %swap3A_25 : vector<16xf32> to vector<16xf32>
    %swap3A_27 = vector.shape_cast %broadcast_in_dim3A_23 : vector<16xf32> to vector<16xf32>
    tpu.vector_store %arg5[%swap3A_24], %swap3A_27 {strides = array<i32>} : memref<128xf32, #tpu.memory_space<vmem>>, vector<16xf32>,
    %broadcast_in_dim3A_28 = arith.constant 1.000000e+00 : f32
    %broadcast_in_dim3A_29 = vector.broadcast %broadcast_in_dim3A_28 : f32 to vector<16xf32>
    %swap3A_30 = arith.constant 80 : index
    %swap3A_31 = tpu.vector_load %arg5[%swap3A_30] {strides = array<i32>} : memref<128xf32, #tpu.memory_space<vmem>>, vector<16xf32>,
    %swap3A_32 = vector.shape_cast %swap3A_31 : vector<16xf32> to vector<16xf32>
    %swap3A_33 = vector.shape_cast %broadcast_in_dim3A_29 : vector<16xf32> to vector<16xf32>
    tpu.vector_store %arg5[%swap3A_30], %swap3A_33 {strides = array<i32>} : memref<128xf32, #tpu.memory_space<vmem>>, vector<16xf32>,
    %broadcast_in_dim3A_34 = arith.constant 1.000000e+00 : f32
    %broadcast_in_dim3A_35 = vector.broadcast %broadcast_in_dim3A_34 : f32 to vector<16xf32>
    %swap3A_36 = arith.constant 96 : index
    %swap3A_37 = tpu.vector_load %arg5[%swap3A_36] {strides = array<i32>} : memref<128xf32, #tpu.memory_space<vmem>>, vector<16xf32>,
    %swap3A_38 = vector.shape_cast %swap3A_37 : vector<16xf32> to vector<16xf32>
    %swap3A_39 = vector.shape_cast %broadcast_in_dim3A_35 : vector<16xf32> to vector<16xf32>
    tpu.vector_store %arg5[%swap3A_36], %swap3A_39 {strides = array<i32>} : memref<128xf32, #tpu.memory_space<vmem>>, vector<16xf32>,
    %broadcast_in_dim3A_40 = arith.constant 1.000000e+00 : f32
    %broadcast_in_dim3A_41 = vector.broadcast %broadcast_in_dim3A_40 : f32 to vector<16xf32>
    %swap3A_42 = arith.constant 112 : index
    %swap3A_43 = tpu.vector_load %arg5[%swap3A_42] {strides = array<i32>} : memref<128xf32, #tpu.memory_space<vmem>>, vector<16xf32>,
    %swap3A_44 = vector.shape_cast %swap3A_43 : vector<16xf32> to vector<16xf32>
    %swap3A_45 = vector.shape_cast %broadcast_in_dim3A_41 : vector<16xf32> to vector<16xf32>
    tpu.vector_store %arg5[%swap3A_42], %swap3A_45 {strides = array<i32>} : memref<128xf32, #tpu.memory_space<vmem>>, vector<16xf32>,
    %broadcast_in_dim3A_46 = arith.constant 0.000000e+00 : f32
    %broadcast_in_dim3A_47 = vector.broadcast %broadcast_in_dim3A_46 : f32 to vector<16xf32>
    %swap3A_48 = arith.constant 0 : index
    %swap3A_49 = tpu.vector_load %arg7[%swap3A_48] {strides = array<i32>} : memref<640xf32, #tpu.memory_space<vmem>>, vector<16xf32>,
    %swap3A_50 = vector.shape_cast %swap3A_49 : vector<16xf32> to vector<16xf32>
    %swap3A_51 = vector.shape_cast %broadcast_in_dim3A_47 : vector<16xf32> to vector<16xf32>
    tpu.vector_store %arg7[%swap3A_48], %swap3A_51 {strides = array<i32>} : memref<640xf32, #tpu.memory_space<vmem>>, vector<16xf32>,
    %broadcast_in_dim3A_52 = arith.constant 0.000000e+00 : f32
    %broadcast_in_dim3A_53 = vector.broadcast %broadcast_in_dim3A_52 : f32 to vector<16xf32>
    %swap3A_54 = arith.constant 16 : index
    %swap3A_55 = tpu.vector_load %arg7[%swap3A_54] {strides = array<i32>} : memref<640xf32, #tpu.memory_space<vmem>>, vector<16xf32>,
    %swap3A_56 = vector.shape_cast %swap3A_55 : vector<16xf32> to vector<16xf32>
    %swap3A_57 = vector.shape_cast %broadcast_in_dim3A_53 : vector<16xf32> to vector<16xf32>
    tpu.vector_store %arg7[%swap3A_54], %swap3A_57 {strides = array<i32>} : memref<640xf32, #tpu.memory_space<vmem>>, vector<16xf32>,
    %broadcast_in_dim3A_58 = arith.constant 0.000000e+00 : f32
    %broadcast_in_dim3A_59 = vector.broadcast %broadcast_in_dim3A_58 : f32 to vector<16xf32>
    %swap3A_60 = arith.constant 32 : index
    %swap3A_61 = tpu.vector_load %arg7[%swap3A_60] {strides = array<i32>} : memref<640xf32, #tpu.memory_space<vmem>>, vector<16xf32>,
    %swap3A_62 = vector.shape_cast %swap3A_61 : vector<16xf32> to vector<16xf32>
    %swap3A_63 = vector.shape_cast %broadcast_in_dim3A_59 : vector<16xf32> to vector<16xf32>
    tpu.vector_store %arg7[%swap3A_60], %swap3A_63 {strides = array<i32>} : memref<640xf32, #tpu.memory_space<vmem>>, vector<16xf32>,
    %broadcast_in_dim3A_64 = arith.constant 0.000000e+00 : f32
    %broadcast_in_dim3A_65 = vector.broadcast %broadcast_in_dim3A_64 : f32 to vector<16xf32>
    %swap3A_66 = arith.constant 48 : index
    %swap3A_67 = tpu.vector_load %arg7[%swap3A_66] {strides = array<i32>} : memref<640xf32, #tpu.memory_space<vmem>>, vector<16xf32>,
    %swap3A_68 = vector.shape_cast %swap3A_67 : vector<16xf32> to vector<16xf32>
    %swap3A_69 = vector.shape_cast %broadcast_in_dim3A_65 : vector<16xf32> to vector<16xf32>
    tpu.vector_store %arg7[%swap3A_66], %swap3A_69 {strides = array<i32>} : memref<640xf32, #tpu.memory_space<vmem>>, vector<16xf32>,
    %broadcast_in_dim3A_70 = arith.constant 0.000000e+00 : f32
    %broadcast_in_dim3A_71 = vector.broadcast %broadcast_in_dim3A_70 : f32 to vector<16xf32>
    %swap3A_72 = arith.constant 64 : index
    %swap3A_73 = tpu.vector_load %arg7[%swap3A_72] {strides = array<i32>} : memref<640xf32, #tpu.memory_space<vmem>>, vector<16xf32>,
    %swap3A_74 = vector.shape_cast %swap3A_73 : vector<16xf32> to vector<16xf32>
    %swap3A_75 = vector.shape_cast %broadcast_in_dim3A_71 : vector<16xf32> to vector<16xf32>
    tpu.vector_store %arg7[%swap3A_72], %swap3A_75 {strides = array<i32>} : memref<640xf32, #tpu.memory_space<vmem>>, vector<16xf32>,
    %broadcast_in_dim3A_76 = arith.constant 0.000000e+00 : f32
    %broadcast_in_dim3A_77 = vector.broadcast %broadcast_in_dim3A_76 : f32 to vector<16xf32>
    %swap3A_78 = arith.constant 80 : index
    %swap3A_79 = tpu.vector_load %arg7[%swap3A_78] {strides = array<i32>} : memref<640xf32, #tpu.memory_space<vmem>>, vector<16xf32>,
    %swap3A_80 = vector.shape_cast %swap3A_79 : vector<16xf32> to vector<16xf32>
    %swap3A_81 = vector.shape_cast %broadcast_in_dim3A_77 : vector<16xf32> to vector<16xf32>
    tpu.vector_store %arg7[%swap3A_78], %swap3A_81 {strides = array<i32>} : memref<640xf32, #tpu.memory_space<vmem>>, vector<16xf32>,
    %broadcast_in_dim3A_82 = arith.constant 0.000000e+00 : f32
    %broadcast_in_dim3A_83 = vector.broadcast %broadcast_in_dim3A_82 : f32 to vector<16xf32>
    %swap3A_84 = arith.constant 96 : index
    %swap3A_85 = tpu.vector_load %arg7[%swap3A_84] {strides = array<i32>} : memref<640xf32, #tpu.memory_space<vmem>>, vector<16xf32>,
    %swap3A_86 = vector.shape_cast %swap3A_85 : vector<16xf32> to vector<16xf32>
    %swap3A_87 = vector.shape_cast %broadcast_in_dim3A_83 : vector<16xf32> to vector<16xf32>
    tpu.vector_store %arg7[%swap3A_84], %swap3A_87 {strides = array<i32>} : memref<640xf32, #tpu.memory_space<vmem>>, vector<16xf32>,
    %broadcast_in_dim3A_88 = arith.constant 0.000000e+00 : f32
    %broadcast_in_dim3A_89 = vector.broadcast %broadcast_in_dim3A_88 : f32 to vector<16xf32>
    %swap3A_90 = arith.constant 112 : index
    %swap3A_91 = tpu.vector_load %arg7[%swap3A_90] {strides = array<i32>} : memref<640xf32, #tpu.memory_space<vmem>>, vector<16xf32>,
    %swap3A_92 = vector.shape_cast %swap3A_91 : vector<16xf32> to vector<16xf32>
    %swap3A_93 = vector.shape_cast %broadcast_in_dim3A_89 : vector<16xf32> to vector<16xf32>
    tpu.vector_store %arg7[%swap3A_90], %swap3A_93 {strides = array<i32>} : memref<640xf32, #tpu.memory_space<vmem>>, vector<16xf32>,
    %broadcast_in_dim3A_94 = arith.constant 0.000000e+00 : f32
    %broadcast_in_dim3A_95 = vector.broadcast %broadcast_in_dim3A_94 : f32 to vector<16xf32>
    %swap3A_96 = arith.constant 128 : index
    %swap3A_97 = tpu.vector_load %arg7[%swap3A_96] {strides = array<i32>} : memref<640xf32, #tpu.memory_space<vmem>>, vector<16xf32>,
    %swap3A_98 = vector.shape_cast %swap3A_97 : vector<16xf32> to vector<16xf32>
    %swap3A_99 = vector.shape_cast %broadcast_in_dim3A_95 : vector<16xf32> to vector<16xf32>
    tpu.vector_store %arg7[%swap3A_96], %swap3A_99 {strides = array<i32>} : memref<640xf32, #tpu.memory_space<vmem>>, vector<16xf32>,
    %broadcast_in_dim3A_100 = arith.constant 0.000000e+00 : f32
    %broadcast_in_dim3A_101 = vector.broadcast %broadcast_in_dim3A_100 : f32 to vector<16xf32>
    %swap3A_102 = arith.constant 144 : index
    %swap3A_103 = tpu.vector_load %arg7[%swap3A_102] {strides = array<i32>} : memref<640xf32, #tpu.memory_space<vmem>>, vector<16xf32>,
    %swap3A_104 = vector.shape_cast %swap3A_103 : vector<16xf32> to vector<16xf32>
    %swap3A_105 = vector.shape_cast %broadcast_in_dim3A_101 : vector<16xf32> to vector<16xf32>
    tpu.vector_store %arg7[%swap3A_102], %swap3A_105 {strides = array<i32>} : memref<640xf32, #tpu.memory_space<vmem>>, vector<16xf32>,
    %broadcast_in_dim3A_106 = arith.constant 0.000000e+00 : f32
    %broadcast_in_dim3A_107 = vector.broadcast %broadcast_in_dim3A_106 : f32 to vector<16xf32>
    %swap3A_108 = arith.constant 160 : index
    %swap3A_109 = tpu.vector_load %arg7[%swap3A_108] {strides = array<i32>} : memref<640xf32, #tpu.memory_space<vmem>>, vector<16xf32>,
    %swap3A_110 = vector.shape_cast %swap3A_109 : vector<16xf32> to vector<16xf32>
    %swap3A_111 = vector.shape_cast %broadcast_in_dim3A_107 : vector<16xf32> to vector<16xf32>
    tpu.vector_store %arg7[%swap3A_108], %swap3A_111 {strides = array<i32>} : memref<640xf32, #tpu.memory_space<vmem>>, vector<16xf32>,
    %broadcast_in_dim3A_112 = arith.constant 0.000000e+00 : f32
    %broadcast_in_dim3A_113 = vector.broadcast %broadcast_in_dim3A_112 : f32 to vector<16xf32>
    %swap3A_114 = arith.constant 176 : index
    %swap3A_115 = tpu.vector_load %arg7[%swap3A_114] {strides = array<i32>} : memref<640xf32, #tpu.memory_space<vmem>>, vector<16xf32>,
    %swap3A_116 = vector.shape_cast %swap3A_115 : vector<16xf32> to vector<16xf32>
    %swap3A_117 = vector.shape_cast %broadcast_in_dim3A_113 : vector<16xf32> to vector<16xf32>
    tpu.vector_store %arg7[%swap3A_114], %swap3A_117 {strides = array<i32>} : memref<640xf32, #tpu.memory_space<vmem>>, vector<16xf32>,
    %broadcast_in_dim3A_118 = arith.constant 0.000000e+00 : f32
    %broadcast_in_dim3A_119 = vector.broadcast %broadcast_in_dim3A_118 : f32 to vector<16xf32>
    %swap3A_120 = arith.constant 192 : index
    %swap3A_121 = tpu.vector_load %arg7[%swap3A_120] {strides = array<i32>} : memref<640xf32, #tpu.memory_space<vmem>>, vector<16xf32>,
    %swap3A_122 = vector.shape_cast %swap3A_121 : vector<16xf32> to vector<16xf32>
    %swap3A_123 = vector.shape_cast %broadcast_in_dim3A_119 : vector<16xf32> to vector<16xf32>
    tpu.vector_store %arg7[%swap3A_120], %swap3A_123 {strides = array<i32>} : memref<640xf32, #tpu.memory_space<vmem>>, vector<16xf32>,
    %broadcast_in_dim3A_124 = arith.constant 0.000000e+00 : f32
    %broadcast_in_dim3A_125 = vector.broadcast %broadcast_in_dim3A_124 : f32 to vector<16xf32>
    %swap3A_126 = arith.constant 208 : index
    %swap3A_127 = tpu.vector_load %arg7[%swap3A_126] {strides = array<i32>} : memref<640xf32, #tpu.memory_space<vmem>>, vector<16xf32>,
    %swap3A_128 = vector.shape_cast %swap3A_127 : vector<16xf32> to vector<16xf32>
    %swap3A_129 = vector.shape_cast %broadcast_in_dim3A_125 : vector<16xf32> to vector<16xf32>
    tpu.vector_store %arg7[%swap3A_126], %swap3A_129 {strides = array<i32>} : memref<640xf32, #tpu.memory_space<vmem>>, vector<16xf32>,
    %broadcast_in_dim3A_130 = arith.constant 0.000000e+00 : f32
    %broadcast_in_dim3A_131 = vector.broadcast %broadcast_in_dim3A_130 : f32 to vector<16xf32>
    %swap3A_132 = arith.constant 224 : index
    %swap3A_133 = tpu.vector_load %arg7[%swap3A_132] {strides = array<i32>} : memref<640xf32, #tpu.memory_space<vmem>>, vector<16xf32>,
    %swap3A_134 = vector.shape_cast %swap3A_133 : vector<16xf32> to vector<16xf32>
    %swap3A_135 = vector.shape_cast %broadcast_in_dim3A_131 : vector<16xf32> to vector<16xf32>
    tpu.vector_store %arg7[%swap3A_132], %swap3A_135 {strides = array<i32>} : memref<640xf32, #tpu.memory_space<vmem>>, vector<16xf32>,
    %broadcast_in_dim3A_136 = arith.constant 0.000000e+00 : f32
    %broadcast_in_dim3A_137 = vector.broadcast %broadcast_in_dim3A_136 : f32 to vector<16xf32>
    %swap3A_138 = arith.constant 240 : index
    %swap3A_139 = tpu.vector_load %arg7[%swap3A_138] {strides = array<i32>} : memref<640xf32, #tpu.memory_space<vmem>>, vector<16xf32>,
    %swap3A_140 = vector.shape_cast %swap3A_139 : vector<16xf32> to vector<16xf32>
    %swap3A_141 = vector.shape_cast %broadcast_in_dim3A_137 : vector<16xf32> to vector<16xf32>
    tpu.vector_store %arg7[%swap3A_138], %swap3A_141 {strides = array<i32>} : memref<640xf32, #tpu.memory_space<vmem>>, vector<16xf32>,
    %broadcast_in_dim3A_142 = arith.constant 0.000000e+00 : f32
    %broadcast_in_dim3A_143 = vector.broadcast %broadcast_in_dim3A_142 : f32 to vector<16xf32>
    %swap3A_144 = arith.constant 256 : index
    %swap3A_145 = tpu.vector_load %arg7[%swap3A_144] {strides = array<i32>} : memref<640xf32, #tpu.memory_space<vmem>>, vector<16xf32>,
    %swap3A_146 = vector.shape_cast %swap3A_145 : vector<16xf32> to vector<16xf32>
    %swap3A_147 = vector.shape_cast %broadcast_in_dim3A_143 : vector<16xf32> to vector<16xf32>
    tpu.vector_store %arg7[%swap3A_144], %swap3A_147 {strides = array<i32>} : memref<640xf32, #tpu.memory_space<vmem>>, vector<16xf32>,
    %broadcast_in_dim3A_148 = arith.constant 0.000000e+00 : f32
    %broadcast_in_dim3A_149 = vector.broadcast %broadcast_in_dim3A_148 : f32 to vector<16xf32>
    %swap3A_150 = arith.constant 272 : index
    %swap3A_151 = tpu.vector_load %arg7[%swap3A_150] {strides = array<i32>} : memref<640xf32, #tpu.memory_space<vmem>>, vector<16xf32>,
    %swap3A_152 = vector.shape_cast %swap3A_151 : vector<16xf32> to vector<16xf32>
    %swap3A_153 = vector.shape_cast %broadcast_in_dim3A_149 : vector<16xf32> to vector<16xf32>
    tpu.vector_store %arg7[%swap3A_150], %swap3A_153 {strides = array<i32>} : memref<640xf32, #tpu.memory_space<vmem>>, vector<16xf32>,
    %broadcast_in_dim3A_154 = arith.constant 0.000000e+00 : f32
    %broadcast_in_dim3A_155 = vector.broadcast %broadcast_in_dim3A_154 : f32 to vector<16xf32>
    %swap3A_156 = arith.constant 288 : index
    %swap3A_157 = tpu.vector_load %arg7[%swap3A_156] {strides = array<i32>} : memref<640xf32, #tpu.memory_space<vmem>>, vector<16xf32>,
    %swap3A_158 = vector.shape_cast %swap3A_157 : vector<16xf32> to vector<16xf32>
    %swap3A_159 = vector.shape_cast %broadcast_in_dim3A_155 : vector<16xf32> to vector<16xf32>
    tpu.vector_store %arg7[%swap3A_156], %swap3A_159 {strides = array<i32>} : memref<640xf32, #tpu.memory_space<vmem>>, vector<16xf32>,
    %broadcast_in_dim3A_160 = arith.constant 0.000000e+00 : f32
    %broadcast_in_dim3A_161 = vector.broadcast %broadcast_in_dim3A_160 : f32 to vector<16xf32>
    %swap3A_162 = arith.constant 304 : index
    %swap3A_163 = tpu.vector_load %arg7[%swap3A_162] {strides = array<i32>} : memref<640xf32, #tpu.memory_space<vmem>>, vector<16xf32>,
    %swap3A_164 = vector.shape_cast %swap3A_163 : vector<16xf32> to vector<16xf32>
    %swap3A_165 = vector.shape_cast %broadcast_in_dim3A_161 : vector<16xf32> to vector<16xf32>
    tpu.vector_store %arg7[%swap3A_162], %swap3A_165 {strides = array<i32>} : memref<640xf32, #tpu.memory_space<vmem>>, vector<16xf32>,
    %broadcast_in_dim3A_166 = arith.constant 0.000000e+00 : f32
    %broadcast_in_dim3A_167 = vector.broadcast %broadcast_in_dim3A_166 : f32 to vector<16xf32>
    %swap3A_168 = arith.constant 320 : index
    %swap3A_169 = tpu.vector_load %arg7[%swap3A_168] {strides = array<i32>} : memref<640xf32, #tpu.memory_space<vmem>>, vector<16xf32>,
    %swap3A_170 = vector.shape_cast %swap3A_169 : vector<16xf32> to vector<16xf32>
    %swap3A_171 = vector.shape_cast %broadcast_in_dim3A_167 : vector<16xf32> to vector<16xf32>
    tpu.vector_store %arg7[%swap3A_168], %swap3A_171 {strides = array<i32>} : memref<640xf32, #tpu.memory_space<vmem>>, vector<16xf32>,
    %broadcast_in_dim3A_172 = arith.constant 0.000000e+00 : f32
    %broadcast_in_dim3A_173 = vector.broadcast %broadcast_in_dim3A_172 : f32 to vector<16xf32>
    %swap3A_174 = arith.constant 336 : index
    %swap3A_175 = tpu.vector_load %arg7[%swap3A_174] {strides = array<i32>} : memref<640xf32, #tpu.memory_space<vmem>>, vector<16xf32>,
    %swap3A_176 = vector.shape_cast %swap3A_175 : vector<16xf32> to vector<16xf32>
    %swap3A_177 = vector.shape_cast %broadcast_in_dim3A_173 : vector<16xf32> to vector<16xf32>
    tpu.vector_store %arg7[%swap3A_174], %swap3A_177 {strides = array<i32>} : memref<640xf32, #tpu.memory_space<vmem>>, vector<16xf32>,
    %broadcast_in_dim3A_178 = arith.constant 0.000000e+00 : f32
    %broadcast_in_dim3A_179 = vector.broadcast %broadcast_in_dim3A_178 : f32 to vector<16xf32>
    %swap3A_180 = arith.constant 352 : index
    %swap3A_181 = tpu.vector_load %arg7[%swap3A_180] {strides = array<i32>} : memref<640xf32, #tpu.memory_space<vmem>>, vector<16xf32>,
    %swap3A_182 = vector.shape_cast %swap3A_181 : vector<16xf32> to vector<16xf32>
    %swap3A_183 = vector.shape_cast %broadcast_in_dim3A_179 : vector<16xf32> to vector<16xf32>
    tpu.vector_store %arg7[%swap3A_180], %swap3A_183 {strides = array<i32>} : memref<640xf32, #tpu.memory_space<vmem>>, vector<16xf32>,
    %broadcast_in_dim3A_184 = arith.constant 0.000000e+00 : f32
    %broadcast_in_dim3A_185 = vector.broadcast %broadcast_in_dim3A_184 : f32 to vector<16xf32>
    %swap3A_186 = arith.constant 368 : index
    %swap3A_187 = tpu.vector_load %arg7[%swap3A_186] {strides = array<i32>} : memref<640xf32, #tpu.memory_space<vmem>>, vector<16xf32>,
    %swap3A_188 = vector.shape_cast %swap3A_187 : vector<16xf32> to vector<16xf32>
    %swap3A_189 = vector.shape_cast %broadcast_in_dim3A_185 : vector<16xf32> to vector<16xf32>
    tpu.vector_store %arg7[%swap3A_186], %swap3A_189 {strides = array<i32>} : memref<640xf32, #tpu.memory_space<vmem>>, vector<16xf32>,
    %broadcast_in_dim3A_190 = arith.constant 0.000000e+00 : f32
    %broadcast_in_dim3A_191 = vector.broadcast %broadcast_in_dim3A_190 : f32 to vector<16xf32>
    %swap3A_192 = arith.constant 384 : index
    %swap3A_193 = tpu.vector_load %arg7[%swap3A_192] {strides = array<i32>} : memref<640xf32, #tpu.memory_space<vmem>>, vector<16xf32>,
    %swap3A_194 = vector.shape_cast %swap3A_193 : vector<16xf32> to vector<16xf32>
    %swap3A_195 = vector.shape_cast %broadcast_in_dim3A_191 : vector<16xf32> to vector<16xf32>
    tpu.vector_store %arg7[%swap3A_192], %swap3A_195 {strides = array<i32>} : memref<640xf32, #tpu.memory_space<vmem>>, vector<16xf32>,
    %broadcast_in_dim3A_196 = arith.constant 0.000000e+00 : f32
    %broadcast_in_dim3A_197 = vector.broadcast %broadcast_in_dim3A_196 : f32 to vector<16xf32>
    %swap3A_198 = arith.constant 400 : index
    %swap3A_199 = tpu.vector_load %arg7[%swap3A_198] {strides = array<i32>} : memref<640xf32, #tpu.memory_space<vmem>>, vector<16xf32>,
    %swap3A_200 = vector.shape_cast %swap3A_199 : vector<16xf32> to vector<16xf32>
    %swap3A_201 = vector.shape_cast %broadcast_in_dim3A_197 : vector<16xf32> to vector<16xf32>
    tpu.vector_store %arg7[%swap3A_198], %swap3A_201 {strides = array<i32>} : memref<640xf32, #tpu.memory_space<vmem>>, vector<16xf32>,
    %broadcast_in_dim3A_202 = arith.constant 0.000000e+00 : f32
    %broadcast_in_dim3A_203 = vector.broadcast %broadcast_in_dim3A_202 : f32 to vector<16xf32>
    %swap3A_204 = arith.constant 416 : index
    %swap3A_205 = tpu.vector_load %arg7[%swap3A_204] {strides = array<i32>} : memref<640xf32, #tpu.memory_space<vmem>>, vector<16xf32>,
    %swap3A_206 = vector.shape_cast %swap3A_205 : vector<16xf32> to vector<16xf32>
    %swap3A_207 = vector.shape_cast %broadcast_in_dim3A_203 : vector<16xf32> to vector<16xf32>
    tpu.vector_store %arg7[%swap3A_204], %swap3A_207 {strides = array<i32>} : memref<640xf32, #tpu.memory_space<vmem>>, vector<16xf32>,
    %broadcast_in_dim3A_208 = arith.constant 0.000000e+00 : f32
    %broadcast_in_dim3A_209 = vector.broadcast %broadcast_in_dim3A_208 : f32 to vector<16xf32>
    %swap3A_210 = arith.constant 432 : index
    %swap3A_211 = tpu.vector_load %arg7[%swap3A_210] {strides = array<i32>} : memref<640xf32, #tpu.memory_space<vmem>>, vector<16xf32>,
    %swap3A_212 = vector.shape_cast %swap3A_211 : vector<16xf32> to vector<16xf32>
    %swap3A_213 = vector.shape_cast %broadcast_in_dim3A_209 : vector<16xf32> to vector<16xf32>
    tpu.vector_store %arg7[%swap3A_210], %swap3A_213 {strides = array<i32>} : memref<640xf32, #tpu.memory_space<vmem>>, vector<16xf32>,
    %broadcast_in_dim3A_214 = arith.constant 0.000000e+00 : f32
    %broadcast_in_dim3A_215 = vector.broadcast %broadcast_in_dim3A_214 : f32 to vector<16xf32>
    %swap3A_216 = arith.constant 448 : index
    %swap3A_217 = tpu.vector_load %arg7[%swap3A_216] {strides = array<i32>} : memref<640xf32, #tpu.memory_space<vmem>>, vector<16xf32>,
    %swap3A_218 = vector.shape_cast %swap3A_217 : vector<16xf32> to vector<16xf32>
    %swap3A_219 = vector.shape_cast %broadcast_in_dim3A_215 : vector<16xf32> to vector<16xf32>
    tpu.vector_store %arg7[%swap3A_216], %swap3A_219 {strides = array<i32>} : memref<640xf32, #tpu.memory_space<vmem>>, vector<16xf32>,
    %broadcast_in_dim3A_220 = arith.constant 0.000000e+00 : f32
    %broadcast_in_dim3A_221 = vector.broadcast %broadcast_in_dim3A_220 : f32 to vector<16xf32>
    %swap3A_222 = arith.constant 464 : index
    %swap3A_223 = tpu.vector_load %arg7[%swap3A_222] {strides = array<i32>} : memref<640xf32, #tpu.memory_space<vmem>>, vector<16xf32>,
    %swap3A_224 = vector.shape_cast %swap3A_223 : vector<16xf32> to vector<16xf32>
    %swap3A_225 = vector.shape_cast %broadcast_in_dim3A_221 : vector<16xf32> to vector<16xf32>
    tpu.vector_store %arg7[%swap3A_222], %swap3A_225 {strides = array<i32>} : memref<640xf32, #tpu.memory_space<vmem>>, vector<16xf32>,
    %broadcast_in_dim3A_226 = arith.constant 0.000000e+00 : f32
    %broadcast_in_dim3A_227 = vector.broadcast %broadcast_in_dim3A_226 : f32 to vector<16xf32>
    %swap3A_228 = arith.constant 480 : index
    %swap3A_229 = tpu.vector_load %arg7[%swap3A_228] {strides = array<i32>} : memref<640xf32, #tpu.memory_space<vmem>>, vector<16xf32>,
    %swap3A_230 = vector.shape_cast %swap3A_229 : vector<16xf32> to vector<16xf32>
    %swap3A_231 = vector.shape_cast %broadcast_in_dim3A_227 : vector<16xf32> to vector<16xf32>
    tpu.vector_store %arg7[%swap3A_228], %swap3A_231 {strides = array<i32>} : memref<640xf32, #tpu.memory_space<vmem>>, vector<16xf32>,
    %broadcast_in_dim3A_232 = arith.constant 0.000000e+00 : f32
    %broadcast_in_dim3A_233 = vector.broadcast %broadcast_in_dim3A_232 : f32 to vector<16xf32>
    %swap3A_234 = arith.constant 496 : index
    %swap3A_235 = tpu.vector_load %arg7[%swap3A_234] {strides = array<i32>} : memref<640xf32, #tpu.memory_space<vmem>>, vector<16xf32>,
    %swap3A_236 = vector.shape_cast %swap3A_235 : vector<16xf32> to vector<16xf32>
    %swap3A_237 = vector.shape_cast %broadcast_in_dim3A_233 : vector<16xf32> to vector<16xf32>
    tpu.vector_store %arg7[%swap3A_234], %swap3A_237 {strides = array<i32>} : memref<640xf32, #tpu.memory_space<vmem>>, vector<16xf32>,
    %broadcast_in_dim3A_238 = arith.constant 0.000000e+00 : f32
    %broadcast_in_dim3A_239 = vector.broadcast %broadcast_in_dim3A_238 : f32 to vector<16xf32>
    %swap3A_240 = arith.constant 512 : index
    %swap3A_241 = tpu.vector_load %arg7[%swap3A_240] {strides = array<i32>} : memref<640xf32, #tpu.memory_space<vmem>>, vector<16xf32>,
    %swap3A_242 = vector.shape_cast %swap3A_241 : vector<16xf32> to vector<16xf32>
    %swap3A_243 = vector.shape_cast %broadcast_in_dim3A_239 : vector<16xf32> to vector<16xf32>
    tpu.vector_store %arg7[%swap3A_240], %swap3A_243 {strides = array<i32>} : memref<640xf32, #tpu.memory_space<vmem>>, vector<16xf32>,
    %broadcast_in_dim3A_244 = arith.constant 0.000000e+00 : f32
    %broadcast_in_dim3A_245 = vector.broadcast %broadcast_in_dim3A_244 : f32 to vector<16xf32>
    %swap3A_246 = arith.constant 528 : index
    %swap3A_247 = tpu.vector_load %arg7[%swap3A_246] {strides = array<i32>} : memref<640xf32, #tpu.memory_space<vmem>>, vector<16xf32>,
    %swap3A_248 = vector.shape_cast %swap3A_247 : vector<16xf32> to vector<16xf32>
    %swap3A_249 = vector.shape_cast %broadcast_in_dim3A_245 : vector<16xf32> to vector<16xf32>
    tpu.vector_store %arg7[%swap3A_246], %swap3A_249 {strides = array<i32>} : memref<640xf32, #tpu.memory_space<vmem>>, vector<16xf32>,
    %broadcast_in_dim3A_250 = arith.constant 0.000000e+00 : f32
    %broadcast_in_dim3A_251 = vector.broadcast %broadcast_in_dim3A_250 : f32 to vector<16xf32>
    %swap3A_252 = arith.constant 544 : index
    %swap3A_253 = tpu.vector_load %arg7[%swap3A_252] {strides = array<i32>} : memref<640xf32, #tpu.memory_space<vmem>>, vector<16xf32>,
    %swap3A_254 = vector.shape_cast %swap3A_253 : vector<16xf32> to vector<16xf32>
    %swap3A_255 = vector.shape_cast %broadcast_in_dim3A_251 : vector<16xf32> to vector<16xf32>
    tpu.vector_store %arg7[%swap3A_252], %swap3A_255 {strides = array<i32>} : memref<640xf32, #tpu.memory_space<vmem>>, vector<16xf32>,
    %broadcast_in_dim3A_256 = arith.constant 0.000000e+00 : f32
    %broadcast_in_dim3A_257 = vector.broadcast %broadcast_in_dim3A_256 : f32 to vector<16xf32>
    %swap3A_258 = arith.constant 560 : index
    %swap3A_259 = tpu.vector_load %arg7[%swap3A_258] {strides = array<i32>} : memref<640xf32, #tpu.memory_space<vmem>>, vector<16xf32>,
    %swap3A_260 = vector.shape_cast %swap3A_259 : vector<16xf32> to vector<16xf32>
    %swap3A_261 = vector.shape_cast %broadcast_in_dim3A_257 : vector<16xf32> to vector<16xf32>
    tpu.vector_store %arg7[%swap3A_258], %swap3A_261 {strides = array<i32>} : memref<640xf32, #tpu.memory_space<vmem>>, vector<16xf32>,
    %broadcast_in_dim3A_262 = arith.constant 0.000000e+00 : f32
    %broadcast_in_dim3A_263 = vector.broadcast %broadcast_in_dim3A_262 : f32 to vector<16xf32>
    %swap3A_264 = arith.constant 576 : index
    %swap3A_265 = tpu.vector_load %arg7[%swap3A_264] {strides = array<i32>} : memref<640xf32, #tpu.memory_space<vmem>>, vector<16xf32>,
    %swap3A_266 = vector.shape_cast %swap3A_265 : vector<16xf32> to vector<16xf32>
    %swap3A_267 = vector.shape_cast %broadcast_in_dim3A_263 : vector<16xf32> to vector<16xf32>
    tpu.vector_store %arg7[%swap3A_264], %swap3A_267 {strides = array<i32>} : memref<640xf32, #tpu.memory_space<vmem>>, vector<16xf32>,
    %broadcast_in_dim3A_268 = arith.constant 0.000000e+00 : f32
    %broadcast_in_dim3A_269 = vector.broadcast %broadcast_in_dim3A_268 : f32 to vector<16xf32>
    %swap3A_270 = arith.constant 592 : index
    %swap3A_271 = tpu.vector_load %arg7[%swap3A_270] {strides = array<i32>} : memref<640xf32, #tpu.memory_space<vmem>>, vector<16xf32>,
    %swap3A_272 = vector.shape_cast %swap3A_271 : vector<16xf32> to vector<16xf32>
    %swap3A_273 = vector.shape_cast %broadcast_in_dim3A_269 : vector<16xf32> to vector<16xf32>
    tpu.vector_store %arg7[%swap3A_270], %swap3A_273 {strides = array<i32>} : memref<640xf32, #tpu.memory_space<vmem>>, vector<16xf32>,
    %broadcast_in_dim3A_274 = arith.constant 0.000000e+00 : f32
    %broadcast_in_dim3A_275 = vector.broadcast %broadcast_in_dim3A_274 : f32 to vector<16xf32>
    %swap3A_276 = arith.constant 608 : index
    %swap3A_277 = tpu.vector_load %arg7[%swap3A_276] {strides = array<i32>} : memref<640xf32, #tpu.memory_space<vmem>>, vector<16xf32>,
    %swap3A_278 = vector.shape_cast %swap3A_277 : vector<16xf32> to vector<16xf32>
    %swap3A_279 = vector.shape_cast %broadcast_in_dim3A_275 : vector<16xf32> to vector<16xf32>
    tpu.vector_store %arg7[%swap3A_276], %swap3A_279 {strides = array<i32>} : memref<640xf32, #tpu.memory_space<vmem>>, vector<16xf32>,
    %broadcast_in_dim3A_280 = arith.constant 0.000000e+00 : f32
    %broadcast_in_dim3A_281 = vector.broadcast %broadcast_in_dim3A_280 : f32 to vector<16xf32>
    %swap3A_282 = arith.constant 624 : index
    %swap3A_283 = tpu.vector_load %arg7[%swap3A_282] {strides = array<i32>} : memref<640xf32, #tpu.memory_space<vmem>>, vector<16xf32>,
    %swap3A_284 = vector.shape_cast %swap3A_283 : vector<16xf32> to vector<16xf32>
    %swap3A_285 = vector.shape_cast %broadcast_in_dim3A_281 : vector<16xf32> to vector<16xf32>
    tpu.vector_store %arg7[%swap3A_282], %swap3A_285 {strides = array<i32>} : memref<640xf32, #tpu.memory_space<vmem>>, vector<16xf32>,
    %mul3A = arith.constant 640 : i32
    %mul3A_286 = arith.muli %arg1, %mul3A : i32
    "tpu.region"() ({
      %run_scoped3A = tpu.sem_alloc : memref<!tpu.dma_semaphore, #tpu.memory_space<semaphore_mem>>
      %dma_start3A_320 = tpu.memref_slice %arg4[%mul3A_286] : memref<10240xf32, #tpu.memory_space<vmem_shared>> -> memref<640xf32, #tpu.memory_space<vmem_shared>>
      %dma_start3A_321 = tpu.memref_slice %arg4[%mul3A_286] : memref<10240xf32, #tpu.memory_space<vmem_shared>> -> memref<640xf32, #tpu.memory_space<vmem_shared>>
      tpu.enqueue_dma source(%arg7 : memref<640xf32, #tpu.memory_space<vmem>>) target(%dma_start3A_321 : memref<640xf32, #tpu.memory_space<vmem_shared>>) target_semaphore(%run_scoped3A : memref<!tpu.dma_semaphore, #tpu.memory_space<semaphore_mem>>)
      %dma_wait3A = tpu.memref_slice %arg4[%mul3A_286] : memref<10240xf32, #tpu.memory_space<vmem_shared>> -> memref<640xf32, #tpu.memory_space<vmem_shared>>
      %dma_wait3A_322 = tpu.memref_slice %arg4[%mul3A_286] : memref<10240xf32, #tpu.memory_space<vmem_shared>> -> memref<640xf32, #tpu.memory_space<vmem_shared>>
      tpu.wait_dma2 semaphore(%run_scoped3A : memref<!tpu.dma_semaphore, #tpu.memory_space<semaphore_mem>>) src(%arg7 : memref<640xf32, #tpu.memory_space<vmem>>) dst(%dma_wait3A_322 : memref<640xf32, #tpu.memory_space<vmem_shared>>)
      tpu.yield
    }) : () -> ()
    %barrier3A = arith.constant 0 : index
    tpu.barrier barrier_id(%barrier3A)
    %mul3A_287 = arith.constant 2 : i32
    %mul3A_288 = arith.muli %arg1, %mul3A_287 : i32
    %add3A = arith.addi %mul3A_288, %arg0 : i32
    %mul3A_289 = arith.constant 5120 : i32
    %mul3A_290 = arith.muli %add3A, %mul3A_289 : i32
    %dma_start3A = arith.constant 0 : i32
    %dma_start3A_291 = arith.constant 0 : i32
    %dma_start3A_292 = tpu.memref_slice %arg6[%dma_start3A, %dma_start3A_291] : memref<2x512xi32, #tpu.memory_space<vmem>> -> memref<1x512xi32, #tpu.memory_space<vmem>>
    %dma_start3A_293 = tpu.memref_squeeze %dma_start3A_292 : memref<1x512xi32, #tpu.memory_space<vmem>> -> memref<512xi32, #tpu.memory_space<vmem>>
    %dma_start3A_294 = tpu.memref_slice %arg2[%mul3A_290] : memref<163840xi32, #tpu.memory_space<hbm>> -> memref<512xi32, #tpu.memory_space<hbm>>
    %dma_start3A_295 = arith.constant 0 : i32
    %dma_start3A_296 = tpu.memref_slice %arg6[%dma_start3A, %dma_start3A_295] : memref<2x512xi32, #tpu.memory_space<vmem>> -> memref<1x512xi32, #tpu.memory_space<vmem>>
    %dma_start3A_297 = tpu.memref_squeeze %dma_start3A_296 : memref<1x512xi32, #tpu.memory_space<vmem>> -> memref<512xi32, #tpu.memory_space<vmem>>
    %dma_start3A_298 = tpu.memref_slice %arg2[%mul3A_290] : memref<163840xi32, #tpu.memory_space<hbm>> -> memref<512xi32, #tpu.memory_space<hbm>>
    tpu.enqueue_dma source(%dma_start3A_298 : memref<512xi32, #tpu.memory_space<hbm>>) target(%dma_start3A_297 : memref<512xi32, #tpu.memory_space<vmem>>) target_semaphore(%arg8 : memref<!tpu.dma_semaphore, #tpu.memory_space<semaphore_mem>>)
    %add3A_299 = arith.constant 512 : i32
    %add3A_300 = arith.addi %mul3A_290, %add3A_299 : i32
    %dma_start3A_301 = arith.constant 1 : i32
    %dma_start3A_302 = arith.constant 0 : i32
    %dma_start3A_303 = tpu.memref_slice %arg6[%dma_start3A_301, %dma_start3A_302] : memref<2x512xi32, #tpu.memory_space<vmem>> -> memref<1x512xi32, #tpu.memory_space<vmem>>
    %dma_start3A_304 = tpu.memref_squeeze %dma_start3A_303 : memref<1x512xi32, #tpu.memory_space<vmem>> -> memref<512xi32, #tpu.memory_space<vmem>>
    %dma_start3A_305 = tpu.memref_slice %arg2[%add3A_300] : memref<163840xi32, #tpu.memory_space<hbm>> -> memref<512xi32, #tpu.memory_space<hbm>>
    %dma_start3A_306 = arith.constant 0 : i32
    %dma_start3A_307 = tpu.memref_slice %arg6[%dma_start3A_301, %dma_start3A_306] : memref<2x512xi32, #tpu.memory_space<vmem>> -> memref<1x512xi32, #tpu.memory_space<vmem>>
    %dma_start3A_308 = tpu.memref_squeeze %dma_start3A_307 : memref<1x512xi32, #tpu.memory_space<vmem>> -> memref<512xi32, #tpu.memory_space<vmem>>
    %dma_start3A_309 = tpu.memref_slice %arg2[%add3A_300] : memref<163840xi32, #tpu.memory_space<hbm>> -> memref<512xi32, #tpu.memory_space<hbm>>
    tpu.enqueue_dma source(%dma_start3A_309 : memref<512xi32, #tpu.memory_space<hbm>>) target(%dma_start3A_308 : memref<512xi32, #tpu.memory_space<vmem>>) target_semaphore(%arg9 : memref<!tpu.dma_semaphore, #tpu.memory_space<semaphore_mem>>)
    %scan3A = arith.constant 0 : i32
    %scan3A_310 = arith.constant 0 : i32
    %scan3A_311 = arith.constant 5 : i32
    %scan3A_312 = arith.addi %scan3A_310, %scan3A_311 : i32
    %scan3A_313 = arith.constant 1 : i32
    scf.for %scan3A_320 = %scan3A_310 to %scan3A_312 step %scan3A_313  : i32 {
      %mul3A_321 = arith.constant 2 : i32
      %mul3A_322 = arith.muli %scan3A_320, %mul3A_321 : i32
      %add3A_323 = arith.constant 0 : i32
      %add3A_324 = arith.addi %mul3A_322, %add3A_323 : i32
      %dma_wait3A = arith.constant 0 : i32
      %dma_wait3A_325 = arith.constant 0 : i32
      %dma_wait3A_326 = tpu.memref_slice %arg6[%dma_wait3A, %dma_wait3A_325] : memref<2x512xi32, #tpu.memory_space<vmem>> -> memref<1x512xi32, #tpu.memory_space<vmem>>
      %dma_wait3A_327 = tpu.memref_squeeze %dma_wait3A_326 : memref<1x512xi32, #tpu.memory_space<vmem>> -> memref<512xi32, #tpu.memory_space<vmem>>
      %dma_wait3A_328 = tpu.memref_slice %arg2[%mul3A_290] : memref<163840xi32, #tpu.memory_space<hbm>> -> memref<512xi32, #tpu.memory_space<hbm>>
      %dma_wait3A_329 = arith.constant 0 : i32
      %dma_wait3A_330 = tpu.memref_slice %arg6[%dma_wait3A, %dma_wait3A_329] : memref<2x512xi32, #tpu.memory_space<vmem>> -> memref<1x512xi32, #tpu.memory_space<vmem>>
      %dma_wait3A_331 = tpu.memref_squeeze %dma_wait3A_330 : memref<1x512xi32, #tpu.memory_space<vmem>> -> memref<512xi32, #tpu.memory_space<vmem>>
      %dma_wait3A_332 = tpu.memref_slice %arg2[%mul3A_290] : memref<163840xi32, #tpu.memory_space<hbm>> -> memref<512xi32, #tpu.memory_space<hbm>>
      tpu.wait_dma2 semaphore(%arg8 : memref<!tpu.dma_semaphore, #tpu.memory_space<semaphore_mem>>) src(%dma_wait3A_332 : memref<512xi32, #tpu.memory_space<hbm>>) dst(%dma_wait3A_331 : memref<512xi32, #tpu.memory_space<vmem>>)
      %run_scoped3A = arith.constant 0 : i32
      "tpu.region"() ({
        %run_scoped3A_364 = tpu.sem_alloc : memref<!tpu.dma_semaphore, #tpu.memory_space<semaphore_mem>>
        %dma_start3A_365 = arith.constant 0 : i32
        %dma_start3A_366 = tpu.memref_slice %arg6[%run_scoped3A, %dma_start3A_365] : memref<2x512xi32, #tpu.memory_space<vmem>> -> memref<1x128xi32, #tpu.memory_space<vmem>>
        %dma_start3A_367 = tpu.memref_squeeze %dma_start3A_366 : memref<1x128xi32, #tpu.memory_space<vmem>> -> memref<128xi32, #tpu.memory_space<vmem>>
        %dma_start3A_368 = arith.constant 0 : i32
        %dma_start3A_369 = tpu.memref_slice %arg4[%dma_start3A_368] : memref<10240xf32, #tpu.memory_space<vmem_shared>> -> memref<10240xf32, #tpu.memory_space<vmem_shared>>
        tpu.enqueue_indirect_dma source(%arg5 : memref<128xf32, #tpu.memory_space<vmem>>) target(%dma_start3A_369 : memref<10240xf32, #tpu.memory_space<vmem_shared>>) offsets(%dma_start3A_367 : memref<128xi32, #tpu.memory_space<vmem>>) semaphore(%run_scoped3A_364 : memref<!tpu.dma_semaphore, #tpu.memory_space<semaphore_mem>>) {add = true}
        %dma_wait3A_370 = arith.constant 0 : i32
        %dma_wait3A_371 = tpu.memref_slice %arg6[%run_scoped3A, %dma_wait3A_370] : memref<2x512xi32, #tpu.memory_space<vmem>> -> memref<1x128xi32, #tpu.memory_space<vmem>>
        %dma_wait3A_372 = tpu.memref_squeeze %dma_wait3A_371 : memref<1x128xi32, #tpu.memory_space<vmem>> -> memref<128xi32, #tpu.memory_space<vmem>>
        %dma_wait3A_373 = arith.constant 0 : i32
        %dma_wait3A_374 = tpu.memref_slice %arg4[%dma_wait3A_373] : memref<10240xf32, #tpu.memory_space<vmem_shared>> -> memref<10240xf32, #tpu.memory_space<vmem_shared>>
        tpu.wait_indirect_dma semaphore(%run_scoped3A_364 : memref<!tpu.dma_semaphore, #tpu.memory_space<semaphore_mem>>) src(%arg5 : memref<128xf32, #tpu.memory_space<vmem>>) dst(%dma_wait3A_374 : memref<10240xf32, #tpu.memory_space<vmem_shared>>)
        tpu.yield
      }) : () -> ()
      %run_scoped3A_333 = arith.constant 0 : i32
      "tpu.region"() ({
        %run_scoped3A_364 = tpu.sem_alloc : memref<!tpu.dma_semaphore, #tpu.memory_space<semaphore_mem>>
        %dma_start3A_365 = arith.constant 128 : i32
        %dma_start3A_366 = tpu.memref_slice %arg6[%run_scoped3A_333, %dma_start3A_365] : memref<2x512xi32, #tpu.memory_space<vmem>> -> memref<1x128xi32, #tpu.memory_space<vmem>>
        %dma_start3A_367 = tpu.memref_squeeze %dma_start3A_366 : memref<1x128xi32, #tpu.memory_space<vmem>> -> memref<128xi32, #tpu.memory_space<vmem>>
        %dma_start3A_368 = arith.constant 0 : i32
        %dma_start3A_369 = tpu.memref_slice %arg4[%dma_start3A_368] : memref<10240xf32, #tpu.memory_space<vmem_shared>> -> memref<10240xf32, #tpu.memory_space<vmem_shared>>
        tpu.enqueue_indirect_dma source(%arg5 : memref<128xf32, #tpu.memory_space<vmem>>) target(%dma_start3A_369 : memref<10240xf32, #tpu.memory_space<vmem_shared>>) offsets(%dma_start3A_367 : memref<128xi32, #tpu.memory_space<vmem>>) semaphore(%run_scoped3A_364 : memref<!tpu.dma_semaphore, #tpu.memory_space<semaphore_mem>>) {add = true}
        %dma_wait3A_370 = arith.constant 128 : i32
        %dma_wait3A_371 = tpu.memref_slice %arg6[%run_scoped3A_333, %dma_wait3A_370] : memref<2x512xi32, #tpu.memory_space<vmem>> -> memref<1x128xi32, #tpu.memory_space<vmem>>
        %dma_wait3A_372 = tpu.memref_squeeze %dma_wait3A_371 : memref<1x128xi32, #tpu.memory_space<vmem>> -> memref<128xi32, #tpu.memory_space<vmem>>
        %dma_wait3A_373 = arith.constant 0 : i32
        %dma_wait3A_374 = tpu.memref_slice %arg4[%dma_wait3A_373] : memref<10240xf32, #tpu.memory_space<vmem_shared>> -> memref<10240xf32, #tpu.memory_space<vmem_shared>>
        tpu.wait_indirect_dma semaphore(%run_scoped3A_364 : memref<!tpu.dma_semaphore, #tpu.memory_space<semaphore_mem>>) src(%arg5 : memref<128xf32, #tpu.memory_space<vmem>>) dst(%dma_wait3A_374 : memref<10240xf32, #tpu.memory_space<vmem_shared>>)
        tpu.yield
      }) : () -> ()
      %run_scoped3A_334 = arith.constant 0 : i32
      "tpu.region"() ({
        %run_scoped3A_364 = tpu.sem_alloc : memref<!tpu.dma_semaphore, #tpu.memory_space<semaphore_mem>>
        %dma_start3A_365 = arith.constant 256 : i32
        %dma_start3A_366 = tpu.memref_slice %arg6[%run_scoped3A_334, %dma_start3A_365] : memref<2x512xi32, #tpu.memory_space<vmem>> -> memref<1x128xi32, #tpu.memory_space<vmem>>
        %dma_start3A_367 = tpu.memref_squeeze %dma_start3A_366 : memref<1x128xi32, #tpu.memory_space<vmem>> -> memref<128xi32, #tpu.memory_space<vmem>>
        %dma_start3A_368 = arith.constant 0 : i32
        %dma_start3A_369 = tpu.memref_slice %arg4[%dma_start3A_368] : memref<10240xf32, #tpu.memory_space<vmem_shared>> -> memref<10240xf32, #tpu.memory_space<vmem_shared>>
        tpu.enqueue_indirect_dma source(%arg5 : memref<128xf32, #tpu.memory_space<vmem>>) target(%dma_start3A_369 : memref<10240xf32, #tpu.memory_space<vmem_shared>>) offsets(%dma_start3A_367 : memref<128xi32, #tpu.memory_space<vmem>>) semaphore(%run_scoped3A_364 : memref<!tpu.dma_semaphore, #tpu.memory_space<semaphore_mem>>) {add = true}
        %dma_wait3A_370 = arith.constant 256 : i32
        %dma_wait3A_371 = tpu.memref_slice %arg6[%run_scoped3A_334, %dma_wait3A_370] : memref<2x512xi32, #tpu.memory_space<vmem>> -> memref<1x128xi32, #tpu.memory_space<vmem>>
        %dma_wait3A_372 = tpu.memref_squeeze %dma_wait3A_371 : memref<1x128xi32, #tpu.memory_space<vmem>> -> memref<128xi32, #tpu.memory_space<vmem>>
        %dma_wait3A_373 = arith.constant 0 : i32
        %dma_wait3A_374 = tpu.memref_slice %arg4[%dma_wait3A_373] : memref<10240xf32, #tpu.memory_space<vmem_shared>> -> memref<10240xf32, #tpu.memory_space<vmem_shared>>
        tpu.wait_indirect_dma semaphore(%run_scoped3A_364 : memref<!tpu.dma_semaphore, #tpu.memory_space<semaphore_mem>>) src(%arg5 : memref<128xf32, #tpu.memory_space<vmem>>) dst(%dma_wait3A_374 : memref<10240xf32, #tpu.memory_space<vmem_shared>>)
        tpu.yield
      }) : () -> ()
      %run_scoped3A_335 = arith.constant 0 : i32
      "tpu.region"() ({
        %run_scoped3A_364 = tpu.sem_alloc : memref<!tpu.dma_semaphore, #tpu.memory_space<semaphore_mem>>
        %dma_start3A_365 = arith.constant 384 : i32
        %dma_start3A_366 = tpu.memref_slice %arg6[%run_scoped3A_335, %dma_start3A_365] : memref<2x512xi32, #tpu.memory_space<vmem>> -> memref<1x128xi32, #tpu.memory_space<vmem>>
        %dma_start3A_367 = tpu.memref_squeeze %dma_start3A_366 : memref<1x128xi32, #tpu.memory_space<vmem>> -> memref<128xi32, #tpu.memory_space<vmem>>
        %dma_start3A_368 = arith.constant 0 : i32
        %dma_start3A_369 = tpu.memref_slice %arg4[%dma_start3A_368] : memref<10240xf32, #tpu.memory_space<vmem_shared>> -> memref<10240xf32, #tpu.memory_space<vmem_shared>>
        tpu.enqueue_indirect_dma source(%arg5 : memref<128xf32, #tpu.memory_space<vmem>>) target(%dma_start3A_369 : memref<10240xf32, #tpu.memory_space<vmem_shared>>) offsets(%dma_start3A_367 : memref<128xi32, #tpu.memory_space<vmem>>) semaphore(%run_scoped3A_364 : memref<!tpu.dma_semaphore, #tpu.memory_space<semaphore_mem>>) {add = true}
        %dma_wait3A_370 = arith.constant 384 : i32
        %dma_wait3A_371 = tpu.memref_slice %arg6[%run_scoped3A_335, %dma_wait3A_370] : memref<2x512xi32, #tpu.memory_space<vmem>> -> memref<1x128xi32, #tpu.memory_space<vmem>>
        %dma_wait3A_372 = tpu.memref_squeeze %dma_wait3A_371 : memref<1x128xi32, #tpu.memory_space<vmem>> -> memref<128xi32, #tpu.memory_space<vmem>>
        %dma_wait3A_373 = arith.constant 0 : i32
        %dma_wait3A_374 = tpu.memref_slice %arg4[%dma_wait3A_373] : memref<10240xf32, #tpu.memory_space<vmem_shared>> -> memref<10240xf32, #tpu.memory_space<vmem_shared>>
        tpu.wait_indirect_dma semaphore(%run_scoped3A_364 : memref<!tpu.dma_semaphore, #tpu.memory_space<semaphore_mem>>) src(%arg5 : memref<128xf32, #tpu.memory_space<vmem>>) dst(%dma_wait3A_374 : memref<10240xf32, #tpu.memory_space<vmem_shared>>)
        tpu.yield
      }) : () -> ()
      %add3A_336 = arith.constant 2 : i32
      %add3A_337 = arith.addi %add3A_324, %add3A_336 : i32
      %lt3A = arith.constant 10 : i32
      %lt3A_338 = arith.cmpi slt, %add3A_337, %lt3A : i32
      %convert_element_type3A = arith.extui %lt3A_338 : i1 to i32
      %cond3A = arith.constant 0 : i32
      %cond3A_339 = arith.cmpi ne, %convert_element_type3A, %cond3A : i32
      scf.if %cond3A_339 {
        %add3A_364 = arith.constant 2 : i32
        %add3A_365 = arith.addi %add3A_324, %add3A_364 : i32
        %mul3A_366 = arith.constant 4 : i32
        %mul3A_367 = arith.muli %add3A_365, %mul3A_366 : i32
        %mul3A_368 = arith.constant 128 : i32
        %mul3A_369 = arith.muli %mul3A_367, %mul3A_368 : i32
        %add3A_370 = arith.addi %mul3A_290, %mul3A_369 : i32
        %dma_start3A_371 = arith.constant 0 : i32
        %dma_start3A_372 = arith.constant 0 : i32
        %dma_start3A_373 = tpu.memref_slice %arg6[%dma_start3A_371, %dma_start3A_372] : memref<2x512xi32, #tpu.memory_space<vmem>> -> memref<1x512xi32, #tpu.memory_space<vmem>>
        %dma_start3A_374 = tpu.memref_squeeze %dma_start3A_373 : memref<1x512xi32, #tpu.memory_space<vmem>> -> memref<512xi32, #tpu.memory_space<vmem>>
        %dma_start3A_375 = tpu.memref_slice %arg2[%add3A_370] : memref<163840xi32, #tpu.memory_space<hbm>> -> memref<512xi32, #tpu.memory_space<hbm>>
        %dma_start3A_376 = arith.constant 0 : i32
        %dma_start3A_377 = tpu.memref_slice %arg6[%dma_start3A_371, %dma_start3A_376] : memref<2x512xi32, #tpu.memory_space<vmem>> -> memref<1x512xi32, #tpu.memory_space<vmem>>
        %dma_start3A_378 = tpu.memref_squeeze %dma_start3A_377 : memref<1x512xi32, #tpu.memory_space<vmem>> -> memref<512xi32, #tpu.memory_space<vmem>>
        %dma_start3A_379 = tpu.memref_slice %arg2[%add3A_370] : memref<163840xi32, #tpu.memory_space<hbm>> -> memref<512xi32, #tpu.memory_space<hbm>>
        tpu.enqueue_dma source(%dma_start3A_379 : memref<512xi32, #tpu.memory_space<hbm>>) target(%dma_start3A_378 : memref<512xi32, #tpu.memory_space<vmem>>) target_semaphore(%arg8 : memref<!tpu.dma_semaphore, #tpu.memory_space<semaphore_mem>>)
      } else {
      }
      %mul3A_340 = arith.constant 2 : i32
      %mul3A_341 = arith.muli %scan3A_320, %mul3A_340 : i32
      %add3A_342 = arith.constant 1 : i32
      %add3A_343 = arith.addi %mul3A_341, %add3A_342 : i32
      %dma_wait3A_344 = arith.constant 1 : i32
      %dma_wait3A_345 = arith.constant 0 : i32
      %dma_wait3A_346 = tpu.memref_slice %arg6[%dma_wait3A_344, %dma_wait3A_345] : memref<2x512xi32, #tpu.memory_space<vmem>> -> memref<1x512xi32, #tpu.memory_space<vmem>>
      %dma_wait3A_347 = tpu.memref_squeeze %dma_wait3A_346 : memref<1x512xi32, #tpu.memory_space<vmem>> -> memref<512xi32, #tpu.memory_space<vmem>>
      %dma_wait3A_348 = tpu.memref_slice %arg2[%mul3A_290] : memref<163840xi32, #tpu.memory_space<hbm>> -> memref<512xi32, #tpu.memory_space<hbm>>
      %dma_wait3A_349 = arith.constant 0 : i32
      %dma_wait3A_350 = tpu.memref_slice %arg6[%dma_wait3A_344, %dma_wait3A_349] : memref<2x512xi32, #tpu.memory_space<vmem>> -> memref<1x512xi32, #tpu.memory_space<vmem>>
      %dma_wait3A_351 = tpu.memref_squeeze %dma_wait3A_350 : memref<1x512xi32, #tpu.memory_space<vmem>> -> memref<512xi32, #tpu.memory_space<vmem>>
      %dma_wait3A_352 = tpu.memref_slice %arg2[%mul3A_290] : memref<163840xi32, #tpu.memory_space<hbm>> -> memref<512xi32, #tpu.memory_space<hbm>>
      tpu.wait_dma2 semaphore(%arg9 : memref<!tpu.dma_semaphore, #tpu.memory_space<semaphore_mem>>) src(%dma_wait3A_352 : memref<512xi32, #tpu.memory_space<hbm>>) dst(%dma_wait3A_351 : memref<512xi32, #tpu.memory_space<vmem>>)
      %run_scoped3A_353 = arith.constant 1 : i32
      "tpu.region"() ({
        %run_scoped3A_364 = tpu.sem_alloc : memref<!tpu.dma_semaphore, #tpu.memory_space<semaphore_mem>>
        %dma_start3A_365 = arith.constant 0 : i32
        %dma_start3A_366 = tpu.memref_slice %arg6[%run_scoped3A_353, %dma_start3A_365] : memref<2x512xi32, #tpu.memory_space<vmem>> -> memref<1x128xi32, #tpu.memory_space<vmem>>
        %dma_start3A_367 = tpu.memref_squeeze %dma_start3A_366 : memref<1x128xi32, #tpu.memory_space<vmem>> -> memref<128xi32, #tpu.memory_space<vmem>>
        %dma_start3A_368 = arith.constant 0 : i32
        %dma_start3A_369 = tpu.memref_slice %arg4[%dma_start3A_368] : memref<10240xf32, #tpu.memory_space<vmem_shared>> -> memref<10240xf32, #tpu.memory_space<vmem_shared>>
        tpu.enqueue_indirect_dma source(%arg5 : memref<128xf32, #tpu.memory_space<vmem>>) target(%dma_start3A_369 : memref<10240xf32, #tpu.memory_space<vmem_shared>>) offsets(%dma_start3A_367 : memref<128xi32, #tpu.memory_space<vmem>>) semaphore(%run_scoped3A_364 : memref<!tpu.dma_semaphore, #tpu.memory_space<semaphore_mem>>) {add = true}
        %dma_wait3A_370 = arith.constant 0 : i32
        %dma_wait3A_371 = tpu.memref_slice %arg6[%run_scoped3A_353, %dma_wait3A_370] : memref<2x512xi32, #tpu.memory_space<vmem>> -> memref<1x128xi32, #tpu.memory_space<vmem>>
        %dma_wait3A_372 = tpu.memref_squeeze %dma_wait3A_371 : memref<1x128xi32, #tpu.memory_space<vmem>> -> memref<128xi32, #tpu.memory_space<vmem>>
        %dma_wait3A_373 = arith.constant 0 : i32
        %dma_wait3A_374 = tpu.memref_slice %arg4[%dma_wait3A_373] : memref<10240xf32, #tpu.memory_space<vmem_shared>> -> memref<10240xf32, #tpu.memory_space<vmem_shared>>
        tpu.wait_indirect_dma semaphore(%run_scoped3A_364 : memref<!tpu.dma_semaphore, #tpu.memory_space<semaphore_mem>>) src(%arg5 : memref<128xf32, #tpu.memory_space<vmem>>) dst(%dma_wait3A_374 : memref<10240xf32, #tpu.memory_space<vmem_shared>>)
        tpu.yield
      }) : () -> ()
      %run_scoped3A_354 = arith.constant 1 : i32
      "tpu.region"() ({
        %run_scoped3A_364 = tpu.sem_alloc : memref<!tpu.dma_semaphore, #tpu.memory_space<semaphore_mem>>
        %dma_start3A_365 = arith.constant 128 : i32
        %dma_start3A_366 = tpu.memref_slice %arg6[%run_scoped3A_354, %dma_start3A_365] : memref<2x512xi32, #tpu.memory_space<vmem>> -> memref<1x128xi32, #tpu.memory_space<vmem>>
        %dma_start3A_367 = tpu.memref_squeeze %dma_start3A_366 : memref<1x128xi32, #tpu.memory_space<vmem>> -> memref<128xi32, #tpu.memory_space<vmem>>
        %dma_start3A_368 = arith.constant 0 : i32
        %dma_start3A_369 = tpu.memref_slice %arg4[%dma_start3A_368] : memref<10240xf32, #tpu.memory_space<vmem_shared>> -> memref<10240xf32, #tpu.memory_space<vmem_shared>>
        tpu.enqueue_indirect_dma source(%arg5 : memref<128xf32, #tpu.memory_space<vmem>>) target(%dma_start3A_369 : memref<10240xf32, #tpu.memory_space<vmem_shared>>) offsets(%dma_start3A_367 : memref<128xi32, #tpu.memory_space<vmem>>) semaphore(%run_scoped3A_364 : memref<!tpu.dma_semaphore, #tpu.memory_space<semaphore_mem>>) {add = true}
        %dma_wait3A_370 = arith.constant 128 : i32
        %dma_wait3A_371 = tpu.memref_slice %arg6[%run_scoped3A_354, %dma_wait3A_370] : memref<2x512xi32, #tpu.memory_space<vmem>> -> memref<1x128xi32, #tpu.memory_space<vmem>>
        %dma_wait3A_372 = tpu.memref_squeeze %dma_wait3A_371 : memref<1x128xi32, #tpu.memory_space<vmem>> -> memref<128xi32, #tpu.memory_space<vmem>>
        %dma_wait3A_373 = arith.constant 0 : i32
        %dma_wait3A_374 = tpu.memref_slice %arg4[%dma_wait3A_373] : memref<10240xf32, #tpu.memory_space<vmem_shared>> -> memref<10240xf32, #tpu.memory_space<vmem_shared>>
        tpu.wait_indirect_dma semaphore(%run_scoped3A_364 : memref<!tpu.dma_semaphore, #tpu.memory_space<semaphore_mem>>) src(%arg5 : memref<128xf32, #tpu.memory_space<vmem>>) dst(%dma_wait3A_374 : memref<10240xf32, #tpu.memory_space<vmem_shared>>)
        tpu.yield
      }) : () -> ()
      %run_scoped3A_355 = arith.constant 1 : i32
      "tpu.region"() ({
        %run_scoped3A_364 = tpu.sem_alloc : memref<!tpu.dma_semaphore, #tpu.memory_space<semaphore_mem>>
        %dma_start3A_365 = arith.constant 256 : i32
        %dma_start3A_366 = tpu.memref_slice %arg6[%run_scoped3A_355, %dma_start3A_365] : memref<2x512xi32, #tpu.memory_space<vmem>> -> memref<1x128xi32, #tpu.memory_space<vmem>>
        %dma_start3A_367 = tpu.memref_squeeze %dma_start3A_366 : memref<1x128xi32, #tpu.memory_space<vmem>> -> memref<128xi32, #tpu.memory_space<vmem>>
        %dma_start3A_368 = arith.constant 0 : i32
        %dma_start3A_369 = tpu.memref_slice %arg4[%dma_start3A_368] : memref<10240xf32, #tpu.memory_space<vmem_shared>> -> memref<10240xf32, #tpu.memory_space<vmem_shared>>
        tpu.enqueue_indirect_dma source(%arg5 : memref<128xf32, #tpu.memory_space<vmem>>) target(%dma_start3A_369 : memref<10240xf32, #tpu.memory_space<vmem_shared>>) offsets(%dma_start3A_367 : memref<128xi32, #tpu.memory_space<vmem>>) semaphore(%run_scoped3A_364 : memref<!tpu.dma_semaphore, #tpu.memory_space<semaphore_mem>>) {add = true}
        %dma_wait3A_370 = arith.constant 256 : i32
        %dma_wait3A_371 = tpu.memref_slice %arg6[%run_scoped3A_355, %dma_wait3A_370] : memref<2x512xi32, #tpu.memory_space<vmem>> -> memref<1x128xi32, #tpu.memory_space<vmem>>
        %dma_wait3A_372 = tpu.memref_squeeze %dma_wait3A_371 : memref<1x128xi32, #tpu.memory_space<vmem>> -> memref<128xi32, #tpu.memory_space<vmem>>
        %dma_wait3A_373 = arith.constant 0 : i32
        %dma_wait3A_374 = tpu.memref_slice %arg4[%dma_wait3A_373] : memref<10240xf32, #tpu.memory_space<vmem_shared>> -> memref<10240xf32, #tpu.memory_space<vmem_shared>>
        tpu.wait_indirect_dma semaphore(%run_scoped3A_364 : memref<!tpu.dma_semaphore, #tpu.memory_space<semaphore_mem>>) src(%arg5 : memref<128xf32, #tpu.memory_space<vmem>>) dst(%dma_wait3A_374 : memref<10240xf32, #tpu.memory_space<vmem_shared>>)
        tpu.yield
      }) : () -> ()
      %run_scoped3A_356 = arith.constant 1 : i32
      "tpu.region"() ({
        %run_scoped3A_364 = tpu.sem_alloc : memref<!tpu.dma_semaphore, #tpu.memory_space<semaphore_mem>>
        %dma_start3A_365 = arith.constant 384 : i32
        %dma_start3A_366 = tpu.memref_slice %arg6[%run_scoped3A_356, %dma_start3A_365] : memref<2x512xi32, #tpu.memory_space<vmem>> -> memref<1x128xi32, #tpu.memory_space<vmem>>
        %dma_start3A_367 = tpu.memref_squeeze %dma_start3A_366 : memref<1x128xi32, #tpu.memory_space<vmem>> -> memref<128xi32, #tpu.memory_space<vmem>>
        %dma_start3A_368 = arith.constant 0 : i32
        %dma_start3A_369 = tpu.memref_slice %arg4[%dma_start3A_368] : memref<10240xf32, #tpu.memory_space<vmem_shared>> -> memref<10240xf32, #tpu.memory_space<vmem_shared>>
        tpu.enqueue_indirect_dma source(%arg5 : memref<128xf32, #tpu.memory_space<vmem>>) target(%dma_start3A_369 : memref<10240xf32, #tpu.memory_space<vmem_shared>>) offsets(%dma_start3A_367 : memref<128xi32, #tpu.memory_space<vmem>>) semaphore(%run_scoped3A_364 : memref<!tpu.dma_semaphore, #tpu.memory_space<semaphore_mem>>) {add = true}
        %dma_wait3A_370 = arith.constant 384 : i32
        %dma_wait3A_371 = tpu.memref_slice %arg6[%run_scoped3A_356, %dma_wait3A_370] : memref<2x512xi32, #tpu.memory_space<vmem>> -> memref<1x128xi32, #tpu.memory_space<vmem>>
        %dma_wait3A_372 = tpu.memref_squeeze %dma_wait3A_371 : memref<1x128xi32, #tpu.memory_space<vmem>> -> memref<128xi32, #tpu.memory_space<vmem>>
        %dma_wait3A_373 = arith.constant 0 : i32
        %dma_wait3A_374 = tpu.memref_slice %arg4[%dma_wait3A_373] : memref<10240xf32, #tpu.memory_space<vmem_shared>> -> memref<10240xf32, #tpu.memory_space<vmem_shared>>
        tpu.wait_indirect_dma semaphore(%run_scoped3A_364 : memref<!tpu.dma_semaphore, #tpu.memory_space<semaphore_mem>>) src(%arg5 : memref<128xf32, #tpu.memory_space<vmem>>) dst(%dma_wait3A_374 : memref<10240xf32, #tpu.memory_space<vmem_shared>>)
        tpu.yield
      }) : () -> ()
      %add3A_357 = arith.constant 2 : i32
      %add3A_358 = arith.addi %add3A_343, %add3A_357 : i32
      %lt3A_359 = arith.constant 10 : i32
      %lt3A_360 = arith.cmpi slt, %add3A_358, %lt3A_359 : i32
      %convert_element_type3A_361 = arith.extui %lt3A_360 : i1 to i32
      %cond3A_362 = arith.constant 0 : i32
      %cond3A_363 = arith.cmpi ne, %convert_element_type3A_361, %cond3A_362 : i32
      scf.if %cond3A_363 {
        %add3A_364 = arith.constant 2 : i32
        %add3A_365 = arith.addi %add3A_343, %add3A_364 : i32
        %mul3A_366 = arith.constant 4 : i32
        %mul3A_367 = arith.muli %add3A_365, %mul3A_366 : i32
        %mul3A_368 = arith.constant 128 : i32
        %mul3A_369 = arith.muli %mul3A_367, %mul3A_368 : i32
        %add3A_370 = arith.addi %mul3A_290, %mul3A_369 : i32
        %dma_start3A_371 = arith.constant 1 : i32
        %dma_start3A_372 = arith.constant 0 : i32
        %dma_start3A_373 = tpu.memref_slice %arg6[%dma_start3A_371, %dma_start3A_372] : memref<2x512xi32, #tpu.memory_space<vmem>> -> memref<1x512xi32, #tpu.memory_space<vmem>>
        %dma_start3A_374 = tpu.memref_squeeze %dma_start3A_373 : memref<1x512xi32, #tpu.memory_space<vmem>> -> memref<512xi32, #tpu.memory_space<vmem>>
        %dma_start3A_375 = tpu.memref_slice %arg2[%add3A_370] : memref<163840xi32, #tpu.memory_space<hbm>> -> memref<512xi32, #tpu.memory_space<hbm>>
        %dma_start3A_376 = arith.constant 0 : i32
        %dma_start3A_377 = tpu.memref_slice %arg6[%dma_start3A_371, %dma_start3A_376] : memref<2x512xi32, #tpu.memory_space<vmem>> -> memref<1x512xi32, #tpu.memory_space<vmem>>
        %dma_start3A_378 = tpu.memref_squeeze %dma_start3A_377 : memref<1x512xi32, #tpu.memory_space<vmem>> -> memref<512xi32, #tpu.memory_space<vmem>>
        %dma_start3A_379 = tpu.memref_slice %arg2[%add3A_370] : memref<163840xi32, #tpu.memory_space<hbm>> -> memref<512xi32, #tpu.memory_space<hbm>>
        tpu.enqueue_dma source(%dma_start3A_379 : memref<512xi32, #tpu.memory_space<hbm>>) target(%dma_start3A_378 : memref<512xi32, #tpu.memory_space<vmem>>) target_semaphore(%arg9 : memref<!tpu.dma_semaphore, #tpu.memory_space<semaphore_mem>>)
      } else {
      }
    }
    %scan3A_314 = arith.constant 5 : i32
    %barrier3A_315 = arith.constant 0 : index
    tpu.barrier barrier_id(%barrier3A_315)
    %mul3A_316 = arith.constant 640 : i32
    %mul3A_317 = arith.muli %arg1, %mul3A_316 : i32
    %mul3A_318 = arith.constant 640 : i32
    %mul3A_319 = arith.muli %arg1, %mul3A_318 : i32
    "tpu.region"() ({
      %run_scoped3A = tpu.sem_alloc : memref<!tpu.dma_semaphore, #tpu.memory_space<semaphore_mem>>
      %dma_start3A_320 = tpu.memref_slice %arg3[%arg0, %mul3A_319] : memref<2x10240xf32, #tpu.memory_space<hbm>> -> memref<1x640xf32, #tpu.memory_space<hbm>>
      %dma_start3A_321 = tpu.memref_squeeze %dma_start3A_320 : memref<1x640xf32, #tpu.memory_space<hbm>> -> memref<640xf32, #tpu.memory_space<hbm>>
      %dma_start3A_322 = tpu.memref_slice %arg4[%mul3A_317] : memref<10240xf32, #tpu.memory_space<vmem_shared>> -> memref<640xf32, #tpu.memory_space<vmem_shared>>
      tpu.enqueue_dma source(%dma_start3A_322 : memref<640xf32, #tpu.memory_space<vmem_shared>>) target(%dma_start3A_321 : memref<640xf32, #tpu.memory_space<hbm>>) target_semaphore(%run_scoped3A : memref<!tpu.dma_semaphore, #tpu.memory_space<semaphore_mem>>)
      %dma_wait3A = tpu.memref_slice %arg3[%arg0, %mul3A_319] : memref<2x10240xf32, #tpu.memory_space<hbm>> -> memref<1x640xf32, #tpu.memory_space<hbm>>
      %dma_wait3A_323 = tpu.memref_squeeze %dma_wait3A : memref<1x640xf32, #tpu.memory_space<hbm>> -> memref<640xf32, #tpu.memory_space<hbm>>
      %dma_wait3A_324 = tpu.memref_slice %arg4[%mul3A_317] : memref<10240xf32, #tpu.memory_space<vmem_shared>> -> memref<640xf32, #tpu.memory_space<vmem_shared>>
      tpu.wait_dma2 semaphore(%run_scoped3A : memref<!tpu.dma_semaphore, #tpu.memory_space<semaphore_mem>>) src(%dma_wait3A_324 : memref<640xf32, #tpu.memory_space<vmem_shared>>) dst(%dma_wait3A_323 : memref<640xf32, #tpu.memory_space<hbm>>)
      tpu.yield
    }) : () -> ()
    return
  }
}

#map = affine_map<(d0, d1) -> (0, 0)>
#map1 = affine_map<(d0, d1) -> (0)>
#map2 = affine_map<(d0, d1) -> (0, 0, 0)>
module attributes {stable_mosaic.version = 14 : i64} {
  func.func @_segsum_body(%arg0: i32, %arg1: i32, %arg2: memref<20480x128xf32, #tpu.memory_space<hbm>>, %arg3: memref<2x163840xi32, #tpu.memory_space<hbm>>, %arg4: memref<163840xi32, #tpu.memory_space<hbm>>, %arg5: memref<2x10240x128xf32, #tpu.memory_space<hbm>>, %arg6: memref<10240x128xf32, #tpu.memory_space<vmem_shared>>, %arg7: memref<10240xi32, #tpu.memory_space<vmem>>, %arg8: memref<2x128xi32, #tpu.memory_space<vmem>>, %arg9: memref<2x128x128xf32, #tpu.memory_space<vmem>>, %arg10: memref<!tpu.dma_semaphore, #tpu.memory_space<semaphore_mem>>, %arg11: memref<!tpu.dma_semaphore, #tpu.memory_space<semaphore_mem>>, %arg12: memref<!tpu.dma_semaphore, #tpu.memory_space<semaphore_mem>>, %arg13: memref<!tpu.dma_semaphore, #tpu.memory_space<semaphore_mem>>, %arg14: memref<!tpu.dma_semaphore, #tpu.memory_space<semaphore_mem>>, %arg15: memref<!tpu.dma_semaphore, #tpu.memory_space<semaphore_mem>>, %arg16: memref<!tpu.dma_semaphore, #tpu.memory_space<semaphore_mem>>) attributes {dimension_semantics = [#tpu.dimension_semantics<core_parallel>, #tpu.dimension_semantics<subcore_parallel>], iteration_bounds = array<i64: 2, 16>, scalar_prefetch = 0 : i64, scratch_operands = 11 : i64, tpu.core_type = #tpu.core_type<sc_vector_subcore>, window_params = [{transform_indices = #map}, {transform_indices = #map}, {transform_indices = #map1}, {transform_indices = #map2}]} {
    %mul3A = arith.constant 10240 : i32
    %mul3A_0 = arith.muli %arg1, %mul3A : i32
    %dma_start3A = tpu.memref_slice %arg3[%arg0, %mul3A_0] : memref<2x163840xi32, #tpu.memory_space<hbm>> -> memref<1x10240xi32, #tpu.memory_space<hbm>>
    %dma_start3A_1 = tpu.memref_squeeze %dma_start3A : memref<1x10240xi32, #tpu.memory_space<hbm>> -> memref<10240xi32, #tpu.memory_space<hbm>>
    %dma_start3A_2 = tpu.memref_slice %arg3[%arg0, %mul3A_0] : memref<2x163840xi32, #tpu.memory_space<hbm>> -> memref<1x10240xi32, #tpu.memory_space<hbm>>
    %dma_start3A_3 = tpu.memref_squeeze %dma_start3A_2 : memref<1x10240xi32, #tpu.memory_space<hbm>> -> memref<10240xi32, #tpu.memory_space<hbm>>
    tpu.enqueue_dma source(%dma_start3A_3 : memref<10240xi32, #tpu.memory_space<hbm>>) target(%arg7 : memref<10240xi32, #tpu.memory_space<vmem>>) target_semaphore(%arg14 : memref<!tpu.dma_semaphore, #tpu.memory_space<semaphore_mem>>)
    %scan3A = arith.constant 0 : i32
    %scan3A_4 = arith.constant 0 : i32
    %scan3A_5 = arith.constant 128 : i32
    %scan3A_6 = arith.addi %scan3A_4, %scan3A_5 : i32
    %scan3A_7 = arith.constant 1 : i32
    scf.for %scan3A_74 = %scan3A_4 to %scan3A_6 step %scan3A_7  : i32 {
      %broadcast_in_dim3A = arith.constant 0.000000e+00 : f32
      %broadcast_in_dim3A_75 = vector.broadcast %broadcast_in_dim3A : f32 to vector<16xf32>
      %swap3A = arith.constant 0 : i32
      %swap3A_76 = arith.index_cast %swap3A : i32 to index
      %swap3A_77 = arith.index_cast %scan3A_74 : i32 to index
      %swap3A_78 = arith.constant 0 : index
      %swap3A_79 = tpu.vector_load %arg9[%swap3A_76, %swap3A_77, %swap3A_78] {strides = array<i32>} : memref<2x128x128xf32, #tpu.memory_space<vmem>>, vector<1x1x16xf32>,
      %swap3A_80 = vector.shape_cast %swap3A_79 : vector<1x1x16xf32> to vector<16xf32>
      %swap3A_81 = vector.shape_cast %broadcast_in_dim3A_75 : vector<16xf32> to vector<1x1x16xf32>
      tpu.vector_store %arg9[%swap3A_76, %swap3A_77, %swap3A_78], %swap3A_81 {strides = array<i32>} : memref<2x128x128xf32, #tpu.memory_space<vmem>>, vector<1x1x16xf32>,
      %broadcast_in_dim3A_82 = arith.constant 0.000000e+00 : f32
      %broadcast_in_dim3A_83 = vector.broadcast %broadcast_in_dim3A_82 : f32 to vector<16xf32>
      %swap3A_84 = arith.constant 0 : i32
      %swap3A_85 = arith.index_cast %swap3A_84 : i32 to index
      %swap3A_86 = arith.index_cast %scan3A_74 : i32 to index
      %swap3A_87 = arith.constant 16 : index
      %swap3A_88 = tpu.vector_load %arg9[%swap3A_85, %swap3A_86, %swap3A_87] {strides = array<i32>} : memref<2x128x128xf32, #tpu.memory_space<vmem>>, vector<1x1x16xf32>,
      %swap3A_89 = vector.shape_cast %swap3A_88 : vector<1x1x16xf32> to vector<16xf32>
      %swap3A_90 = vector.shape_cast %broadcast_in_dim3A_83 : vector<16xf32> to vector<1x1x16xf32>
      tpu.vector_store %arg9[%swap3A_85, %swap3A_86, %swap3A_87], %swap3A_90 {strides = array<i32>} : memref<2x128x128xf32, #tpu.memory_space<vmem>>, vector<1x1x16xf32>,
      %broadcast_in_dim3A_91 = arith.constant 0.000000e+00 : f32
      %broadcast_in_dim3A_92 = vector.broadcast %broadcast_in_dim3A_91 : f32 to vector<16xf32>
      %swap3A_93 = arith.constant 0 : i32
      %swap3A_94 = arith.index_cast %swap3A_93 : i32 to index
      %swap3A_95 = arith.index_cast %scan3A_74 : i32 to index
      %swap3A_96 = arith.constant 32 : index
      %swap3A_97 = tpu.vector_load %arg9[%swap3A_94, %swap3A_95, %swap3A_96] {strides = array<i32>} : memref<2x128x128xf32, #tpu.memory_space<vmem>>, vector<1x1x16xf32>,
      %swap3A_98 = vector.shape_cast %swap3A_97 : vector<1x1x16xf32> to vector<16xf32>
      %swap3A_99 = vector.shape_cast %broadcast_in_dim3A_92 : vector<16xf32> to vector<1x1x16xf32>
      tpu.vector_store %arg9[%swap3A_94, %swap3A_95, %swap3A_96], %swap3A_99 {strides = array<i32>} : memref<2x128x128xf32, #tpu.memory_space<vmem>>, vector<1x1x16xf32>,
      %broadcast_in_dim3A_100 = arith.constant 0.000000e+00 : f32
      %broadcast_in_dim3A_101 = vector.broadcast %broadcast_in_dim3A_100 : f32 to vector<16xf32>
      %swap3A_102 = arith.constant 0 : i32
      %swap3A_103 = arith.index_cast %swap3A_102 : i32 to index
      %swap3A_104 = arith.index_cast %scan3A_74 : i32 to index
      %swap3A_105 = arith.constant 48 : index
      %swap3A_106 = tpu.vector_load %arg9[%swap3A_103, %swap3A_104, %swap3A_105] {strides = array<i32>} : memref<2x128x128xf32, #tpu.memory_space<vmem>>, vector<1x1x16xf32>,
      %swap3A_107 = vector.shape_cast %swap3A_106 : vector<1x1x16xf32> to vector<16xf32>
      %swap3A_108 = vector.shape_cast %broadcast_in_dim3A_101 : vector<16xf32> to vector<1x1x16xf32>
      tpu.vector_store %arg9[%swap3A_103, %swap3A_104, %swap3A_105], %swap3A_108 {strides = array<i32>} : memref<2x128x128xf32, #tpu.memory_space<vmem>>, vector<1x1x16xf32>,
      %broadcast_in_dim3A_109 = arith.constant 0.000000e+00 : f32
      %broadcast_in_dim3A_110 = vector.broadcast %broadcast_in_dim3A_109 : f32 to vector<16xf32>
      %swap3A_111 = arith.constant 0 : i32
      %swap3A_112 = arith.index_cast %swap3A_111 : i32 to index
      %swap3A_113 = arith.index_cast %scan3A_74 : i32 to index
      %swap3A_114 = arith.constant 64 : index
      %swap3A_115 = tpu.vector_load %arg9[%swap3A_112, %swap3A_113, %swap3A_114] {strides = array<i32>} : memref<2x128x128xf32, #tpu.memory_space<vmem>>, vector<1x1x16xf32>,
      %swap3A_116 = vector.shape_cast %swap3A_115 : vector<1x1x16xf32> to vector<16xf32>
      %swap3A_117 = vector.shape_cast %broadcast_in_dim3A_110 : vector<16xf32> to vector<1x1x16xf32>
      tpu.vector_store %arg9[%swap3A_112, %swap3A_113, %swap3A_114], %swap3A_117 {strides = array<i32>} : memref<2x128x128xf32, #tpu.memory_space<vmem>>, vector<1x1x16xf32>,
      %broadcast_in_dim3A_118 = arith.constant 0.000000e+00 : f32
      %broadcast_in_dim3A_119 = vector.broadcast %broadcast_in_dim3A_118 : f32 to vector<16xf32>
      %swap3A_120 = arith.constant 0 : i32
      %swap3A_121 = arith.index_cast %swap3A_120 : i32 to index
      %swap3A_122 = arith.index_cast %scan3A_74 : i32 to index
      %swap3A_123 = arith.constant 80 : index
      %swap3A_124 = tpu.vector_load %arg9[%swap3A_121, %swap3A_122, %swap3A_123] {strides = array<i32>} : memref<2x128x128xf32, #tpu.memory_space<vmem>>, vector<1x1x16xf32>,
      %swap3A_125 = vector.shape_cast %swap3A_124 : vector<1x1x16xf32> to vector<16xf32>
      %swap3A_126 = vector.shape_cast %broadcast_in_dim3A_119 : vector<16xf32> to vector<1x1x16xf32>
      tpu.vector_store %arg9[%swap3A_121, %swap3A_122, %swap3A_123], %swap3A_126 {strides = array<i32>} : memref<2x128x128xf32, #tpu.memory_space<vmem>>, vector<1x1x16xf32>,
      %broadcast_in_dim3A_127 = arith.constant 0.000000e+00 : f32
      %broadcast_in_dim3A_128 = vector.broadcast %broadcast_in_dim3A_127 : f32 to vector<16xf32>
      %swap3A_129 = arith.constant 0 : i32
      %swap3A_130 = arith.index_cast %swap3A_129 : i32 to index
      %swap3A_131 = arith.index_cast %scan3A_74 : i32 to index
      %swap3A_132 = arith.constant 96 : index
      %swap3A_133 = tpu.vector_load %arg9[%swap3A_130, %swap3A_131, %swap3A_132] {strides = array<i32>} : memref<2x128x128xf32, #tpu.memory_space<vmem>>, vector<1x1x16xf32>,
      %swap3A_134 = vector.shape_cast %swap3A_133 : vector<1x1x16xf32> to vector<16xf32>
      %swap3A_135 = vector.shape_cast %broadcast_in_dim3A_128 : vector<16xf32> to vector<1x1x16xf32>
      tpu.vector_store %arg9[%swap3A_130, %swap3A_131, %swap3A_132], %swap3A_135 {strides = array<i32>} : memref<2x128x128xf32, #tpu.memory_space<vmem>>, vector<1x1x16xf32>,
      %broadcast_in_dim3A_136 = arith.constant 0.000000e+00 : f32
      %broadcast_in_dim3A_137 = vector.broadcast %broadcast_in_dim3A_136 : f32 to vector<16xf32>
      %swap3A_138 = arith.constant 0 : i32
      %swap3A_139 = arith.index_cast %swap3A_138 : i32 to index
      %swap3A_140 = arith.index_cast %scan3A_74 : i32 to index
      %swap3A_141 = arith.constant 112 : index
      %swap3A_142 = tpu.vector_load %arg9[%swap3A_139, %swap3A_140, %swap3A_141] {strides = array<i32>} : memref<2x128x128xf32, #tpu.memory_space<vmem>>, vector<1x1x16xf32>,
      %swap3A_143 = vector.shape_cast %swap3A_142 : vector<1x1x16xf32> to vector<16xf32>
      %swap3A_144 = vector.shape_cast %broadcast_in_dim3A_137 : vector<16xf32> to vector<1x1x16xf32>
      tpu.vector_store %arg9[%swap3A_139, %swap3A_140, %swap3A_141], %swap3A_144 {strides = array<i32>} : memref<2x128x128xf32, #tpu.memory_space<vmem>>, vector<1x1x16xf32>,
    }
    %scan3A_8 = arith.constant 128 : i32
    %mul3A_9 = arith.constant 640 : i32
    %mul3A_10 = arith.muli %arg1, %mul3A_9 : i32
    %add3A = arith.constant 0 : i32
    %add3A_11 = arith.addi %mul3A_10, %add3A : i32
    %run_scoped3A = arith.constant 0 : i32
    "tpu.region"() ({
      %run_scoped3A_74 = tpu.sem_alloc : memref<!tpu.dma_semaphore, #tpu.memory_space<semaphore_mem>>
      %dma_start3A_75 = arith.constant 0 : i32
      %dma_start3A_76 = arith.constant 0 : i32
      %dma_start3A_77 = tpu.memref_slice %arg9[%run_scoped3A, %dma_start3A_75, %dma_start3A_76] : memref<2x128x128xf32, #tpu.memory_space<vmem>> -> memref<1x128x128xf32, #tpu.memory_space<vmem>>
      %dma_start3A_78 = tpu.memref_squeeze %dma_start3A_77 : memref<1x128x128xf32, #tpu.memory_space<vmem>> -> memref<128x128xf32, #tpu.memory_space<vmem>>
      %dma_start3A_79 = arith.constant 0 : i32
      %dma_start3A_80 = tpu.memref_slice %arg6[%add3A_11, %dma_start3A_79] : memref<10240x128xf32, #tpu.memory_space<vmem_shared>> -> memref<128x128xf32, #tpu.memory_space<vmem_shared>>
      %dma_start3A_81 = arith.constant 0 : i32
      %dma_start3A_82 = tpu.memref_slice %arg6[%add3A_11, %dma_start3A_81] : memref<10240x128xf32, #tpu.memory_space<vmem_shared>> -> memref<128x128xf32, #tpu.memory_space<vmem_shared>>
      %dma_start3A_83 = arith.constant 0 : i32
      %dma_start3A_84 = arith.constant 0 : i32
      %dma_start3A_85 = tpu.memref_slice %arg9[%run_scoped3A, %dma_start3A_83, %dma_start3A_84] : memref<2x128x128xf32, #tpu.memory_space<vmem>> -> memref<1x128x128xf32, #tpu.memory_space<vmem>>
      %dma_start3A_86 = tpu.memref_squeeze %dma_start3A_85 : memref<1x128x128xf32, #tpu.memory_space<vmem>> -> memref<128x128xf32, #tpu.memory_space<vmem>>
      tpu.enqueue_dma source(%dma_start3A_86 : memref<128x128xf32, #tpu.memory_space<vmem>>) target(%dma_start3A_82 : memref<128x128xf32, #tpu.memory_space<vmem_shared>>) target_semaphore(%run_scoped3A_74 : memref<!tpu.dma_semaphore, #tpu.memory_space<semaphore_mem>>)
      %dma_wait3A_87 = arith.constant 0 : i32
      %dma_wait3A_88 = arith.constant 0 : i32
      %dma_wait3A_89 = tpu.memref_slice %arg9[%run_scoped3A, %dma_wait3A_87, %dma_wait3A_88] : memref<2x128x128xf32, #tpu.memory_space<vmem>> -> memref<1x128x128xf32, #tpu.memory_space<vmem>>
      %dma_wait3A_90 = tpu.memref_squeeze %dma_wait3A_89 : memref<1x128x128xf32, #tpu.memory_space<vmem>> -> memref<128x128xf32, #tpu.memory_space<vmem>>
      %dma_wait3A_91 = arith.constant 0 : i32
      %dma_wait3A_92 = tpu.memref_slice %arg6[%add3A_11, %dma_wait3A_91] : memref<10240x128xf32, #tpu.memory_space<vmem_shared>> -> memref<128x128xf32, #tpu.memory_space<vmem_shared>>
      %dma_wait3A_93 = arith.constant 0 : i32
      %dma_wait3A_94 = tpu.memref_slice %arg6[%add3A_11, %dma_wait3A_93] : memref<10240x128xf32, #tpu.memory_space<vmem_shared>> -> memref<128x128xf32, #tpu.memory_space<vmem_shared>>
      %dma_wait3A_95 = arith.constant 0 : i32
      %dma_wait3A_96 = arith.constant 0 : i32
      %dma_wait3A_97 = tpu.memref_slice %arg9[%run_scoped3A, %dma_wait3A_95, %dma_wait3A_96] : memref<2x128x128xf32, #tpu.memory_space<vmem>> -> memref<1x128x128xf32, #tpu.memory_space<vmem>>
      %dma_wait3A_98 = tpu.memref_squeeze %dma_wait3A_97 : memref<1x128x128xf32, #tpu.memory_space<vmem>> -> memref<128x128xf32, #tpu.memory_space<vmem>>
      tpu.wait_dma2 semaphore(%run_scoped3A_74 : memref<!tpu.dma_semaphore, #tpu.memory_space<semaphore_mem>>) src(%dma_wait3A_98 : memref<128x128xf32, #tpu.memory_space<vmem>>) dst(%dma_wait3A_94 : memref<128x128xf32, #tpu.memory_space<vmem_shared>>)
      tpu.yield
    }) : () -> ()
    %add3A_12 = arith.constant 128 : i32
    %add3A_13 = arith.addi %mul3A_10, %add3A_12 : i32
    %run_scoped3A_14 = arith.constant 0 : i32
    "tpu.region"() ({
      %run_scoped3A_74 = tpu.sem_alloc : memref<!tpu.dma_semaphore, #tpu.memory_space<semaphore_mem>>
      %dma_start3A_75 = arith.constant 0 : i32
      %dma_start3A_76 = arith.constant 0 : i32
      %dma_start3A_77 = tpu.memref_slice %arg9[%run_scoped3A_14, %dma_start3A_75, %dma_start3A_76] : memref<2x128x128xf32, #tpu.memory_space<vmem>> -> memref<1x128x128xf32, #tpu.memory_space<vmem>>
      %dma_start3A_78 = tpu.memref_squeeze %dma_start3A_77 : memref<1x128x128xf32, #tpu.memory_space<vmem>> -> memref<128x128xf32, #tpu.memory_space<vmem>>
      %dma_start3A_79 = arith.constant 0 : i32
      %dma_start3A_80 = tpu.memref_slice %arg6[%add3A_13, %dma_start3A_79] : memref<10240x128xf32, #tpu.memory_space<vmem_shared>> -> memref<128x128xf32, #tpu.memory_space<vmem_shared>>
      %dma_start3A_81 = arith.constant 0 : i32
      %dma_start3A_82 = tpu.memref_slice %arg6[%add3A_13, %dma_start3A_81] : memref<10240x128xf32, #tpu.memory_space<vmem_shared>> -> memref<128x128xf32, #tpu.memory_space<vmem_shared>>
      %dma_start3A_83 = arith.constant 0 : i32
      %dma_start3A_84 = arith.constant 0 : i32
      %dma_start3A_85 = tpu.memref_slice %arg9[%run_scoped3A_14, %dma_start3A_83, %dma_start3A_84] : memref<2x128x128xf32, #tpu.memory_space<vmem>> -> memref<1x128x128xf32, #tpu.memory_space<vmem>>
      %dma_start3A_86 = tpu.memref_squeeze %dma_start3A_85 : memref<1x128x128xf32, #tpu.memory_space<vmem>> -> memref<128x128xf32, #tpu.memory_space<vmem>>
      tpu.enqueue_dma source(%dma_start3A_86 : memref<128x128xf32, #tpu.memory_space<vmem>>) target(%dma_start3A_82 : memref<128x128xf32, #tpu.memory_space<vmem_shared>>) target_semaphore(%run_scoped3A_74 : memref<!tpu.dma_semaphore, #tpu.memory_space<semaphore_mem>>)
      %dma_wait3A_87 = arith.constant 0 : i32
      %dma_wait3A_88 = arith.constant 0 : i32
      %dma_wait3A_89 = tpu.memref_slice %arg9[%run_scoped3A_14, %dma_wait3A_87, %dma_wait3A_88] : memref<2x128x128xf32, #tpu.memory_space<vmem>> -> memref<1x128x128xf32, #tpu.memory_space<vmem>>
      %dma_wait3A_90 = tpu.memref_squeeze %dma_wait3A_89 : memref<1x128x128xf32, #tpu.memory_space<vmem>> -> memref<128x128xf32, #tpu.memory_space<vmem>>
      %dma_wait3A_91 = arith.constant 0 : i32
      %dma_wait3A_92 = tpu.memref_slice %arg6[%add3A_13, %dma_wait3A_91] : memref<10240x128xf32, #tpu.memory_space<vmem_shared>> -> memref<128x128xf32, #tpu.memory_space<vmem_shared>>
      %dma_wait3A_93 = arith.constant 0 : i32
      %dma_wait3A_94 = tpu.memref_slice %arg6[%add3A_13, %dma_wait3A_93] : memref<10240x128xf32, #tpu.memory_space<vmem_shared>> -> memref<128x128xf32, #tpu.memory_space<vmem_shared>>
      %dma_wait3A_95 = arith.constant 0 : i32
      %dma_wait3A_96 = arith.constant 0 : i32
      %dma_wait3A_97 = tpu.memref_slice %arg9[%run_scoped3A_14, %dma_wait3A_95, %dma_wait3A_96] : memref<2x128x128xf32, #tpu.memory_space<vmem>> -> memref<1x128x128xf32, #tpu.memory_space<vmem>>
      %dma_wait3A_98 = tpu.memref_squeeze %dma_wait3A_97 : memref<1x128x128xf32, #tpu.memory_space<vmem>> -> memref<128x128xf32, #tpu.memory_space<vmem>>
      tpu.wait_dma2 semaphore(%run_scoped3A_74 : memref<!tpu.dma_semaphore, #tpu.memory_space<semaphore_mem>>) src(%dma_wait3A_98 : memref<128x128xf32, #tpu.memory_space<vmem>>) dst(%dma_wait3A_94 : memref<128x128xf32, #tpu.memory_space<vmem_shared>>)
      tpu.yield
    }) : () -> ()
    %add3A_15 = arith.constant 256 : i32
    %add3A_16 = arith.addi %mul3A_10, %add3A_15 : i32
    %run_scoped3A_17 = arith.constant 0 : i32
    "tpu.region"() ({
      %run_scoped3A_74 = tpu.sem_alloc : memref<!tpu.dma_semaphore, #tpu.memory_space<semaphore_mem>>
      %dma_start3A_75 = arith.constant 0 : i32
      %dma_start3A_76 = arith.constant 0 : i32
      %dma_start3A_77 = tpu.memref_slice %arg9[%run_scoped3A_17, %dma_start3A_75, %dma_start3A_76] : memref<2x128x128xf32, #tpu.memory_space<vmem>> -> memref<1x128x128xf32, #tpu.memory_space<vmem>>
      %dma_start3A_78 = tpu.memref_squeeze %dma_start3A_77 : memref<1x128x128xf32, #tpu.memory_space<vmem>> -> memref<128x128xf32, #tpu.memory_space<vmem>>
      %dma_start3A_79 = arith.constant 0 : i32
      %dma_start3A_80 = tpu.memref_slice %arg6[%add3A_16, %dma_start3A_79] : memref<10240x128xf32, #tpu.memory_space<vmem_shared>> -> memref<128x128xf32, #tpu.memory_space<vmem_shared>>
      %dma_start3A_81 = arith.constant 0 : i32
      %dma_start3A_82 = tpu.memref_slice %arg6[%add3A_16, %dma_start3A_81] : memref<10240x128xf32, #tpu.memory_space<vmem_shared>> -> memref<128x128xf32, #tpu.memory_space<vmem_shared>>
      %dma_start3A_83 = arith.constant 0 : i32
      %dma_start3A_84 = arith.constant 0 : i32
      %dma_start3A_85 = tpu.memref_slice %arg9[%run_scoped3A_17, %dma_start3A_83, %dma_start3A_84] : memref<2x128x128xf32, #tpu.memory_space<vmem>> -> memref<1x128x128xf32, #tpu.memory_space<vmem>>
      %dma_start3A_86 = tpu.memref_squeeze %dma_start3A_85 : memref<1x128x128xf32, #tpu.memory_space<vmem>> -> memref<128x128xf32, #tpu.memory_space<vmem>>
      tpu.enqueue_dma source(%dma_start3A_86 : memref<128x128xf32, #tpu.memory_space<vmem>>) target(%dma_start3A_82 : memref<128x128xf32, #tpu.memory_space<vmem_shared>>) target_semaphore(%run_scoped3A_74 : memref<!tpu.dma_semaphore, #tpu.memory_space<semaphore_mem>>)
      %dma_wait3A_87 = arith.constant 0 : i32
      %dma_wait3A_88 = arith.constant 0 : i32
      %dma_wait3A_89 = tpu.memref_slice %arg9[%run_scoped3A_17, %dma_wait3A_87, %dma_wait3A_88] : memref<2x128x128xf32, #tpu.memory_space<vmem>> -> memref<1x128x128xf32, #tpu.memory_space<vmem>>
      %dma_wait3A_90 = tpu.memref_squeeze %dma_wait3A_89 : memref<1x128x128xf32, #tpu.memory_space<vmem>> -> memref<128x128xf32, #tpu.memory_space<vmem>>
      %dma_wait3A_91 = arith.constant 0 : i32
      %dma_wait3A_92 = tpu.memref_slice %arg6[%add3A_16, %dma_wait3A_91] : memref<10240x128xf32, #tpu.memory_space<vmem_shared>> -> memref<128x128xf32, #tpu.memory_space<vmem_shared>>
      %dma_wait3A_93 = arith.constant 0 : i32
      %dma_wait3A_94 = tpu.memref_slice %arg6[%add3A_16, %dma_wait3A_93] : memref<10240x128xf32, #tpu.memory_space<vmem_shared>> -> memref<128x128xf32, #tpu.memory_space<vmem_shared>>
      %dma_wait3A_95 = arith.constant 0 : i32
      %dma_wait3A_96 = arith.constant 0 : i32
      %dma_wait3A_97 = tpu.memref_slice %arg9[%run_scoped3A_17, %dma_wait3A_95, %dma_wait3A_96] : memref<2x128x128xf32, #tpu.memory_space<vmem>> -> memref<1x128x128xf32, #tpu.memory_space<vmem>>
      %dma_wait3A_98 = tpu.memref_squeeze %dma_wait3A_97 : memref<1x128x128xf32, #tpu.memory_space<vmem>> -> memref<128x128xf32, #tpu.memory_space<vmem>>
      tpu.wait_dma2 semaphore(%run_scoped3A_74 : memref<!tpu.dma_semaphore, #tpu.memory_space<semaphore_mem>>) src(%dma_wait3A_98 : memref<128x128xf32, #tpu.memory_space<vmem>>) dst(%dma_wait3A_94 : memref<128x128xf32, #tpu.memory_space<vmem_shared>>)
      tpu.yield
    }) : () -> ()
    %add3A_18 = arith.constant 384 : i32
    %add3A_19 = arith.addi %mul3A_10, %add3A_18 : i32
    %run_scoped3A_20 = arith.constant 0 : i32
    "tpu.region"() ({
      %run_scoped3A_74 = tpu.sem_alloc : memref<!tpu.dma_semaphore, #tpu.memory_space<semaphore_mem>>
      %dma_start3A_75 = arith.constant 0 : i32
      %dma_start3A_76 = arith.constant 0 : i32
      %dma_start3A_77 = tpu.memref_slice %arg9[%run_scoped3A_20, %dma_start3A_75, %dma_start3A_76] : memref<2x128x128xf32, #tpu.memory_space<vmem>> -> memref<1x128x128xf32, #tpu.memory_space<vmem>>
      %dma_start3A_78 = tpu.memref_squeeze %dma_start3A_77 : memref<1x128x128xf32, #tpu.memory_space<vmem>> -> memref<128x128xf32, #tpu.memory_space<vmem>>
      %dma_start3A_79 = arith.constant 0 : i32
      %dma_start3A_80 = tpu.memref_slice %arg6[%add3A_19, %dma_start3A_79] : memref<10240x128xf32, #tpu.memory_space<vmem_shared>> -> memref<128x128xf32, #tpu.memory_space<vmem_shared>>
      %dma_start3A_81 = arith.constant 0 : i32
      %dma_start3A_82 = tpu.memref_slice %arg6[%add3A_19, %dma_start3A_81] : memref<10240x128xf32, #tpu.memory_space<vmem_shared>> -> memref<128x128xf32, #tpu.memory_space<vmem_shared>>
      %dma_start3A_83 = arith.constant 0 : i32
      %dma_start3A_84 = arith.constant 0 : i32
      %dma_start3A_85 = tpu.memref_slice %arg9[%run_scoped3A_20, %dma_start3A_83, %dma_start3A_84] : memref<2x128x128xf32, #tpu.memory_space<vmem>> -> memref<1x128x128xf32, #tpu.memory_space<vmem>>
      %dma_start3A_86 = tpu.memref_squeeze %dma_start3A_85 : memref<1x128x128xf32, #tpu.memory_space<vmem>> -> memref<128x128xf32, #tpu.memory_space<vmem>>
      tpu.enqueue_dma source(%dma_start3A_86 : memref<128x128xf32, #tpu.memory_space<vmem>>) target(%dma_start3A_82 : memref<128x128xf32, #tpu.memory_space<vmem_shared>>) target_semaphore(%run_scoped3A_74 : memref<!tpu.dma_semaphore, #tpu.memory_space<semaphore_mem>>)
      %dma_wait3A_87 = arith.constant 0 : i32
      %dma_wait3A_88 = arith.constant 0 : i32
      %dma_wait3A_89 = tpu.memref_slice %arg9[%run_scoped3A_20, %dma_wait3A_87, %dma_wait3A_88] : memref<2x128x128xf32, #tpu.memory_space<vmem>> -> memref<1x128x128xf32, #tpu.memory_space<vmem>>
      %dma_wait3A_90 = tpu.memref_squeeze %dma_wait3A_89 : memref<1x128x128xf32, #tpu.memory_space<vmem>> -> memref<128x128xf32, #tpu.memory_space<vmem>>
      %dma_wait3A_91 = arith.constant 0 : i32
      %dma_wait3A_92 = tpu.memref_slice %arg6[%add3A_19, %dma_wait3A_91] : memref<10240x128xf32, #tpu.memory_space<vmem_shared>> -> memref<128x128xf32, #tpu.memory_space<vmem_shared>>
      %dma_wait3A_93 = arith.constant 0 : i32
      %dma_wait3A_94 = tpu.memref_slice %arg6[%add3A_19, %dma_wait3A_93] : memref<10240x128xf32, #tpu.memory_space<vmem_shared>> -> memref<128x128xf32, #tpu.memory_space<vmem_shared>>
      %dma_wait3A_95 = arith.constant 0 : i32
      %dma_wait3A_96 = arith.constant 0 : i32
      %dma_wait3A_97 = tpu.memref_slice %arg9[%run_scoped3A_20, %dma_wait3A_95, %dma_wait3A_96] : memref<2x128x128xf32, #tpu.memory_space<vmem>> -> memref<1x128x128xf32, #tpu.memory_space<vmem>>
      %dma_wait3A_98 = tpu.memref_squeeze %dma_wait3A_97 : memref<1x128x128xf32, #tpu.memory_space<vmem>> -> memref<128x128xf32, #tpu.memory_space<vmem>>
      tpu.wait_dma2 semaphore(%run_scoped3A_74 : memref<!tpu.dma_semaphore, #tpu.memory_space<semaphore_mem>>) src(%dma_wait3A_98 : memref<128x128xf32, #tpu.memory_space<vmem>>) dst(%dma_wait3A_94 : memref<128x128xf32, #tpu.memory_space<vmem_shared>>)
      tpu.yield
    }) : () -> ()
    %add3A_21 = arith.constant 512 : i32
    %add3A_22 = arith.addi %mul3A_10, %add3A_21 : i32
    %run_scoped3A_23 = arith.constant 0 : i32
    "tpu.region"() ({
      %run_scoped3A_74 = tpu.sem_alloc : memref<!tpu.dma_semaphore, #tpu.memory_space<semaphore_mem>>
      %dma_start3A_75 = arith.constant 0 : i32
      %dma_start3A_76 = arith.constant 0 : i32
      %dma_start3A_77 = tpu.memref_slice %arg9[%run_scoped3A_23, %dma_start3A_75, %dma_start3A_76] : memref<2x128x128xf32, #tpu.memory_space<vmem>> -> memref<1x128x128xf32, #tpu.memory_space<vmem>>
      %dma_start3A_78 = tpu.memref_squeeze %dma_start3A_77 : memref<1x128x128xf32, #tpu.memory_space<vmem>> -> memref<128x128xf32, #tpu.memory_space<vmem>>
      %dma_start3A_79 = arith.constant 0 : i32
      %dma_start3A_80 = tpu.memref_slice %arg6[%add3A_22, %dma_start3A_79] : memref<10240x128xf32, #tpu.memory_space<vmem_shared>> -> memref<128x128xf32, #tpu.memory_space<vmem_shared>>
      %dma_start3A_81 = arith.constant 0 : i32
      %dma_start3A_82 = tpu.memref_slice %arg6[%add3A_22, %dma_start3A_81] : memref<10240x128xf32, #tpu.memory_space<vmem_shared>> -> memref<128x128xf32, #tpu.memory_space<vmem_shared>>
      %dma_start3A_83 = arith.constant 0 : i32
      %dma_start3A_84 = arith.constant 0 : i32
      %dma_start3A_85 = tpu.memref_slice %arg9[%run_scoped3A_23, %dma_start3A_83, %dma_start3A_84] : memref<2x128x128xf32, #tpu.memory_space<vmem>> -> memref<1x128x128xf32, #tpu.memory_space<vmem>>
      %dma_start3A_86 = tpu.memref_squeeze %dma_start3A_85 : memref<1x128x128xf32, #tpu.memory_space<vmem>> -> memref<128x128xf32, #tpu.memory_space<vmem>>
      tpu.enqueue_dma source(%dma_start3A_86 : memref<128x128xf32, #tpu.memory_space<vmem>>) target(%dma_start3A_82 : memref<128x128xf32, #tpu.memory_space<vmem_shared>>) target_semaphore(%run_scoped3A_74 : memref<!tpu.dma_semaphore, #tpu.memory_space<semaphore_mem>>)
      %dma_wait3A_87 = arith.constant 0 : i32
      %dma_wait3A_88 = arith.constant 0 : i32
      %dma_wait3A_89 = tpu.memref_slice %arg9[%run_scoped3A_23, %dma_wait3A_87, %dma_wait3A_88] : memref<2x128x128xf32, #tpu.memory_space<vmem>> -> memref<1x128x128xf32, #tpu.memory_space<vmem>>
      %dma_wait3A_90 = tpu.memref_squeeze %dma_wait3A_89 : memref<1x128x128xf32, #tpu.memory_space<vmem>> -> memref<128x128xf32, #tpu.memory_space<vmem>>
      %dma_wait3A_91 = arith.constant 0 : i32
      %dma_wait3A_92 = tpu.memref_slice %arg6[%add3A_22, %dma_wait3A_91] : memref<10240x128xf32, #tpu.memory_space<vmem_shared>> -> memref<128x128xf32, #tpu.memory_space<vmem_shared>>
      %dma_wait3A_93 = arith.constant 0 : i32
      %dma_wait3A_94 = tpu.memref_slice %arg6[%add3A_22, %dma_wait3A_93] : memref<10240x128xf32, #tpu.memory_space<vmem_shared>> -> memref<128x128xf32, #tpu.memory_space<vmem_shared>>
      %dma_wait3A_95 = arith.constant 0 : i32
      %dma_wait3A_96 = arith.constant 0 : i32
      %dma_wait3A_97 = tpu.memref_slice %arg9[%run_scoped3A_23, %dma_wait3A_95, %dma_wait3A_96] : memref<2x128x128xf32, #tpu.memory_space<vmem>> -> memref<1x128x128xf32, #tpu.memory_space<vmem>>
      %dma_wait3A_98 = tpu.memref_squeeze %dma_wait3A_97 : memref<1x128x128xf32, #tpu.memory_space<vmem>> -> memref<128x128xf32, #tpu.memory_space<vmem>>
      tpu.wait_dma2 semaphore(%run_scoped3A_74 : memref<!tpu.dma_semaphore, #tpu.memory_space<semaphore_mem>>) src(%dma_wait3A_98 : memref<128x128xf32, #tpu.memory_space<vmem>>) dst(%dma_wait3A_94 : memref<128x128xf32, #tpu.memory_space<vmem_shared>>)
      tpu.yield
    }) : () -> ()
    %dma_wait3A = tpu.memref_slice %arg3[%arg0, %mul3A_0] : memref<2x163840xi32, #tpu.memory_space<hbm>> -> memref<1x10240xi32, #tpu.memory_space<hbm>>
    %dma_wait3A_24 = tpu.memref_squeeze %dma_wait3A : memref<1x10240xi32, #tpu.memory_space<hbm>> -> memref<10240xi32, #tpu.memory_space<hbm>>
    %dma_wait3A_25 = tpu.memref_slice %arg3[%arg0, %mul3A_0] : memref<2x163840xi32, #tpu.memory_space<hbm>> -> memref<1x10240xi32, #tpu.memory_space<hbm>>
    %dma_wait3A_26 = tpu.memref_squeeze %dma_wait3A_25 : memref<1x10240xi32, #tpu.memory_space<hbm>> -> memref<10240xi32, #tpu.memory_space<hbm>>
    tpu.wait_dma2 semaphore(%arg14 : memref<!tpu.dma_semaphore, #tpu.memory_space<semaphore_mem>>) src(%dma_wait3A_26 : memref<10240xi32, #tpu.memory_space<hbm>>) dst(%arg7 : memref<10240xi32, #tpu.memory_space<vmem>>)
    %barrier3A = arith.constant 0 : index
    tpu.barrier barrier_id(%barrier3A)
    %dma_start3A_27 = arith.constant 0 : i32
    %dma_start3A_28 = arith.constant 0 : i32
    %dma_start3A_29 = arith.constant 0 : i32
    %dma_start3A_30 = tpu.memref_slice %arg9[%dma_start3A_27, %dma_start3A_28, %dma_start3A_29] : memref<2x128x128xf32, #tpu.memory_space<vmem>> -> memref<1x128x128xf32, #tpu.memory_space<vmem>>
    %dma_start3A_31 = tpu.memref_squeeze %dma_start3A_30 : memref<1x128x128xf32, #tpu.memory_space<vmem>> -> memref<128x128xf32, #tpu.memory_space<vmem>>
    %dma_start3A_32 = arith.constant 0 : i32
    %dma_start3A_33 = tpu.memref_slice %arg7[%dma_start3A_32] : memref<10240xi32, #tpu.memory_space<vmem>> -> memref<128xi32, #tpu.memory_space<vmem>>
    %dma_start3A_34 = arith.constant 0 : i32
    %dma_start3A_35 = arith.constant 0 : i32
    %dma_start3A_36 = tpu.memref_slice %arg2[%dma_start3A_34, %dma_start3A_35] : memref<20480x128xf32, #tpu.memory_space<hbm>> -> memref<20480x128xf32, #tpu.memory_space<hbm>>
    tpu.enqueue_indirect_dma source(%dma_start3A_36 : memref<20480x128xf32, #tpu.memory_space<hbm>>) target(%dma_start3A_31 : memref<128x128xf32, #tpu.memory_space<vmem>>) offsets(%dma_start3A_33 : memref<128xi32, #tpu.memory_space<vmem>>) semaphore(%arg10 : memref<!tpu.dma_semaphore, #tpu.memory_space<semaphore_mem>>)
    %dma_start3A_37 = arith.constant 0 : i32
    %dma_start3A_38 = arith.constant 0 : i32
    %dma_start3A_39 = tpu.memref_slice %arg8[%dma_start3A_37, %dma_start3A_38] : memref<2x128xi32, #tpu.memory_space<vmem>> -> memref<1x128xi32, #tpu.memory_space<vmem>>
    %dma_start3A_40 = tpu.memref_squeeze %dma_start3A_39 : memref<1x128xi32, #tpu.memory_space<vmem>> -> memref<128xi32, #tpu.memory_space<vmem>>
    %dma_start3A_41 = tpu.memref_slice %arg4[%mul3A_0] : memref<163840xi32, #tpu.memory_space<hbm>> -> memref<128xi32, #tpu.memory_space<hbm>>
    %dma_start3A_42 = arith.constant 0 : i32
    %dma_start3A_43 = tpu.memref_slice %arg8[%dma_start3A_37, %dma_start3A_42] : memref<2x128xi32, #tpu.memory_space<vmem>> -> memref<1x128xi32, #tpu.memory_space<vmem>>
    %dma_start3A_44 = tpu.memref_squeeze %dma_start3A_43 : memref<1x128xi32, #tpu.memory_space<vmem>> -> memref<128xi32, #tpu.memory_space<vmem>>
    %dma_start3A_45 = tpu.memref_slice %arg4[%mul3A_0] : memref<163840xi32, #tpu.memory_space<hbm>> -> memref<128xi32, #tpu.memory_space<hbm>>
    tpu.enqueue_dma source(%dma_start3A_45 : memref<128xi32, #tpu.memory_space<hbm>>) target(%dma_start3A_44 : memref<128xi32, #tpu.memory_space<vmem>>) target_semaphore(%arg12 : memref<!tpu.dma_semaphore, #tpu.memory_space<semaphore_mem>>)
    %dma_start3A_46 = arith.constant 1 : i32
    %dma_start3A_47 = arith.constant 0 : i32
    %dma_start3A_48 = arith.constant 0 : i32
    %dma_start3A_49 = tpu.memref_slice %arg9[%dma_start3A_46, %dma_start3A_47, %dma_start3A_48] : memref<2x128x128xf32, #tpu.memory_space<vmem>> -> memref<1x128x128xf32, #tpu.memory_space<vmem>>
    %dma_start3A_50 = tpu.memref_squeeze %dma_start3A_49 : memref<1x128x128xf32, #tpu.memory_space<vmem>> -> memref<128x128xf32, #tpu.memory_space<vmem>>
    %dma_start3A_51 = arith.constant 128 : i32
    %dma_start3A_52 = tpu.memref_slice %arg7[%dma_start3A_51] : memref<10240xi32, #tpu.memory_space<vmem>> -> memref<128xi32, #tpu.memory_space<vmem>>
    %dma_start3A_53 = arith.constant 0 : i32
    %dma_start3A_54 = arith.constant 0 : i32
    %dma_start3A_55 = tpu.memref_slice %arg2[%dma_start3A_53, %dma_start3A_54] : memref<20480x128xf32, #tpu.memory_space<hbm>> -> memref<20480x128xf32, #tpu.memory_space<hbm>>
    tpu.enqueue_indirect_dma source(%dma_start3A_55 : memref<20480x128xf32, #tpu.memory_space<hbm>>) target(%dma_start3A_50 : memref<128x128xf32, #tpu.memory_space<vmem>>) offsets(%dma_start3A_52 : memref<128xi32, #tpu.memory_space<vmem>>) semaphore(%arg11 : memref<!tpu.dma_semaphore, #tpu.memory_space<semaphore_mem>>)
    %add3A_56 = arith.constant 128 : i32
    %add3A_57 = arith.addi %mul3A_0, %add3A_56 : i32
    %dma_start3A_58 = arith.constant 1 : i32
    %dma_start3A_59 = arith.constant 0 : i32
    %dma_start3A_60 = tpu.memref_slice %arg8[%dma_start3A_58, %dma_start3A_59] : memref<2x128xi32, #tpu.memory_space<vmem>> -> memref<1x128xi32, #tpu.memory_space<vmem>>
    %dma_start3A_61 = tpu.memref_squeeze %dma_start3A_60 : memref<1x128xi32, #tpu.memory_space<vmem>> -> memref<128xi32, #tpu.memory_space<vmem>>
    %dma_start3A_62 = tpu.memref_slice %arg4[%add3A_57] : memref<163840xi32, #tpu.memory_space<hbm>> -> memref<128xi32, #tpu.memory_space<hbm>>
    %dma_start3A_63 = arith.constant 0 : i32
    %dma_start3A_64 = tpu.memref_slice %arg8[%dma_start3A_58, %dma_start3A_63] : memref<2x128xi32, #tpu.memory_space<vmem>> -> memref<1x128xi32, #tpu.memory_space<vmem>>
    %dma_start3A_65 = tpu.memref_squeeze %dma_start3A_64 : memref<1x128xi32, #tpu.memory_space<vmem>> -> memref<128xi32, #tpu.memory_space<vmem>>
    %dma_start3A_66 = tpu.memref_slice %arg4[%add3A_57] : memref<163840xi32, #tpu.memory_space<hbm>> -> memref<128xi32, #tpu.memory_space<hbm>>
    tpu.enqueue_dma source(%dma_start3A_66 : memref<128xi32, #tpu.memory_space<hbm>>) target(%dma_start3A_65 : memref<128xi32, #tpu.memory_space<vmem>>) target_semaphore(%arg13 : memref<!tpu.dma_semaphore, #tpu.memory_space<semaphore_mem>>)
    %scan3A_67 = arith.constant 0 : i32
    %scan3A_68 = arith.constant 0 : i32
    %scan3A_69 = arith.constant 40 : i32
    %scan3A_70 = arith.addi %scan3A_68, %scan3A_69 : i32
    %scan3A_71 = arith.constant 1 : i32
    scf.for %scan3A_74 = %scan3A_68 to %scan3A_70 step %scan3A_71  : i32 {
      %mul3A_75 = arith.constant 2 : i32
      %mul3A_76 = arith.muli %scan3A_74, %mul3A_75 : i32
      %add3A_77 = arith.constant 0 : i32
      %add3A_78 = arith.addi %mul3A_76, %add3A_77 : i32
      %dma_wait3A_79 = arith.constant 0 : i32
      %dma_wait3A_80 = arith.constant 0 : i32
      %dma_wait3A_81 = arith.constant 0 : i32
      %dma_wait3A_82 = tpu.memref_slice %arg9[%dma_wait3A_79, %dma_wait3A_80, %dma_wait3A_81] : memref<2x128x128xf32, #tpu.memory_space<vmem>> -> memref<1x128x128xf32, #tpu.memory_space<vmem>>
      %dma_wait3A_83 = tpu.memref_squeeze %dma_wait3A_82 : memref<1x128x128xf32, #tpu.memory_space<vmem>> -> memref<128x128xf32, #tpu.memory_space<vmem>>
      %dma_wait3A_84 = arith.constant 0 : i32
      %dma_wait3A_85 = tpu.memref_slice %arg7[%dma_wait3A_84] : memref<10240xi32, #tpu.memory_space<vmem>> -> memref<128xi32, #tpu.memory_space<vmem>>
      %dma_wait3A_86 = arith.constant 0 : i32
      %dma_wait3A_87 = arith.constant 0 : i32
      %dma_wait3A_88 = tpu.memref_slice %arg2[%dma_wait3A_86, %dma_wait3A_87] : memref<20480x128xf32, #tpu.memory_space<hbm>> -> memref<20480x128xf32, #tpu.memory_space<hbm>>
      tpu.wait_indirect_dma semaphore(%arg10 : memref<!tpu.dma_semaphore, #tpu.memory_space<semaphore_mem>>) src(%dma_wait3A_88 : memref<20480x128xf32, #tpu.memory_space<hbm>>) dst(%dma_wait3A_83 : memref<128x128xf32, #tpu.memory_space<vmem>>)
      %dma_wait3A_89 = arith.constant 0 : i32
      %dma_wait3A_90 = arith.constant 0 : i32
      %dma_wait3A_91 = tpu.memref_slice %arg8[%dma_wait3A_89, %dma_wait3A_90] : memref<2x128xi32, #tpu.memory_space<vmem>> -> memref<1x128xi32, #tpu.memory_space<vmem>>
      %dma_wait3A_92 = tpu.memref_squeeze %dma_wait3A_91 : memref<1x128xi32, #tpu.memory_space<vmem>> -> memref<128xi32, #tpu.memory_space<vmem>>
      %dma_wait3A_93 = tpu.memref_slice %arg4[%mul3A_0] : memref<163840xi32, #tpu.memory_space<hbm>> -> memref<128xi32, #tpu.memory_space<hbm>>
      %dma_wait3A_94 = arith.constant 0 : i32
      %dma_wait3A_95 = tpu.memref_slice %arg8[%dma_wait3A_89, %dma_wait3A_94] : memref<2x128xi32, #tpu.memory_space<vmem>> -> memref<1x128xi32, #tpu.memory_space<vmem>>
      %dma_wait3A_96 = tpu.memref_squeeze %dma_wait3A_95 : memref<1x128xi32, #tpu.memory_space<vmem>> -> memref<128xi32, #tpu.memory_space<vmem>>
      %dma_wait3A_97 = tpu.memref_slice %arg4[%mul3A_0] : memref<163840xi32, #tpu.memory_space<hbm>> -> memref<128xi32, #tpu.memory_space<hbm>>
      tpu.wait_dma2 semaphore(%arg12 : memref<!tpu.dma_semaphore, #tpu.memory_space<semaphore_mem>>) src(%dma_wait3A_97 : memref<128xi32, #tpu.memory_space<hbm>>) dst(%dma_wait3A_96 : memref<128xi32, #tpu.memory_space<vmem>>)
      %dma_start3A_98 = arith.constant 0 : i32
      %dma_start3A_99 = arith.constant 0 : i32
      %dma_start3A_100 = arith.constant 0 : i32
      %dma_start3A_101 = arith.constant 0 : i32
      %dma_start3A_102 = tpu.memref_slice %arg9[%dma_start3A_98, %dma_start3A_100, %dma_start3A_101] : memref<2x128x128xf32, #tpu.memory_space<vmem>> -> memref<1x64x128xf32, #tpu.memory_space<vmem>>
      %dma_start3A_103 = tpu.memref_squeeze %dma_start3A_102 : memref<1x64x128xf32, #tpu.memory_space<vmem>> -> memref<64x128xf32, #tpu.memory_space<vmem>>
      %dma_start3A_104 = arith.constant 0 : i32
      %dma_start3A_105 = tpu.memref_slice %arg8[%dma_start3A_99, %dma_start3A_104] : memref<2x128xi32, #tpu.memory_space<vmem>> -> memref<1x64xi32, #tpu.memory_space<vmem>>
      %dma_start3A_106 = tpu.memref_squeeze %dma_start3A_105 : memref<1x64xi32, #tpu.memory_space<vmem>> -> memref<64xi32, #tpu.memory_space<vmem>>
      %dma_start3A_107 = arith.constant 0 : i32
      %dma_start3A_108 = arith.constant 0 : i32
      %dma_start3A_109 = tpu.memref_slice %arg6[%dma_start3A_107, %dma_start3A_108] : memref<10240x128xf32, #tpu.memory_space<vmem_shared>> -> memref<10240x128xf32, #tpu.memory_space<vmem_shared>>
      tpu.enqueue_indirect_dma source(%dma_start3A_103 : memref<64x128xf32, #tpu.memory_space<vmem>>) target(%dma_start3A_109 : memref<10240x128xf32, #tpu.memory_space<vmem_shared>>) offsets(%dma_start3A_106 : memref<64xi32, #tpu.memory_space<vmem>>) semaphore(%arg15 : memref<!tpu.dma_semaphore, #tpu.memory_space<semaphore_mem>>) {add = true}
      %dma_start3A_110 = arith.constant 0 : i32
      %dma_start3A_111 = arith.constant 0 : i32
      %dma_start3A_112 = arith.constant 64 : i32
      %dma_start3A_113 = arith.constant 0 : i32
      %dma_start3A_114 = tpu.memref_slice %arg9[%dma_start3A_110, %dma_start3A_112, %dma_start3A_113] : memref<2x128x128xf32, #tpu.memory_space<vmem>> -> memref<1x64x128xf32, #tpu.memory_space<vmem>>
      %dma_start3A_115 = tpu.memref_squeeze %dma_start3A_114 : memref<1x64x128xf32, #tpu.memory_space<vmem>> -> memref<64x128xf32, #tpu.memory_space<vmem>>
      %dma_start3A_116 = arith.constant 64 : i32
      %dma_start3A_117 = tpu.memref_slice %arg8[%dma_start3A_111, %dma_start3A_116] : memref<2x128xi32, #tpu.memory_space<vmem>> -> memref<1x64xi32, #tpu.memory_space<vmem>>
      %dma_start3A_118 = tpu.memref_squeeze %dma_start3A_117 : memref<1x64xi32, #tpu.memory_space<vmem>> -> memref<64xi32, #tpu.memory_space<vmem>>
      %dma_start3A_119 = arith.constant 0 : i32
      %dma_start3A_120 = arith.constant 0 : i32
      %dma_start3A_121 = tpu.memref_slice %arg6[%dma_start3A_119, %dma_start3A_120] : memref<10240x128xf32, #tpu.memory_space<vmem_shared>> -> memref<10240x128xf32, #tpu.memory_space<vmem_shared>>
      tpu.enqueue_indirect_dma source(%dma_start3A_115 : memref<64x128xf32, #tpu.memory_space<vmem>>) target(%dma_start3A_121 : memref<10240x128xf32, #tpu.memory_space<vmem_shared>>) offsets(%dma_start3A_118 : memref<64xi32, #tpu.memory_space<vmem>>) semaphore(%arg16 : memref<!tpu.dma_semaphore, #tpu.memory_space<semaphore_mem>>) {add = true}
      %dma_wait3A_122 = arith.constant 0 : i32
      %dma_wait3A_123 = arith.constant 0 : i32
      %dma_wait3A_124 = arith.constant 0 : i32
      %dma_wait3A_125 = arith.constant 0 : i32
      %dma_wait3A_126 = tpu.memref_slice %arg9[%dma_wait3A_122, %dma_wait3A_124, %dma_wait3A_125] : memref<2x128x128xf32, #tpu.memory_space<vmem>> -> memref<1x64x128xf32, #tpu.memory_space<vmem>>
      %dma_wait3A_127 = tpu.memref_squeeze %dma_wait3A_126 : memref<1x64x128xf32, #tpu.memory_space<vmem>> -> memref<64x128xf32, #tpu.memory_space<vmem>>
      %dma_wait3A_128 = arith.constant 0 : i32
      %dma_wait3A_129 = tpu.memref_slice %arg8[%dma_wait3A_123, %dma_wait3A_128] : memref<2x128xi32, #tpu.memory_space<vmem>> -> memref<1x64xi32, #tpu.memory_space<vmem>>
      %dma_wait3A_130 = tpu.memref_squeeze %dma_wait3A_129 : memref<1x64xi32, #tpu.memory_space<vmem>> -> memref<64xi32, #tpu.memory_space<vmem>>
      %dma_wait3A_131 = arith.constant 0 : i32
      %dma_wait3A_132 = arith.constant 0 : i32
      %dma_wait3A_133 = tpu.memref_slice %arg6[%dma_wait3A_131, %dma_wait3A_132] : memref<10240x128xf32, #tpu.memory_space<vmem_shared>> -> memref<10240x128xf32, #tpu.memory_space<vmem_shared>>
      tpu.wait_indirect_dma semaphore(%arg15 : memref<!tpu.dma_semaphore, #tpu.memory_space<semaphore_mem>>) src(%dma_wait3A_127 : memref<64x128xf32, #tpu.memory_space<vmem>>) dst(%dma_wait3A_133 : memref<10240x128xf32, #tpu.memory_space<vmem_shared>>)
      %dma_wait3A_134 = arith.constant 0 : i32
      %dma_wait3A_135 = arith.constant 0 : i32
      %dma_wait3A_136 = arith.constant 64 : i32
      %dma_wait3A_137 = arith.constant 0 : i32
      %dma_wait3A_138 = tpu.memref_slice %arg9[%dma_wait3A_134, %dma_wait3A_136, %dma_wait3A_137] : memref<2x128x128xf32, #tpu.memory_space<vmem>> -> memref<1x64x128xf32, #tpu.memory_space<vmem>>
      %dma_wait3A_139 = tpu.memref_squeeze %dma_wait3A_138 : memref<1x64x128xf32, #tpu.memory_space<vmem>> -> memref<64x128xf32, #tpu.memory_space<vmem>>
      %dma_wait3A_140 = arith.constant 64 : i32
      %dma_wait3A_141 = tpu.memref_slice %arg8[%dma_wait3A_135, %dma_wait3A_140] : memref<2x128xi32, #tpu.memory_space<vmem>> -> memref<1x64xi32, #tpu.memory_space<vmem>>
      %dma_wait3A_142 = tpu.memref_squeeze %dma_wait3A_141 : memref<1x64xi32, #tpu.memory_space<vmem>> -> memref<64xi32, #tpu.memory_space<vmem>>
      %dma_wait3A_143 = arith.constant 0 : i32
      %dma_wait3A_144 = arith.constant 0 : i32
      %dma_wait3A_145 = tpu.memref_slice %arg6[%dma_wait3A_143, %dma_wait3A_144] : memref<10240x128xf32, #tpu.memory_space<vmem_shared>> -> memref<10240x128xf32, #tpu.memory_space<vmem_shared>>
      tpu.wait_indirect_dma semaphore(%arg16 : memref<!tpu.dma_semaphore, #tpu.memory_space<semaphore_mem>>) src(%dma_wait3A_139 : memref<64x128xf32, #tpu.memory_space<vmem>>) dst(%dma_wait3A_145 : memref<10240x128xf32, #tpu.memory_space<vmem_shared>>)
      %add3A_146 = arith.constant 2 : i32
      %add3A_147 = arith.addi %add3A_78, %add3A_146 : i32
      %lt3A = arith.constant 80 : i32
      %lt3A_148 = arith.cmpi slt, %add3A_147, %lt3A : i32
      %convert_element_type3A = arith.extui %lt3A_148 : i1 to i32
      %cond3A = arith.constant 0 : i32
      %cond3A_149 = arith.cmpi ne, %convert_element_type3A, %cond3A : i32
      scf.if %cond3A_149 {
        %add3A_228 = arith.constant 2 : i32
        %add3A_229 = arith.addi %add3A_78, %add3A_228 : i32
        %mul3A_230 = arith.constant 128 : i32
        %mul3A_231 = arith.muli %add3A_229, %mul3A_230 : i32
        %dma_start3A_232 = arith.constant 0 : i32
        %dma_start3A_233 = arith.constant 0 : i32
        %dma_start3A_234 = arith.constant 0 : i32
        %dma_start3A_235 = tpu.memref_slice %arg9[%dma_start3A_232, %dma_start3A_233, %dma_start3A_234] : memref<2x128x128xf32, #tpu.memory_space<vmem>> -> memref<1x128x128xf32, #tpu.memory_space<vmem>>
        %dma_start3A_236 = tpu.memref_squeeze %dma_start3A_235 : memref<1x128x128xf32, #tpu.memory_space<vmem>> -> memref<128x128xf32, #tpu.memory_space<vmem>>
        %dma_start3A_237 = tpu.memref_slice %arg7[%mul3A_231] : memref<10240xi32, #tpu.memory_space<vmem>> -> memref<128xi32, #tpu.memory_space<vmem>>
        %dma_start3A_238 = arith.constant 0 : i32
        %dma_start3A_239 = arith.constant 0 : i32
        %dma_start3A_240 = tpu.memref_slice %arg2[%dma_start3A_238, %dma_start3A_239] : memref<20480x128xf32, #tpu.memory_space<hbm>> -> memref<20480x128xf32, #tpu.memory_space<hbm>>
        tpu.enqueue_indirect_dma source(%dma_start3A_240 : memref<20480x128xf32, #tpu.memory_space<hbm>>) target(%dma_start3A_236 : memref<128x128xf32, #tpu.memory_space<vmem>>) offsets(%dma_start3A_237 : memref<128xi32, #tpu.memory_space<vmem>>) semaphore(%arg10 : memref<!tpu.dma_semaphore, #tpu.memory_space<semaphore_mem>>)
        %add3A_241 = arith.constant 2 : i32
        %add3A_242 = arith.addi %add3A_78, %add3A_241 : i32
        %mul3A_243 = arith.constant 128 : i32
        %mul3A_244 = arith.muli %add3A_242, %mul3A_243 : i32
        %add3A_245 = arith.addi %mul3A_0, %mul3A_244 : i32
        %dma_start3A_246 = arith.constant 0 : i32
        %dma_start3A_247 = arith.constant 0 : i32
        %dma_start3A_248 = tpu.memref_slice %arg8[%dma_start3A_246, %dma_start3A_247] : memref<2x128xi32, #tpu.memory_space<vmem>> -> memref<1x128xi32, #tpu.memory_space<vmem>>
        %dma_start3A_249 = tpu.memref_squeeze %dma_start3A_248 : memref<1x128xi32, #tpu.memory_space<vmem>> -> memref<128xi32, #tpu.memory_space<vmem>>
        %dma_start3A_250 = tpu.memref_slice %arg4[%add3A_245] : memref<163840xi32, #tpu.memory_space<hbm>> -> memref<128xi32, #tpu.memory_space<hbm>>
        %dma_start3A_251 = arith.constant 0 : i32
        %dma_start3A_252 = tpu.memref_slice %arg8[%dma_start3A_246, %dma_start3A_251] : memref<2x128xi32, #tpu.memory_space<vmem>> -> memref<1x128xi32, #tpu.memory_space<vmem>>
        %dma_start3A_253 = tpu.memref_squeeze %dma_start3A_252 : memref<1x128xi32, #tpu.memory_space<vmem>> -> memref<128xi32, #tpu.memory_space<vmem>>
        %dma_start3A_254 = tpu.memref_slice %arg4[%add3A_245] : memref<163840xi32, #tpu.memory_space<hbm>> -> memref<128xi32, #tpu.memory_space<hbm>>
        tpu.enqueue_dma source(%dma_start3A_254 : memref<128xi32, #tpu.memory_space<hbm>>) target(%dma_start3A_253 : memref<128xi32, #tpu.memory_space<vmem>>) target_semaphore(%arg12 : memref<!tpu.dma_semaphore, #tpu.memory_space<semaphore_mem>>)
      } else {
      }
      %mul3A_150 = arith.constant 2 : i32
      %mul3A_151 = arith.muli %scan3A_74, %mul3A_150 : i32
      %add3A_152 = arith.constant 1 : i32
      %add3A_153 = arith.addi %mul3A_151, %add3A_152 : i32
      %dma_wait3A_154 = arith.constant 1 : i32
      %dma_wait3A_155 = arith.constant 0 : i32
      %dma_wait3A_156 = arith.constant 0 : i32
      %dma_wait3A_157 = tpu.memref_slice %arg9[%dma_wait3A_154, %dma_wait3A_155, %dma_wait3A_156] : memref<2x128x128xf32, #tpu.memory_space<vmem>> -> memref<1x128x128xf32, #tpu.memory_space<vmem>>
      %dma_wait3A_158 = tpu.memref_squeeze %dma_wait3A_157 : memref<1x128x128xf32, #tpu.memory_space<vmem>> -> memref<128x128xf32, #tpu.memory_space<vmem>>
      %dma_wait3A_159 = arith.constant 0 : i32
      %dma_wait3A_160 = tpu.memref_slice %arg7[%dma_wait3A_159] : memref<10240xi32, #tpu.memory_space<vmem>> -> memref<128xi32, #tpu.memory_space<vmem>>
      %dma_wait3A_161 = arith.constant 0 : i32
      %dma_wait3A_162 = arith.constant 0 : i32
      %dma_wait3A_163 = tpu.memref_slice %arg2[%dma_wait3A_161, %dma_wait3A_162] : memref<20480x128xf32, #tpu.memory_space<hbm>> -> memref<20480x128xf32, #tpu.memory_space<hbm>>
      tpu.wait_indirect_dma semaphore(%arg11 : memref<!tpu.dma_semaphore, #tpu.memory_space<semaphore_mem>>) src(%dma_wait3A_163 : memref<20480x128xf32, #tpu.memory_space<hbm>>) dst(%dma_wait3A_158 : memref<128x128xf32, #tpu.memory_space<vmem>>)
      %dma_wait3A_164 = arith.constant 1 : i32
      %dma_wait3A_165 = arith.constant 0 : i32
      %dma_wait3A_166 = tpu.memref_slice %arg8[%dma_wait3A_164, %dma_wait3A_165] : memref<2x128xi32, #tpu.memory_space<vmem>> -> memref<1x128xi32, #tpu.memory_space<vmem>>
      %dma_wait3A_167 = tpu.memref_squeeze %dma_wait3A_166 : memref<1x128xi32, #tpu.memory_space<vmem>> -> memref<128xi32, #tpu.memory_space<vmem>>
      %dma_wait3A_168 = tpu.memref_slice %arg4[%mul3A_0] : memref<163840xi32, #tpu.memory_space<hbm>> -> memref<128xi32, #tpu.memory_space<hbm>>
      %dma_wait3A_169 = arith.constant 0 : i32
      %dma_wait3A_170 = tpu.memref_slice %arg8[%dma_wait3A_164, %dma_wait3A_169] : memref<2x128xi32, #tpu.memory_space<vmem>> -> memref<1x128xi32, #tpu.memory_space<vmem>>
      %dma_wait3A_171 = tpu.memref_squeeze %dma_wait3A_170 : memref<1x128xi32, #tpu.memory_space<vmem>> -> memref<128xi32, #tpu.memory_space<vmem>>
      %dma_wait3A_172 = tpu.memref_slice %arg4[%mul3A_0] : memref<163840xi32, #tpu.memory_space<hbm>> -> memref<128xi32, #tpu.memory_space<hbm>>
      tpu.wait_dma2 semaphore(%arg13 : memref<!tpu.dma_semaphore, #tpu.memory_space<semaphore_mem>>) src(%dma_wait3A_172 : memref<128xi32, #tpu.memory_space<hbm>>) dst(%dma_wait3A_171 : memref<128xi32, #tpu.memory_space<vmem>>)
      %dma_start3A_173 = arith.constant 1 : i32
      %dma_start3A_174 = arith.constant 1 : i32
      %dma_start3A_175 = arith.constant 0 : i32
      %dma_start3A_176 = arith.constant 0 : i32
      %dma_start3A_177 = tpu.memref_slice %arg9[%dma_start3A_173, %dma_start3A_175, %dma_start3A_176] : memref<2x128x128xf32, #tpu.memory_space<vmem>> -> memref<1x64x128xf32, #tpu.memory_space<vmem>>
      %dma_start3A_178 = tpu.memref_squeeze %dma_start3A_177 : memref<1x64x128xf32, #tpu.memory_space<vmem>> -> memref<64x128xf32, #tpu.memory_space<vmem>>
      %dma_start3A_179 = arith.constant 0 : i32
      %dma_start3A_180 = tpu.memref_slice %arg8[%dma_start3A_174, %dma_start3A_179] : memref<2x128xi32, #tpu.memory_space<vmem>> -> memref<1x64xi32, #tpu.memory_space<vmem>>
      %dma_start3A_181 = tpu.memref_squeeze %dma_start3A_180 : memref<1x64xi32, #tpu.memory_space<vmem>> -> memref<64xi32, #tpu.memory_space<vmem>>
      %dma_start3A_182 = arith.constant 0 : i32
      %dma_start3A_183 = arith.constant 0 : i32
      %dma_start3A_184 = tpu.memref_slice %arg6[%dma_start3A_182, %dma_start3A_183] : memref<10240x128xf32, #tpu.memory_space<vmem_shared>> -> memref<10240x128xf32, #tpu.memory_space<vmem_shared>>
      tpu.enqueue_indirect_dma source(%dma_start3A_178 : memref<64x128xf32, #tpu.memory_space<vmem>>) target(%dma_start3A_184 : memref<10240x128xf32, #tpu.memory_space<vmem_shared>>) offsets(%dma_start3A_181 : memref<64xi32, #tpu.memory_space<vmem>>) semaphore(%arg15 : memref<!tpu.dma_semaphore, #tpu.memory_space<semaphore_mem>>) {add = true}
      %dma_start3A_185 = arith.constant 1 : i32
      %dma_start3A_186 = arith.constant 1 : i32
      %dma_start3A_187 = arith.constant 64 : i32
      %dma_start3A_188 = arith.constant 0 : i32
      %dma_start3A_189 = tpu.memref_slice %arg9[%dma_start3A_185, %dma_start3A_187, %dma_start3A_188] : memref<2x128x128xf32, #tpu.memory_space<vmem>> -> memref<1x64x128xf32, #tpu.memory_space<vmem>>
      %dma_start3A_190 = tpu.memref_squeeze %dma_start3A_189 : memref<1x64x128xf32, #tpu.memory_space<vmem>> -> memref<64x128xf32, #tpu.memory_space<vmem>>
      %dma_start3A_191 = arith.constant 64 : i32
      %dma_start3A_192 = tpu.memref_slice %arg8[%dma_start3A_186, %dma_start3A_191] : memref<2x128xi32, #tpu.memory_space<vmem>> -> memref<1x64xi32, #tpu.memory_space<vmem>>
      %dma_start3A_193 = tpu.memref_squeeze %dma_start3A_192 : memref<1x64xi32, #tpu.memory_space<vmem>> -> memref<64xi32, #tpu.memory_space<vmem>>
      %dma_start3A_194 = arith.constant 0 : i32
      %dma_start3A_195 = arith.constant 0 : i32
      %dma_start3A_196 = tpu.memref_slice %arg6[%dma_start3A_194, %dma_start3A_195] : memref<10240x128xf32, #tpu.memory_space<vmem_shared>> -> memref<10240x128xf32, #tpu.memory_space<vmem_shared>>
      tpu.enqueue_indirect_dma source(%dma_start3A_190 : memref<64x128xf32, #tpu.memory_space<vmem>>) target(%dma_start3A_196 : memref<10240x128xf32, #tpu.memory_space<vmem_shared>>) offsets(%dma_start3A_193 : memref<64xi32, #tpu.memory_space<vmem>>) semaphore(%arg16 : memref<!tpu.dma_semaphore, #tpu.memory_space<semaphore_mem>>) {add = true}
      %dma_wait3A_197 = arith.constant 1 : i32
      %dma_wait3A_198 = arith.constant 1 : i32
      %dma_wait3A_199 = arith.constant 0 : i32
      %dma_wait3A_200 = arith.constant 0 : i32
      %dma_wait3A_201 = tpu.memref_slice %arg9[%dma_wait3A_197, %dma_wait3A_199, %dma_wait3A_200] : memref<2x128x128xf32, #tpu.memory_space<vmem>> -> memref<1x64x128xf32, #tpu.memory_space<vmem>>
      %dma_wait3A_202 = tpu.memref_squeeze %dma_wait3A_201 : memref<1x64x128xf32, #tpu.memory_space<vmem>> -> memref<64x128xf32, #tpu.memory_space<vmem>>
      %dma_wait3A_203 = arith.constant 0 : i32
      %dma_wait3A_204 = tpu.memref_slice %arg8[%dma_wait3A_198, %dma_wait3A_203] : memref<2x128xi32, #tpu.memory_space<vmem>> -> memref<1x64xi32, #tpu.memory_space<vmem>>
      %dma_wait3A_205 = tpu.memref_squeeze %dma_wait3A_204 : memref<1x64xi32, #tpu.memory_space<vmem>> -> memref<64xi32, #tpu.memory_space<vmem>>
      %dma_wait3A_206 = arith.constant 0 : i32
      %dma_wait3A_207 = arith.constant 0 : i32
      %dma_wait3A_208 = tpu.memref_slice %arg6[%dma_wait3A_206, %dma_wait3A_207] : memref<10240x128xf32, #tpu.memory_space<vmem_shared>> -> memref<10240x128xf32, #tpu.memory_space<vmem_shared>>
      tpu.wait_indirect_dma semaphore(%arg15 : memref<!tpu.dma_semaphore, #tpu.memory_space<semaphore_mem>>) src(%dma_wait3A_202 : memref<64x128xf32, #tpu.memory_space<vmem>>) dst(%dma_wait3A_208 : memref<10240x128xf32, #tpu.memory_space<vmem_shared>>)
      %dma_wait3A_209 = arith.constant 1 : i32
      %dma_wait3A_210 = arith.constant 1 : i32
      %dma_wait3A_211 = arith.constant 64 : i32
      %dma_wait3A_212 = arith.constant 0 : i32
      %dma_wait3A_213 = tpu.memref_slice %arg9[%dma_wait3A_209, %dma_wait3A_211, %dma_wait3A_212] : memref<2x128x128xf32, #tpu.memory_space<vmem>> -> memref<1x64x128xf32, #tpu.memory_space<vmem>>
      %dma_wait3A_214 = tpu.memref_squeeze %dma_wait3A_213 : memref<1x64x128xf32, #tpu.memory_space<vmem>> -> memref<64x128xf32, #tpu.memory_space<vmem>>
      %dma_wait3A_215 = arith.constant 64 : i32
      %dma_wait3A_216 = tpu.memref_slice %arg8[%dma_wait3A_210, %dma_wait3A_215] : memref<2x128xi32, #tpu.memory_space<vmem>> -> memref<1x64xi32, #tpu.memory_space<vmem>>
      %dma_wait3A_217 = tpu.memref_squeeze %dma_wait3A_216 : memref<1x64xi32, #tpu.memory_space<vmem>> -> memref<64xi32, #tpu.memory_space<vmem>>
      %dma_wait3A_218 = arith.constant 0 : i32
      %dma_wait3A_219 = arith.constant 0 : i32
      %dma_wait3A_220 = tpu.memref_slice %arg6[%dma_wait3A_218, %dma_wait3A_219] : memref<10240x128xf32, #tpu.memory_space<vmem_shared>> -> memref<10240x128xf32, #tpu.memory_space<vmem_shared>>
      tpu.wait_indirect_dma semaphore(%arg16 : memref<!tpu.dma_semaphore, #tpu.memory_space<semaphore_mem>>) src(%dma_wait3A_214 : memref<64x128xf32, #tpu.memory_space<vmem>>) dst(%dma_wait3A_220 : memref<10240x128xf32, #tpu.memory_space<vmem_shared>>)
      %add3A_221 = arith.constant 2 : i32
      %add3A_222 = arith.addi %add3A_153, %add3A_221 : i32
      %lt3A_223 = arith.constant 80 : i32
      %lt3A_224 = arith.cmpi slt, %add3A_222, %lt3A_223 : i32
      %convert_element_type3A_225 = arith.extui %lt3A_224 : i1 to i32
      %cond3A_226 = arith.constant 0 : i32
      %cond3A_227 = arith.cmpi ne, %convert_element_type3A_225, %cond3A_226 : i32
      scf.if %cond3A_227 {
        %add3A_228 = arith.constant 2 : i32
        %add3A_229 = arith.addi %add3A_153, %add3A_228 : i32
        %mul3A_230 = arith.constant 128 : i32
        %mul3A_231 = arith.muli %add3A_229, %mul3A_230 : i32
        %dma_start3A_232 = arith.constant 1 : i32
        %dma_start3A_233 = arith.constant 0 : i32
        %dma_start3A_234 = arith.constant 0 : i32
        %dma_start3A_235 = tpu.memref_slice %arg9[%dma_start3A_232, %dma_start3A_233, %dma_start3A_234] : memref<2x128x128xf32, #tpu.memory_space<vmem>> -> memref<1x128x128xf32, #tpu.memory_space<vmem>>
        %dma_start3A_236 = tpu.memref_squeeze %dma_start3A_235 : memref<1x128x128xf32, #tpu.memory_space<vmem>> -> memref<128x128xf32, #tpu.memory_space<vmem>>
        %dma_start3A_237 = tpu.memref_slice %arg7[%mul3A_231] : memref<10240xi32, #tpu.memory_space<vmem>> -> memref<128xi32, #tpu.memory_space<vmem>>
        %dma_start3A_238 = arith.constant 0 : i32
        %dma_start3A_239 = arith.constant 0 : i32
        %dma_start3A_240 = tpu.memref_slice %arg2[%dma_start3A_238, %dma_start3A_239] : memref<20480x128xf32, #tpu.memory_space<hbm>> -> memref<20480x128xf32, #tpu.memory_space<hbm>>
        tpu.enqueue_indirect_dma source(%dma_start3A_240 : memref<20480x128xf32, #tpu.memory_space<hbm>>) target(%dma_start3A_236 : memref<128x128xf32, #tpu.memory_space<vmem>>) offsets(%dma_start3A_237 : memref<128xi32, #tpu.memory_space<vmem>>) semaphore(%arg11 : memref<!tpu.dma_semaphore, #tpu.memory_space<semaphore_mem>>)
        %add3A_241 = arith.constant 2 : i32
        %add3A_242 = arith.addi %add3A_153, %add3A_241 : i32
        %mul3A_243 = arith.constant 128 : i32
        %mul3A_244 = arith.muli %add3A_242, %mul3A_243 : i32
        %add3A_245 = arith.addi %mul3A_0, %mul3A_244 : i32
        %dma_start3A_246 = arith.constant 1 : i32
        %dma_start3A_247 = arith.constant 0 : i32
        %dma_start3A_248 = tpu.memref_slice %arg8[%dma_start3A_246, %dma_start3A_247] : memref<2x128xi32, #tpu.memory_space<vmem>> -> memref<1x128xi32, #tpu.memory_space<vmem>>
        %dma_start3A_249 = tpu.memref_squeeze %dma_start3A_248 : memref<1x128xi32, #tpu.memory_space<vmem>> -> memref<128xi32, #tpu.memory_space<vmem>>
        %dma_start3A_250 = tpu.memref_slice %arg4[%add3A_245] : memref<163840xi32, #tpu.memory_space<hbm>> -> memref<128xi32, #tpu.memory_space<hbm>>
        %dma_start3A_251 = arith.constant 0 : i32
        %dma_start3A_252 = tpu.memref_slice %arg8[%dma_start3A_246, %dma_start3A_251] : memref<2x128xi32, #tpu.memory_space<vmem>> -> memref<1x128xi32, #tpu.memory_space<vmem>>
        %dma_start3A_253 = tpu.memref_squeeze %dma_start3A_252 : memref<1x128xi32, #tpu.memory_space<vmem>> -> memref<128xi32, #tpu.memory_space<vmem>>
        %dma_start3A_254 = tpu.memref_slice %arg4[%add3A_245] : memref<163840xi32, #tpu.memory_space<hbm>> -> memref<128xi32, #tpu.memory_space<hbm>>
        tpu.enqueue_dma source(%dma_start3A_254 : memref<128xi32, #tpu.memory_space<hbm>>) target(%dma_start3A_253 : memref<128xi32, #tpu.memory_space<vmem>>) target_semaphore(%arg13 : memref<!tpu.dma_semaphore, #tpu.memory_space<semaphore_mem>>)
      } else {
      }
    }
    %scan3A_72 = arith.constant 40 : i32
    %barrier3A_73 = arith.constant 0 : index
    tpu.barrier barrier_id(%barrier3A_73)
    "tpu.region"() ({
      %run_scoped3A_74 = tpu.sem_alloc : memref<!tpu.dma_semaphore, #tpu.memory_space<semaphore_mem>>
      %dma_start3A_75 = arith.constant 0 : i32
      %dma_start3A_76 = tpu.memref_slice %arg5[%arg0, %mul3A_10, %dma_start3A_75] : memref<2x10240x128xf32, #tpu.memory_space<hbm>> -> memref<1x640x128xf32, #tpu.memory_space<hbm>>
      %dma_start3A_77 = tpu.memref_squeeze %dma_start3A_76 : memref<1x640x128xf32, #tpu.memory_space<hbm>> -> memref<640x128xf32, #tpu.memory_space<hbm>>
      %dma_start3A_78 = arith.constant 0 : i32
      %dma_start3A_79 = tpu.memref_slice %arg6[%mul3A_10, %dma_start3A_78] : memref<10240x128xf32, #tpu.memory_space<vmem_shared>> -> memref<640x128xf32, #tpu.memory_space<vmem_shared>>
      tpu.enqueue_dma source(%dma_start3A_79 : memref<640x128xf32, #tpu.memory_space<vmem_shared>>) target(%dma_start3A_77 : memref<640x128xf32, #tpu.memory_space<hbm>>) target_semaphore(%run_scoped3A_74 : memref<!tpu.dma_semaphore, #tpu.memory_space<semaphore_mem>>)
      %dma_wait3A_80 = arith.constant 0 : i32
      %dma_wait3A_81 = tpu.memref_slice %arg5[%arg0, %mul3A_10, %dma_wait3A_80] : memref<2x10240x128xf32, #tpu.memory_space<hbm>> -> memref<1x640x128xf32, #tpu.memory_space<hbm>>
      %dma_wait3A_82 = tpu.memref_squeeze %dma_wait3A_81 : memref<1x640x128xf32, #tpu.memory_space<hbm>> -> memref<640x128xf32, #tpu.memory_space<hbm>>
      %dma_wait3A_83 = arith.constant 0 : i32
      %dma_wait3A_84 = tpu.memref_slice %arg6[%mul3A_10, %dma_wait3A_83] : memref<10240x128xf32, #tpu.memory_space<vmem_shared>> -> memref<640x128xf32, #tpu.memory_space<vmem_shared>>
      tpu.wait_dma2 semaphore(%run_scoped3A_74 : memref<!tpu.dma_semaphore, #tpu.memory_space<semaphore_mem>>) src(%dma_wait3A_84 : memref<640x128xf32, #tpu.memory_space<vmem_shared>>) dst(%dma_wait3A_82 : memref<640x128xf32, #tpu.memory_space<hbm>>)
      tpu.yield
    }) : () -> ()
    return
  }
}

module attributes {stable_mosaic.version = 14 : i64} {
  func.func @_mm_scale_k(%arg0: i32, %arg1: memref<2000x256xf32, #tpu.memory_space<vmem>>, %arg2: memref<256x256xf32, #tpu.memory_space<vmem>>, %arg3: memref<2000x1xf32, #tpu.memory_space<vmem>>, %arg4: memref<2x2000x128xf32, #tpu.memory_space<vmem>>) attributes {dimension_semantics = [#tpu.dimension_semantics<arbitrary>], iteration_bounds = array<i64: 5>, scalar_prefetch = 0 : i64, scratch_operands = 0 : i64, tpu.core_type = #tpu.core_type<tc>, window_params = [{transform_indices = @transform_0, window_bounds = array<i64: 2000, 256>}, {pipeline_mode = #tpu.pipeline_mode<synchronous>, transform_indices = @transform_1, window_bounds = array<i64: 256, 256>}, {transform_indices = @transform_2, window_bounds = array<i64: 2000, 1>}, {transform_indices = @transform_3, window_bounds = array<i64: 2, 2000, 128>}]} {
    %get3A = arith.constant 0 : index
    %get3A_0 = arith.constant 0 : index
    %get3A_1 = vector.load %arg1[%get3A, %get3A_0] : memref<2000x256xf32, #tpu.memory_space<vmem>>, vector<2000x256xf32>
    %get3A_2 = arith.constant 0 : index
    %get3A_3 = arith.constant 0 : index
    %get3A_4 = vector.load %arg2[%get3A_2, %get3A_3] : memref<256x256xf32, #tpu.memory_space<vmem>>, vector<256x256xf32>
    %dot_general3A = arith.constant dense<0.000000e+00> : vector<2000x256xf32>
    %dot_general3A_5 = tpu.matmul %get3A_1, %get3A_4, %dot_general3A {dimension_numbers = #tpu.dot_dimension_numbers<[1], [0], [0], [1], [0, 0, 1, 1], [], []>, transpose_lhs_hint = false} : vector<2000x256xf32>, vector<256x256xf32>, vector<2000x256xf32> -> vector<2000x256xf32>
    %get3A_6 = arith.constant 0 : index
    %get3A_7 = arith.constant 0 : index
    %get3A_8 = vector.load %arg3[%get3A_6, %get3A_7] : memref<2000x1xf32, #tpu.memory_space<vmem>>, vector<2000x1xf32>
    %rsqrt3A = math.rsqrt %get3A_8 : vector<2000x1xf32>
    %mul3A = vector.broadcast %rsqrt3A : vector<2000x1xf32> to vector<2000x256xf32>
    %mul3A_9 = arith.mulf %dot_general3A_5, %mul3A : vector<2000x256xf32>
    %slice3A = vector.extract_strided_slice %mul3A_9 {offsets = [0, 0], sizes = [2000, 128], strides = [1, 1]} : vector<2000x256xf32> to vector<2000x128xf32>
    %swap3A = arith.constant 0 : index
    %swap3A_10 = arith.constant 0 : index
    %swap3A_11 = arith.constant 0 : index
    %swap3A_12 = vector.load %arg4[%swap3A, %swap3A_10, %swap3A_11] : memref<2x2000x128xf32, #tpu.memory_space<vmem>>, vector<1x2000x128xf32>
    %swap3A_13 = vector.shape_cast %swap3A_12 : vector<1x2000x128xf32> to vector<2000x128xf32>
    %swap3A_14 = vector.shape_cast %slice3A : vector<2000x128xf32> to vector<1x2000x128xf32>
    tpu.vector_store %arg4[%swap3A, %swap3A_10, %swap3A_11], %swap3A_14 {strides = array<i32>} : memref<2x2000x128xf32, #tpu.memory_space<vmem>>, vector<1x2000x128xf32>,
    %slice3A_15 = vector.extract_strided_slice %mul3A_9 {offsets = [0, 128], sizes = [2000, 128], strides = [1, 1]} : vector<2000x256xf32> to vector<2000x128xf32>
    %swap3A_16 = arith.constant 1 : index
    %swap3A_17 = arith.constant 0 : index
    %swap3A_18 = arith.constant 0 : index
    %swap3A_19 = vector.load %arg4[%swap3A_16, %swap3A_17, %swap3A_18] : memref<2x2000x128xf32, #tpu.memory_space<vmem>>, vector<1x2000x128xf32>
    %swap3A_20 = vector.shape_cast %swap3A_19 : vector<1x2000x128xf32> to vector<2000x128xf32>
    %swap3A_21 = vector.shape_cast %slice3A_15 : vector<2000x128xf32> to vector<1x2000x128xf32>
    tpu.vector_store %arg4[%swap3A_16, %swap3A_17, %swap3A_18], %swap3A_21 {strides = array<i32>} : memref<2x2000x128xf32, #tpu.memory_space<vmem>>, vector<1x2000x128xf32>,
    return
  }
  func.func @transform_0(%arg0: i32) -> (i32, i32) {
    %c0_i32 = arith.constant 0 : i32
    %c0_i32_0 = arith.constant 0 : i32
    return %arg0, %c0_i32 : i32, i32
  }
  func.func @transform_1(%arg0: i32) -> (i32, i32) {
    %c0_i32 = arith.constant 0 : i32
    %c0_i32_0 = arith.constant 0 : i32
    %c0_i32_1 = arith.constant 0 : i32
    return %c0_i32, %c0_i32_0 : i32, i32
  }
  func.func @transform_2(%arg0: i32) -> (i32, i32) {
    %c0_i32 = arith.constant 0 : i32
    %c0_i32_0 = arith.constant 0 : i32
    return %arg0, %c0_i32 : i32, i32
  }
  func.func @transform_3(%arg0: i32) -> (i32, i32, i32) {
    %c0_i32 = arith.constant 0 : i32
    %c0_i32_0 = arith.constant 0 : i32
    %c0_i32_1 = arith.constant 0 : i32
    return %c0_i32, %arg0, %c0_i32_0 : i32, i32, i32
  }
}

module attributes {stable_mosaic.version = 14 : i64} {
  func.func @_mid_k(%arg0: i32, %arg1: memref<2x2048x128xf32, #tpu.memory_space<vmem>>, %arg2: memref<2x2048x128xf32, #tpu.memory_space<vmem>>, %arg3: memref<2048x1xf32, #tpu.memory_space<vmem>>, %arg4: memref<1x256xf32, #tpu.memory_space<vmem>>, %arg5: memref<256x256xf32, #tpu.memory_space<vmem>>, %arg6: memref<2x2048x128xf32, #tpu.memory_space<vmem>>) attributes {dimension_semantics = [#tpu.dimension_semantics<arbitrary>], iteration_bounds = array<i64: 5>, scalar_prefetch = 0 : i64, scratch_operands = 0 : i64, tpu.core_type = #tpu.core_type<tc>, window_params = [{transform_indices = @transform_0, window_bounds = array<i64: 2, 2048, 128>}, {transform_indices = @transform_1, window_bounds = array<i64: 2, 2048, 128>}, {transform_indices = @transform_2, window_bounds = array<i64: 2048, 1>}, {pipeline_mode = #tpu.pipeline_mode<synchronous>, transform_indices = @transform_3, window_bounds = array<i64: 1, 256>}, {pipeline_mode = #tpu.pipeline_mode<synchronous>, transform_indices = @transform_4, window_bounds = array<i64: 256, 256>}, {transform_indices = @transform_5, window_bounds = array<i64: 2, 2048, 128>}]} {
    %get3A = arith.constant 0 : index
    %get3A_0 = arith.constant 0 : index
    %get3A_1 = vector.load %arg3[%get3A, %get3A_0] : memref<2048x1xf32, #tpu.memory_space<vmem>>, vector<2048x1xf32>
    %rsqrt3A = math.rsqrt %get3A_1 : vector<2048x1xf32>
    %get3A_2 = arith.constant 0 : index
    %get3A_3 = arith.constant 0 : index
    %get3A_4 = arith.constant 0 : index
    %get3A_5 = vector.load %arg1[%get3A_2, %get3A_3, %get3A_4] : memref<2x2048x128xf32, #tpu.memory_space<vmem>>, vector<1x2048x128xf32>
    %get3A_6 = vector.shape_cast %get3A_5 : vector<1x2048x128xf32> to vector<2048x128xf32>
    %get3A_7 = arith.constant 0 : index
    %get3A_8 = arith.constant 0 : index
    %get3A_9 = arith.constant 0 : index
    %get3A_10 = vector.load %arg2[%get3A_7, %get3A_8, %get3A_9] : memref<2x2048x128xf32, #tpu.memory_space<vmem>>, vector<1x2048x128xf32>
    %get3A_11 = vector.shape_cast %get3A_10 : vector<1x2048x128xf32> to vector<2048x128xf32>
    %add3A = arith.addf %get3A_6, %get3A_11 : vector<2048x128xf32>
    %mul3A = vector.broadcast %rsqrt3A : vector<2048x1xf32> to vector<2048x128xf32>
    %mul3A_12 = arith.mulf %mul3A, %add3A : vector<2048x128xf32>
    %get3A_13 = arith.constant 0 : index
    %get3A_14 = arith.constant 0 : index
    %get3A_15 = vector.load %arg4[%get3A_13, %get3A_14] : memref<1x256xf32, #tpu.memory_space<vmem>>, vector<1x128xf32>
    %add3A_16 = vector.broadcast %get3A_15 : vector<1x128xf32> to vector<2048x128xf32>
    %add3A_17 = arith.addf %mul3A_12, %add3A_16 : vector<2048x128xf32>
    %max3A = arith.constant 0.000000e+00 : f32
    %max3A_18 = vector.broadcast %max3A : f32 to vector<2048x128xf32>
    %max3A_19 = arith.maximumf %add3A_17, %max3A_18 : vector<2048x128xf32>
    %get3A_20 = arith.constant 1 : index
    %get3A_21 = arith.constant 0 : index
    %get3A_22 = arith.constant 0 : index
    %get3A_23 = vector.load %arg1[%get3A_20, %get3A_21, %get3A_22] : memref<2x2048x128xf32, #tpu.memory_space<vmem>>, vector<1x2048x128xf32>
    %get3A_24 = vector.shape_cast %get3A_23 : vector<1x2048x128xf32> to vector<2048x128xf32>
    %get3A_25 = arith.constant 1 : index
    %get3A_26 = arith.constant 0 : index
    %get3A_27 = arith.constant 0 : index
    %get3A_28 = vector.load %arg2[%get3A_25, %get3A_26, %get3A_27] : memref<2x2048x128xf32, #tpu.memory_space<vmem>>, vector<1x2048x128xf32>
    %get3A_29 = vector.shape_cast %get3A_28 : vector<1x2048x128xf32> to vector<2048x128xf32>
    %add3A_30 = arith.addf %get3A_24, %get3A_29 : vector<2048x128xf32>
    %mul3A_31 = vector.broadcast %rsqrt3A : vector<2048x1xf32> to vector<2048x128xf32>
    %mul3A_32 = arith.mulf %mul3A_31, %add3A_30 : vector<2048x128xf32>
    %get3A_33 = arith.constant 0 : index
    %get3A_34 = arith.constant 128 : index
    %get3A_35 = vector.load %arg4[%get3A_33, %get3A_34] : memref<1x256xf32, #tpu.memory_space<vmem>>, vector<1x128xf32>
    %add3A_36 = vector.broadcast %get3A_35 : vector<1x128xf32> to vector<2048x128xf32>
    %add3A_37 = arith.addf %mul3A_32, %add3A_36 : vector<2048x128xf32>
    %max3A_38 = arith.constant 0.000000e+00 : f32
    %max3A_39 = vector.broadcast %max3A_38 : f32 to vector<2048x128xf32>
    %max3A_40 = arith.maximumf %add3A_37, %max3A_39 : vector<2048x128xf32>
    %get3A_41 = arith.constant 0 : index
    %get3A_42 = arith.constant 0 : index
    %get3A_43 = vector.load %arg5[%get3A_41, %get3A_42] : memref<256x256xf32, #tpu.memory_space<vmem>>, vector<128x256xf32>
    %dot_general3A = arith.constant dense<0.000000e+00> : vector<2048x256xf32>
    %dot_general3A_44 = tpu.matmul %max3A_19, %get3A_43, %dot_general3A {dimension_numbers = #tpu.dot_dimension_numbers<[1], [0], [0], [1], [0, 0, 1, 1], [], []>, transpose_lhs_hint = false} : vector<2048x128xf32>, vector<128x256xf32>, vector<2048x256xf32> -> vector<2048x256xf32>
    %get3A_45 = arith.constant 128 : index
    %get3A_46 = arith.constant 0 : index
    %get3A_47 = vector.load %arg5[%get3A_45, %get3A_46] : memref<256x256xf32, #tpu.memory_space<vmem>>, vector<128x256xf32>
    %dot_general3A_48 = arith.constant dense<0.000000e+00> : vector<2048x256xf32>
    %dot_general3A_49 = tpu.matmul %max3A_40, %get3A_47, %dot_general3A_48 {dimension_numbers = #tpu.dot_dimension_numbers<[1], [0], [0], [1], [0, 0, 1, 1], [], []>, transpose_lhs_hint = false} : vector<2048x128xf32>, vector<128x256xf32>, vector<2048x256xf32> -> vector<2048x256xf32>
    %add3A_50 = arith.addf %dot_general3A_44, %dot_general3A_49 : vector<2048x256xf32>
    %mul3A_51 = vector.broadcast %rsqrt3A : vector<2048x1xf32> to vector<2048x256xf32>
    %mul3A_52 = arith.mulf %add3A_50, %mul3A_51 : vector<2048x256xf32>
    %slice3A = vector.extract_strided_slice %mul3A_52 {offsets = [0, 0], sizes = [2048, 128], strides = [1, 1]} : vector<2048x256xf32> to vector<2048x128xf32>
    %swap3A = arith.constant 0 : index
    %swap3A_53 = arith.constant 0 : index
    %swap3A_54 = arith.constant 0 : index
    %swap3A_55 = vector.load %arg6[%swap3A, %swap3A_53, %swap3A_54] : memref<2x2048x128xf32, #tpu.memory_space<vmem>>, vector<1x2048x128xf32>
    %swap3A_56 = vector.shape_cast %swap3A_55 : vector<1x2048x128xf32> to vector<2048x128xf32>
    %swap3A_57 = vector.shape_cast %slice3A : vector<2048x128xf32> to vector<1x2048x128xf32>
    tpu.vector_store %arg6[%swap3A, %swap3A_53, %swap3A_54], %swap3A_57 {strides = array<i32>} : memref<2x2048x128xf32, #tpu.memory_space<vmem>>, vector<1x2048x128xf32>,
    %slice3A_58 = vector.extract_strided_slice %mul3A_52 {offsets = [0, 128], sizes = [2048, 128], strides = [1, 1]} : vector<2048x256xf32> to vector<2048x128xf32>
    %swap3A_59 = arith.constant 1 : index
    %swap3A_60 = arith.constant 0 : index
    %swap3A_61 = arith.constant 0 : index
    %swap3A_62 = vector.load %arg6[%swap3A_59, %swap3A_60, %swap3A_61] : memref<2x2048x128xf32, #tpu.memory_space<vmem>>, vector<1x2048x128xf32>
    %swap3A_63 = vector.shape_cast %swap3A_62 : vector<1x2048x128xf32> to vector<2048x128xf32>
    %swap3A_64 = vector.shape_cast %slice3A_58 : vector<2048x128xf32> to vector<1x2048x128xf32>
    tpu.vector_store %arg6[%swap3A_59, %swap3A_60, %swap3A_61], %swap3A_64 {strides = array<i32>} : memref<2x2048x128xf32, #tpu.memory_space<vmem>>, vector<1x2048x128xf32>,
    return
  }
  func.func @transform_0(%arg0: i32) -> (i32, i32, i32) {
    %c0_i32 = arith.constant 0 : i32
    %c0_i32_0 = arith.constant 0 : i32
    %c0_i32_1 = arith.constant 0 : i32
    return %c0_i32, %arg0, %c0_i32_0 : i32, i32, i32
  }
  func.func @transform_1(%arg0: i32) -> (i32, i32, i32) {
    %c0_i32 = arith.constant 0 : i32
    %c0_i32_0 = arith.constant 0 : i32
    %c0_i32_1 = arith.constant 0 : i32
    return %c0_i32, %arg0, %c0_i32_0 : i32, i32, i32
  }
  func.func @transform_2(%arg0: i32) -> (i32, i32) {
    %c0_i32 = arith.constant 0 : i32
    %c0_i32_0 = arith.constant 0 : i32
    return %arg0, %c0_i32 : i32, i32
  }
  func.func @transform_3(%arg0: i32) -> (i32, i32) {
    %c0_i32 = arith.constant 0 : i32
    %c0_i32_0 = arith.constant 0 : i32
    %c0_i32_1 = arith.constant 0 : i32
    return %c0_i32, %c0_i32_0 : i32, i32
  }
  func.func @transform_4(%arg0: i32) -> (i32, i32) {
    %c0_i32 = arith.constant 0 : i32
    %c0_i32_0 = arith.constant 0 : i32
    %c0_i32_1 = arith.constant 0 : i32
    return %c0_i32, %c0_i32_0 : i32, i32
  }
  func.func @transform_5(%arg0: i32) -> (i32, i32, i32) {
    %c0_i32 = arith.constant 0 : i32
    %c0_i32_0 = arith.constant 0 : i32
    %c0_i32_1 = arith.constant 0 : i32
    return %c0_i32, %arg0, %c0_i32_0 : i32, i32, i32
  }
}

module attributes {stable_mosaic.version = 14 : i64} {
  func.func @_fin_k(%arg0: i32, %arg1: memref<2x2000x128xf32, #tpu.memory_space<vmem>>, %arg2: memref<2x2000x128xf32, #tpu.memory_space<vmem>>, %arg3: memref<2000x1xf32, #tpu.memory_space<vmem>>, %arg4: memref<1x256xf32, #tpu.memory_space<vmem>>, %arg5: memref<2000x256xf32, #tpu.memory_space<vmem>>) attributes {dimension_semantics = [#tpu.dimension_semantics<arbitrary>], iteration_bounds = array<i64: 5>, scalar_prefetch = 0 : i64, scratch_operands = 0 : i64, tpu.core_type = #tpu.core_type<tc>, window_params = [{transform_indices = @transform_0, window_bounds = array<i64: 2, 2000, 128>}, {transform_indices = @transform_1, window_bounds = array<i64: 2, 2000, 128>}, {transform_indices = @transform_2, window_bounds = array<i64: 2000, 1>}, {pipeline_mode = #tpu.pipeline_mode<synchronous>, transform_indices = @transform_3, window_bounds = array<i64: 1, 256>}, {transform_indices = @transform_4, window_bounds = array<i64: 2000, 256>}]} {
    %get3A = arith.constant 0 : index
    %get3A_0 = arith.constant 0 : index
    %get3A_1 = vector.load %arg3[%get3A, %get3A_0] : memref<2000x1xf32, #tpu.memory_space<vmem>>, vector<2000x1xf32>
    %rsqrt3A = math.rsqrt %get3A_1 : vector<2000x1xf32>
    %get3A_2 = arith.constant 0 : index
    %get3A_3 = arith.constant 0 : index
    %get3A_4 = arith.constant 0 : index
    %get3A_5 = vector.load %arg1[%get3A_2, %get3A_3, %get3A_4] : memref<2x2000x128xf32, #tpu.memory_space<vmem>>, vector<1x2000x128xf32>
    %get3A_6 = vector.shape_cast %get3A_5 : vector<1x2000x128xf32> to vector<2000x128xf32>
    %get3A_7 = arith.constant 0 : index
    %get3A_8 = arith.constant 0 : index
    %get3A_9 = arith.constant 0 : index
    %get3A_10 = vector.load %arg2[%get3A_7, %get3A_8, %get3A_9] : memref<2x2000x128xf32, #tpu.memory_space<vmem>>, vector<1x2000x128xf32>
    %get3A_11 = vector.shape_cast %get3A_10 : vector<1x2000x128xf32> to vector<2000x128xf32>
    %add3A = arith.addf %get3A_6, %get3A_11 : vector<2000x128xf32>
    %mul3A = vector.broadcast %rsqrt3A : vector<2000x1xf32> to vector<2000x128xf32>
    %mul3A_12 = arith.mulf %mul3A, %add3A : vector<2000x128xf32>
    %get3A_13 = arith.constant 0 : index
    %get3A_14 = arith.constant 0 : index
    %get3A_15 = vector.load %arg4[%get3A_13, %get3A_14] : memref<1x256xf32, #tpu.memory_space<vmem>>, vector<1x128xf32>
    %add3A_16 = vector.broadcast %get3A_15 : vector<1x128xf32> to vector<2000x128xf32>
    %add3A_17 = arith.addf %mul3A_12, %add3A_16 : vector<2000x128xf32>
    %max3A = arith.constant 0.000000e+00 : f32
    %max3A_18 = vector.broadcast %max3A : f32 to vector<2000x128xf32>
    %max3A_19 = arith.maximumf %add3A_17, %max3A_18 : vector<2000x128xf32>
    %swap3A = arith.constant 0 : index
    %swap3A_20 = arith.constant 0 : index
    %swap3A_21 = vector.load %arg5[%swap3A, %swap3A_20] : memref<2000x256xf32, #tpu.memory_space<vmem>>, vector<2000x128xf32>
    tpu.vector_store %arg5[%swap3A, %swap3A_20], %max3A_19 {strides = array<i32>} : memref<2000x256xf32, #tpu.memory_space<vmem>>, vector<2000x128xf32>,
    %get3A_22 = arith.constant 1 : index
    %get3A_23 = arith.constant 0 : index
    %get3A_24 = arith.constant 0 : index
    %get3A_25 = vector.load %arg1[%get3A_22, %get3A_23, %get3A_24] : memref<2x2000x128xf32, #tpu.memory_space<vmem>>, vector<1x2000x128xf32>
    %get3A_26 = vector.shape_cast %get3A_25 : vector<1x2000x128xf32> to vector<2000x128xf32>
    %get3A_27 = arith.constant 1 : index
    %get3A_28 = arith.constant 0 : index
    %get3A_29 = arith.constant 0 : index
    %get3A_30 = vector.load %arg2[%get3A_27, %get3A_28, %get3A_29] : memref<2x2000x128xf32, #tpu.memory_space<vmem>>, vector<1x2000x128xf32>
    %get3A_31 = vector.shape_cast %get3A_30 : vector<1x2000x128xf32> to vector<2000x128xf32>
    %add3A_32 = arith.addf %get3A_26, %get3A_31 : vector<2000x128xf32>
    %mul3A_33 = vector.broadcast %rsqrt3A : vector<2000x1xf32> to vector<2000x128xf32>
    %mul3A_34 = arith.mulf %mul3A_33, %add3A_32 : vector<2000x128xf32>
    %get3A_35 = arith.constant 0 : index
    %get3A_36 = arith.constant 128 : index
    %get3A_37 = vector.load %arg4[%get3A_35, %get3A_36] : memref<1x256xf32, #tpu.memory_space<vmem>>, vector<1x128xf32>
    %add3A_38 = vector.broadcast %get3A_37 : vector<1x128xf32> to vector<2000x128xf32>
    %add3A_39 = arith.addf %mul3A_34, %add3A_38 : vector<2000x128xf32>
    %max3A_40 = arith.constant 0.000000e+00 : f32
    %max3A_41 = vector.broadcast %max3A_40 : f32 to vector<2000x128xf32>
    %max3A_42 = arith.maximumf %add3A_39, %max3A_41 : vector<2000x128xf32>
    %swap3A_43 = arith.constant 0 : index
    %swap3A_44 = arith.constant 128 : index
    %swap3A_45 = vector.load %arg5[%swap3A_43, %swap3A_44] : memref<2000x256xf32, #tpu.memory_space<vmem>>, vector<2000x128xf32>
    tpu.vector_store %arg5[%swap3A_43, %swap3A_44], %max3A_42 {strides = array<i32>} : memref<2000x256xf32, #tpu.memory_space<vmem>>, vector<2000x128xf32>,
    return
  }
  func.func @transform_0(%arg0: i32) -> (i32, i32, i32) {
    %c0_i32 = arith.constant 0 : i32
    %c0_i32_0 = arith.constant 0 : i32
    %c0_i32_1 = arith.constant 0 : i32
    return %c0_i32, %arg0, %c0_i32_0 : i32, i32, i32
  }
  func.func @transform_1(%arg0: i32) -> (i32, i32, i32) {
    %c0_i32 = arith.constant 0 : i32
    %c0_i32_0 = arith.constant 0 : i32
    %c0_i32_1 = arith.constant 0 : i32
    return %c0_i32, %arg0, %c0_i32_0 : i32, i32, i32
  }
  func.func @transform_2(%arg0: i32) -> (i32, i32) {
    %c0_i32 = arith.constant 0 : i32
    %c0_i32_0 = arith.constant 0 : i32
    return %arg0, %c0_i32 : i32, i32
  }
  func.func @transform_3(%arg0: i32) -> (i32, i32) {
    %c0_i32 = arith.constant 0 : i32
    %c0_i32_0 = arith.constant 0 : i32
    %c0_i32_1 = arith.constant 0 : i32
    return %c0_i32, %c0_i32_0 : i32, i32
  }
  func.func @transform_4(%arg0: i32) -> (i32, i32) {
    %c0_i32 = arith.constant 0 : i32
    %c0_i32_0 = arith.constant 0 : i32
    return %arg0, %c0_i32 : i32, i32
  }
}

</mosaic_0001>

<sc_bundles>
// kernel: kernel.11.cloned.1.call-start
scs
__scs_entry_jumppad:
0x0: {  	(pc) =	sbr.rel $0x88, $3  }
0x1: {  	(tag) =	ssettag $0x0;
	lr =	simm.s32 $0x1  }
0x2: {  	[smem:$0x3F9B] =	sst lr;
	_ =	strace $0xD0000000  }
0x3: {  	_ = 	snop  }
0x4: {  	_ = 	snop  }
0x5: {  	_ = 	snop  }
0x6: {  	_ = 	snop  }
0x7: {  	_ = 	snop  }
__scs_overlays_trampoline_lowered:
0x8: {  	[smem:$0x3FAA] =	sst s0  }
0x9: {  	[smem:$0x3FAB] =	sst s1  }
0xa: {  	[smem:$0x3FAC] =	sst s2  }
0xb: {  	[smem:$0x3FAD] =	sst s3  }
0xc: {  	[smem:$0x3FAE] =	sst s4  }
0xd: {  	[smem:$0x3FAF] =	sst s5  }
0xe: {  	[smem:$0x3FB0] =	sst s6  }
0xf: {  	[smem:$0x3FB1] =	sst s7  }
0x10: {  	[smem:$0x3FB2] =	sst s8  }
0x11: {  	[smem:$0x3FB3] =	sst s9;
	s0 =	simm.s32 @!p0 $0x0  }
0x12: {  	s1 =	sld [smem:$0x3F99];
	s0 =	simm.s32 @p0 $0x1  }
0x13: {  	[smem:$0x3FB4] =	sst s0;
	s0 =	simm.s32 @!p1 $0x0  }
0x14: {  	s2 =	sld [smem:$0x3F98];
	s0 =	simm.s32 @p1 $0x1  }
0x15: {  	[smem:$0x3FB5] =	sst s0;
	s0 =	simm.s32 @!p2 $0x0  }
0x16: {  	s3 =	sld [smem:$0x3FDB];
	s0 =	simm.s32 @p2 $0x1  }
0x17: {  	s4 =	simm.s32 $0x1BF5;
	[smem:$0x3FB7] =	sst s0  }
0x18: {  	s0 =	sld [smem:$0x3F9A];
	_ =	swait.ge [sflag:s4], $0x0  }
0x19: {  	s7 =	sld [smem:$0x3F9B]  }
0x1a: {  	s8 =	sadd.s32 $0xFFFFE003, lr  }
0x1b: {  	s9 =	sadd.s32 $0xFFFFFEF7, lr;
	s5 =	simm.s32 $0xFFFFFFFF;
	p2 =	slt.u32 s8, $0xFFFFF086  }
0x1c: {  	p1 =	slt.u32 s9, $0xF7A;
	s5 =	simm.s32 @!p2 $0x0  }
0x1d: {  	s5 =	simm.s32 @p1 $0x1;
	p0 =	seq.s32 s7, s2  }
0x1e: {  	s7 =	smul.u32 @!p0 $0xF7A, s2;
	p2 =	seq.s32 @!p0 s5, $0x0  }
0x1f: {  	s9 =	smul.u32 $0xF7A, s1;
	s8 =	simm.s32 @!p0 $0x1BF5;
	p2 =	por !p2, p0  }
0x20: {  	[sflag:s8] =	ssyncset.s32 @!p0 $0xFFFFF086;
	s6 =	sadd.s32 @!p0 s3, s7;
	s7 =	simm.s32 @!p0 $0x108  }
0x21: {  	s3 =	sadd.s32 s3, s9;
	s6 =	sadd.s32 @!p0 $0x88, s6;
	s7 =	simm.s32 @p2 $0x1082  }
0x22: {  	[simem:s7], [sflag:s8] =	dma.local @!p0 [hbm:s6], $0xF7A  }
0x23: {  	s9 =	sor.u32 $0xD0000000, s2;
	s6 =	simm.s32 $0x108;
	_ =	swait.ge @!p0 [sflag:s8], $0x0  }
0x24: {  	s3 =	sadd.s32 $0x88, s3;
	s6 =	simm.s32 @!p1 $0x1082;
	[sflag:s4] =	ssyncset.s32 $0xFFFFF086  }
0x25: {  	[simem:s6], [sflag:s4] =	dma.local [hbm:s3], $0xF7A  }
0x26: {  	[smem:$0x3F9B] =	sst s1;
	(tag) =	ssettag s2;
	_ =	strace s9  }
0x27: {  	s1 =	sld [smem:$0x3FAB]  }
0x28: {  	s2 =	sld [smem:$0x3FAC]  }
0x29: {  	s4 =	sld [smem:$0x3FAE]  }
0x2a: {  	p0 =	seq.s32 s5, $0x0;
	s5 =	sld [smem:$0x3FAF]  }
0x2b: {  	s6 =	sld [smem:$0x3FB0]  }
0x2c: {  	s7 =	sld [smem:$0x3FB1]  }
0x2d: {  	s3 =	simm.s32 $0x108;
	s8 =	sld [smem:$0x3FB2]  }
0x2e: {  	s3 =	simm.s32 @!p0 $0x1082;
	s9 =	sld [smem:$0x3FB3]  }
0x2f: {  	lr =	sadd.s32 s0, s3;
	s0 =	sld [smem:$0x3FAA]  }
0x30: {  	s3 =	sld [smem:$0x3FAD]  }
0x31: {  	[smem:$0x3FB6] =	sst s10  }
0x32: {  	s10 =	sld [smem:$0x3FB4];
	_ =	sdelay $0x3  }
0x33: {  	p0 =	seq.s32 s10, $0x1;
	s10 =	sld [smem:$0x3FB6];
	_ =	sdelay $0x3  }
0x34: {  	[smem:$0x3FB6] =	sst s10  }
0x35: {  	s10 =	sld [smem:$0x3FB5];
	_ =	sdelay $0x3  }
0x36: {  	p1 =	seq.s32 s10, $0x1;
	s10 =	sld [smem:$0x3FB6];
	_ =	sdelay $0x3  }
0x37: {  	[smem:$0x3FB6] =	sst s10  }
0x38: {  	s10 =	sld [smem:$0x3FB7]  }
0x39: {  	_ = 	snop;
	(pc) =	sbr.ind lr, $3  }
0x3a: {  	_ = 	snop  }
0x3b: {  	_ = 	snop  }
0x3c: {  	p2 =	seq.s32 s10, $0x1;
	s10 =	sld [smem:$0x3FB6]  }
0x3d: {  	_ =	shalt  }
0x3e: {  	_ =	shalt  }
0x3f: {  	_ =	shalt  }
0x40: {  	_ =	shalt  }
0x41: {  	_ =	shalt  }
0x42: {  	_ =	shalt  }
0x43: {  	_ =	shalt  }
0x44: {  	_ =	shalt  }
0x45: {  	_ =	shalt  }
0x46: {  	_ =	shalt  }
0x47: {  	_ =	shalt  }
0x48: {  	_ =	shalt  }
0x49: {  	_ =	shalt  }
0x4a: {  	_ =	shalt  }
0x4b: {  	_ =	shalt  }
0x4c: {  	_ =	shalt  }
0x4d: {  	_ =	shalt  }
0x4e: {  	_ =	shalt  }
0x4f: {  	_ =	shalt  }
0x50: {  	_ =	shalt  }
0x51: {  	_ =	shalt  }
0x52: {  	_ =	shalt  }
0x53: {  	_ =	shalt  }
0x54: {  	_ =	shalt  }
0x55: {  	_ =	shalt  }
0x56: {  	_ =	shalt  }
0x57: {  	_ =	shalt  }
0x58: {  	_ =	shalt  }
0x59: {  	_ =	shalt  }
0x5a: {  	_ =	shalt  }
0x5b: {  	_ =	shalt  }
0x5c: {  	_ =	shalt  }
0x5d: {  	_ =	shalt  }
0x5e: {  	_ =	shalt  }
0x5f: {  	_ =	shalt  }
0x60: {  	_ =	shalt  }
0x61: {  	_ =	shalt  }
0x62: {  	_ =	shalt  }
0x63: {  	_ =	shalt  }
0x64: {  	_ =	shalt  }
0x65: {  	_ =	shalt  }
0x66: {  	_ =	shalt  }
0x67: {  	_ =	shalt  }
0x68: {  	_ =	shalt  }
0x69: {  	_ =	shalt  }
0x6a: {  	_ =	shalt  }
0x6b: {  	_ =	shalt  }
0x6c: {  	_ =	shalt  }
0x6d: {  	_ =	shalt  }
0x6e: {  	_ =	shalt  }
0x6f: {  	_ =	shalt  }
0x70: {  	_ =	shalt  }
0x71: {  	_ =	shalt  }
0x72: {  	_ =	shalt  }
0x73: {  	_ =	shalt  }
0x74: {  	_ =	shalt  }
0x75: {  	_ =	shalt  }
0x76: {  	_ =	shalt  }
0x77: {  	_ =	shalt  }
0x78: {  	_ =	shalt  }
0x79: {  	_ =	shalt  }
0x7a: {  	_ =	shalt  }
0x7b: {  	_ =	shalt  }
0x7c: {  	_ =	shalt  }
0x7d: {  	_ =	shalt  }
0x7e: {  	_ =	shalt  }
0x7f: {  	_ =	shalt  }
0x80: {  	_ =	shalt  }
0x81: {  	_ =	shalt  }
0x82: {  	_ =	shalt  }
0x83: {  	_ =	shalt  }
0x84: {  	_ =	shalt  }
0x85: {  	_ =	shalt  }
0x86: {  	_ =	shalt  }
0x87: {  	_ =	shalt  }
.Lfunc_end0:
.L_simem_size_0:
called_computation.1_lowered:
.L_overlay_start_0:
0x88: {  	s2 =	sld [smem:$0x3FD9]  }
0x89: {  	s3 =	sld [smem:$0x3FFE];
	_ =	sdelay $0x1  }
0x8a: {  	s1 =	srdreg.scid  }
0x8b: {  	s0 =	sand.u32 $0x1, s1  }
0x8c: {  	s17 =	sshll.u32 s0, $0xA;
	s2 =	sadd.s32 s3, s2  }
0x8d: {  	s2 =	sadd.s32 s2, s17  }
0x8e: {  	[smem:$0x3FC2] =	sst s2  }
0x8f: {  	_ = 	snop  }
0x90: {  	s2 =	sld [smem:$0x3FD0];
	(tm) =	ssettm $0x1  }
0x91: {  	s18 =	sld [smem:$0x3FFB];
	_ =	sdelay $0x3  }
0x92: {  	_ =	strace s18  }
0x93: {  	s3 =	sld [smem:$0x3FFC];
	_ =	sdelay $0x3  }
0x94: {  	_ =	strace s3  }
0x95: {  	s3 =	sld [smem:$0x3FFD];
	_ =	sdelay $0x3  }
0x96: {  	_ =	strace s3  }
0x97: {  	_ =	strace $0x8FFFFFFF  }
0x98: {  	s19 =	sld [smem:$0x3FDB];
	_ =	sdelay $0x1  }
0x99: {  	s4 =	simm.s32 $_scs_section_size  }
0x9a: {  	s5 =	simm.s32 $_size__tile_overlayer_lowered;
	s6 =	simm.s32 $_tile_overlayer_lowered  }
0x9b: {  	s22 =	simm.s32 $0x1BFF;
	s21 =	sshll.u32 s6, $0x1;
	s3 =	sadd.s32 s4, s19  }
0x9c: {  	s7 =	simm.s32 $0x0;
	s20 =	sshll.u32 s5, $0x1;
	s5 =	sadd.s32 s21, s3  }
0x9d: {  	[timem:s7], [sflag:s22] =	dma.local [hbm:s5], s20  }
0x9e: {  	_ =	swait.ge [sflag:s22], s20  }
0x9f: {  	s4 =	ssub.s32 $0x0, s20;
	[sflag:s22] =	ssyncset.done $0x0  }
0xa0: {  	[sflag:s22] =	ssyncadd.s32 s4;
	_ =	sdelay $0x1  }
0xa1: {  	s23 =	simm.s32 $0x1B8B  }
0xa2: {  	_ =	swait.ge [sflag:s23], $0x1  }
0xa3: {  	[sflag:s23] =	ssyncset.done $0x0  }
0xa4: {  	s25 =	simm.s32 $0x1B8E;
	s24 =	sld [smem:$0x3FFE];
	[sflag:s23] =	ssyncadd.s32 $0xFFFFFFFF  }
0xa5: {  	s26 =	simm.s32 $execute0_lowered;
	[smem:$0x3FD2] =	sst s25  }
0xa6: {  	s5 =	sshll.u32 s26, $0x1;
	_ =	strace $0x80000049;
	[dreg:$0x1] =	wrdreg $0xFFFFFFFF  }
0xa7: {  	s28 =	simm.s32 $_size_execute0_lowered;
	s3 =	sadd.s32 s3, s5;
	[dreg:$0x0] =	wrdreg $0x0  }
0xa8: {  	s5 =	sshll.u32 s28, $0x1;
	[dreg:$0x2] =	wrdreg s3  }
0xa9: {  	[dreg:$0x3] =	wrdreg s5  }
0xaa: {  	[dreg:$0x4] =	wrdreg $0xC0  }
0xab: {  	_ =	task [dreg:s7], $0x5FFFF  }
0xac: {  	[dreg:$0x1] =	wrdreg $0xFFFFFFFF  }
0xad: {  	[dreg:$0x0] =	wrdreg $0x60  }
0xae: {  	[dreg:$0x2] =	wrdreg s24  }
0xaf: {  	[dreg:$0x3] =	wrdreg s2  }
0xb0: {  	[dreg:$0x4] =	wrdreg $0x0  }
0xb1: {  	[dreg:$0x5] =	wrdreg $0x9  }
0xb2: {  	_ =	task.clear_ibuf [dreg:s7], $0x6FFFF;
	_ =	strace $0x90000049  }
0xb3: {  	s29 =	simm.s32 $0x9;
	_ =	strace $0x8000004B  }
0xb4: {  	_ =	swait.ge [sflag:s29], $0x1  }
0xb5: {  	[sflag:s29] =	ssyncadd.s32 $0xFFFFFFFF  }
0xb6: {  	_ =	strace $0x9000004B  }
0xb7: {  	_ =	sfence  }
0xb8: {  	s30 =	sld [smem:$0x0];
	_ =	sdelay $0x2  }
0xb9: {  	s31 =	sshll.u32 s1, $0xD;
	s1 =	sshrl.u32 s1, $0x2  }
0xba: {  	s3 =	sand.u32 $0x4000, s31;
	s1 =	sadd.s32 s1, s30  }
0xbb: {  	s0 =	sor.u32 s3, s0;
	s1 =	sshll.u32 s1, $0x11  }
0xbc: {  	s0 =	sor.u32 s1, s0  }
0xbd: {  	s0 =	sadd.s32 $0x8F2B, s0  }
0xbe: {  	[sflag:s0] =	ssyncadd.remote.s32 $0x1  }
0xbf: {  	_ =	sfence.sel $0xFFFF  }
0xc0: {  	[dreg:$0x0] =	wrdreg $0xFFFFFFFF;
	(pc) =	sbr.abs _section_cstart, $3  }
0xc1: {  	[dreg:$0x1] =	wrdreg $0xFFFFFFFF  }
0xc2: {  	_ =	task.clear_ibuf [dreg:s7], $0x2FFFF;
	_ =	strace $0x9FFFFFFF  }
0xc3: {  	(tm) =	ssettm $0x7FFFFFFF  }
tec
execute0_lowered:
.L_overlay_start_1:
0x0: {  	(tag) =	ssettag $0x1  }
0x1: {  	s0 =	rddreg [dreg:$0x0]  }
0x2: {  	s1 =	rddreg [dreg:$0x1]  }
0x3: {  	s2 =	rddreg [dreg:$0x2]  }
0x4: {  	s4 =	srdreg.scid;
	s12 =	stileid.u32  }
0x5: {  	s3 =	simm.s32 $0x0;
	s17 =	simm.s32 $0x16900;
	s6 =	smul.u32 $0x14000, s12  }
0x6: {  	s28 =	simm.s32 $0x40;
	s29 =	simm.s32 $0x16840;
	s8 =	smul.u32 $0x2800, s12  }
0x7: {  	s30 =	simm.s32 $0x18900;
	s31 =	simm.s32 $0x6;
	s11 =	smul.u32 $0x50000, s12  }
0x8: {  	s5 =	sand.u32 $0x1, s4;
	[smem:$0x7FF] =	sst s3;
	s24 =	smul.u32 $0x500, s12  }
0x9: {  	s4 =	sadd.s32 $0x6400, s0;
	s10 =	sadd.s32 $0x1400, s0;
	s7 =	smul.u32 $0x140000, s5  }
0xa: {  	s12 =	simm.s32 $0x14000;
	s9 =	smul.u32 $0x28000, s5;
	s5 =	ssub.s32 $0x2, s5  }
0xb: {  	_ =	strace $0x8000004A;
	s19 =	sshrl.u32 s5, $0x1;
	s11 =	sshrl.u32 s11, $0x2  }
0xc: {  	s22 =	sshrl.u32 s8, $0x3;
	s15 =	sadd.s32 s24, s10;
	s24 =	simm.s32 $0x16880  }
0xd: {  	s7 =	sadd.s32 s6, s7;
	s18 =	sadd.s32 s8, s9;
	s5 =	ssub.s32 s5, s19  }
0xe: {  	s20 =	sadd.s32 s11, s2;
	s6 =	sadd.s32 s6, s2;
	s9 =	sadd.s32 s10, s22  }
0xf: {  	s19 =	simm.s32 $0x5;
	s22 =	simm.s32 $0x4;
	s8 =	simm.s32 $0x0  }
0x10: {  	s7 =	sshrl.u32 s7, $0x3;
	s21 =	sadd.s32 $0x4000, s20;
	s23 =	sadd.s32 $0x8000, s20  }
0x11: {  	s25 =	sadd.s32 $0xC000, s20;
	s26 =	sadd.s32 $0x10, s9;
	[dreg:$0x5] =	wrdreg s21  }
0x12: {  	s14 =	smax.u32 s5, $0x1;
	s5 =	simm.s32 $0x168C0;
	[dreg:$0x6] =	wrdreg s23  }
0x13: {  	s0 =	sadd.s32 s7, s0;
	s7 =	sshrl.u32 s18, $0x3;
	[dreg:$0x7] =	wrdreg s25  }
0x14: {  	[dreg:$0x9] =	wrdreg s26;
	s18 =	simm.s32 $0x8;
	s21 =	simm.s32 $0x16800  }
0x15: {  	s23 =	simm.s32 $0x1A900;
	s25 =	simm.s32 $0x1;
	s26 =	simm.s32 $0x3  }
0x16: {  	s1 =	sadd.s32 s1, s7;
	s13 =	sadd.s32 $0x56400, s0;
	s0 =	simm.s32 $0x7  }
0x17: {  	s7 =	simm.s32 $0x1C900;
	[dreg:$0x4] =	wrdreg s1;
	s1 =	sadd.s32 $0x10000, s20  }
0x18: {  	v0 =	vimm.f32 $0.0e+00;
	s20 =	simm.s32 $0x80;
	[dreg:$0x8] =	wrdreg s1;
	s1 =	simm.s32 $0x2  }
.LBB2_1:
0x19: {  	s10 =	rddreg [dreg:$0x4]  }
0x1a: {  	[tilespmem:s12], [sflag:$0x5] =	stream.linear.gather [hbm4b:s10+s3], $0x2800, $0x38;
	[tilespmem:$0x1E900] =	vst v63  }
0x1b: {  	s11 =	simm.s32 $0x200;
	s10 =	simm.s32 $0x0  }
.LBB2_2:
0x1c: {  	p0 =	sne.s32 s11, $0xFE00;
	[tilespmem:s10+$0x16970] =	vst v0  }
0x1d: {  	[tilespmem:s10+$0x16900] =	vst v0  }
0x1e: {  	[tilespmem:s10+$0x16910] =	vst v0  }
.Ltmp0:
0x1f: {  	[tilespmem:s10+$0x16920] =	vst v0;
	(pc) =	sbr.rel @p0 .LBB2_2-.Ltmp0, $4  }
0x20: {  	[tilespmem:s10+$0x16930] =	vst v0  }
0x21: {  	[tilespmem:s10+$0x16940] =	vst v0  }
0x22: {  	[tilespmem:s10+$0x16950] =	vst v0  }
0x23: {  	[tilespmem:s10+$0x16960] =	vst v0;
	s10 =	sshra.s32 s11, $0x2;
	s11 =	sadd.s32 $0x200, s11  }
0x24: {  	[tilespmem:s10+$0x16970] =	vst v0  }
0x25: {  	[tilespmem:s10+$0x16900] =	vst v0  }
0x26: {  	[tilespmem:s10+$0x16910] =	vst v0  }
0x27: {  	[tilespmem:s10+$0x16920] =	vst v0  }
0x28: {  	[tilespmem:s10+$0x16930] =	vst v0  }
0x29: {  	[tilespmem:s10+$0x16940] =	vst v0  }
0x2a: {  	[tilespmem:s10+$0x16950] =	vst v0  }
0x2b: {  	[tilespmem:s10+$0x16960] =	vst v0  }
0x2c: {  	[spmem:s6] =	stream.linear.scatter [tilespmem:s17], [sflag:$0x8], $0x4000, $0x38;
	[tilespmem:$0x1E900] =	vst v63  }
0x2d: {  	_ =	swait.ge [sflag:s18], $0x4000  }
0x2e: {  	[sflag:s18] =	ssyncset.done $0x0  }
0x2f: {  	s11 =	rddreg [dreg:$0x5];
	[sflag:s18] =	ssyncadd.s32 $0xFFFFC000  }
0x30: {  	[spmem:s11] =	stream.linear.scatter [tilespmem:s17], [sflag:$0x8], $0x4000, $0x38;
	[tilespmem:$0x1E900] =	vst v63  }
0x31: {  	_ =	swait.ge [sflag:s18], $0x4000  }
0x32: {  	[sflag:s18] =	ssyncset.done $0x0  }
0x33: {  	s16 =	rddreg [dreg:$0x6];
	[sflag:s18] =	ssyncadd.s32 $0xFFFFC000  }
0x34: {  	[spmem:s16] =	stream.linear.scatter [tilespmem:s17], [sflag:$0x8], $0x4000, $0x38;
	[tilespmem:$0x1E900] =	vst v63  }
0x35: {  	_ =	swait.ge [sflag:s18], $0x4000  }
0x36: {  	[sflag:s18] =	ssyncset.done $0x0  }
0x37: {  	s11 =	rddreg [dreg:$0x7];
	[sflag:s18] =	ssyncadd.s32 $0xFFFFC000  }
0x38: {  	[spmem:s11] =	stream.linear.scatter [tilespmem:s17], [sflag:$0x8], $0x4000, $0x38;
	[tilespmem:$0x1E900] =	vst v63  }
0x39: {  	_ =	swait.ge [sflag:s18], $0x4000  }
0x3a: {  	[sflag:s18] =	ssyncset.done $0x0  }
0x3b: {  	s16 =	rddreg [dreg:$0x8];
	[sflag:s18] =	ssyncadd.s32 $0xFFFFC000  }
0x3c: {  	[spmem:s16] =	stream.linear.scatter [tilespmem:s17], [sflag:$0x8], $0x4000, $0x38;
	[tilespmem:$0x1E900] =	vst v63  }
0x3d: {  	_ =	swait.ge [sflag:s18], $0x4000  }
0x3e: {  	[sflag:s18] =	ssyncset.done $0x0  }
0x3f: {  	[sflag:s18] =	ssyncadd.s32 $0xFFFFC000  }
0x40: {  	_ =	swait.ge [sflag:s19], $0x2800  }
0x41: {  	[sflag:s19] =	ssyncset.done $0x0  }
0x42: {  	[sflag:s19] =	ssyncadd.s32 $0xFFFFD800  }
0x43: {  	[bflag:$0x0] =	sbarrier.arrive $0xFFFF  }
0x44: {  	[tilespmem:s17], [sflag:$0x1] =	stream.indirect.gather [hbm4b:s4+s20], $0x80, s12, s20, $0xb8;
	[tilespmem:$0x1E900] =	vst v63  }
0x45: {  	_ = 	snop  }
0x46: {  	[tilespmem:s21], [sflag:$0x3] =	stream.linear.gather [hbm4b:s9+s3], $0x80, $0x38;
	[tilespmem:$0x1E900] =	vst v63  }
0x47: {  	s11 =	simm.s32 $0x14080  }
0x48: {  	[tilespmem:s23], [sflag:$0x2] =	stream.indirect.gather [hbm4b:s4+s20], $0x80, s11, s20, $0xb8;
	[tilespmem:$0x1E900] =	vst v63  }
0x49: {  	s12 =	rddreg [dreg:$0x9]  }
0x4a: {  	[tilespmem:s24], [sflag:$0x4] =	stream.linear.gather [hbm4b:s12+s3], $0x80, $0x38;
	[tilespmem:$0x1E900] =	vst v63  }
0x4b: {  	_ =	swait.ge [sflag:s25], $0x4000  }
0x4c: {  	[sflag:s25] =	ssyncset.done $0x0  }
0x4d: {  	[sflag:s25] =	ssyncadd.s32 $0xFFFFC000  }
0x4e: {  	_ =	swait.ge [sflag:s26], $0x80  }
0x4f: {  	[sflag:s26] =	ssyncset.done $0x0  }
0x50: {  	[sflag:s26] =	ssyncadd.s32 $0xFFFFFF80  }
0x51: {  	[spmem:s2] =	stream.indirect.scatter.add.f32 [tilespmem:s17], [sflag:$0x6], $0x80, s21, s28, $0xb8;
	[tilespmem:$0x1E900] =	vst v63  }
0x52: {  	_ = 	snop  }
0x53: {  	[spmem:s2] =	stream.indirect.scatter.add.f32 [tilespmem:s30], [sflag:$0x7], $0x80, s29, s28, $0xb8;
	[tilespmem:$0x1E900] =	vst v63  }
0x54: {  	_ =	swait.ge [sflag:s31], $0x2000  }
0x55: {  	[sflag:s31] =	ssyncset.done $0x0  }
0x56: {  	[sflag:s31] =	ssyncadd.s32 $0xFFFFE000  }
0x57: {  	_ =	swait.ge [sflag:s0], $0x2000  }
0x58: {  	[sflag:s0] =	ssyncset.done $0x0  }
0x59: {  	s16 =	simm.s32 $0x14100;
	s11 =	sadd.s32 $0xFFFFFB20, s15;
	[sflag:s0] =	ssyncadd.s32 $0xFFFFE000  }
0x5a: {  	[tilespmem:s17], [sflag:$0x1] =	stream.indirect.gather [hbm4b:s4+s20], $0x80, s16, s20, $0xb8;
	[tilespmem:$0x1E900] =	vst v63  }
0x5b: {  	s12 =	sadd.s32 $0x500, s11  }
0x5c: {  	[tilespmem:s21], [sflag:$0x3] =	stream.linear.gather [hbm4b:s12+s3], $0x80, $0x38;
	[tilespmem:$0x1E900] =	vst v63  }
0x5d: {  	_ =	swait.ge [sflag:s1], $0x4000  }
0x5e: {  	[sflag:s1] =	ssyncset.done $0x0  }
0x5f: {  	[sflag:s1] =	ssyncadd.s32 $0xFFFFC000  }
0x60: {  	_ =	swait.ge [sflag:s22], $0x80  }
0x61: {  	[sflag:s22] =	ssyncset.done $0x0  }
0x62: {  	[sflag:s22] =	ssyncadd.s32 $0xFFFFFF80  }
0x63: {  	[spmem:s2] =	stream.indirect.scatter.add.f32 [tilespmem:s23], [sflag:$0x6], $0x80, s24, s28, $0xb8;
	[tilespmem:$0x1E900] =	vst v63  }
0x64: {  	_ = 	snop  }
0x65: {  	[spmem:s2] =	stream.indirect.scatter.add.f32 [tilespmem:s7], [sflag:$0x7], $0x80, s5, s28, $0xb8;
	[tilespmem:$0x1E900] =	vst v63  }
0x66: {  	_ =	swait.ge [sflag:s31], $0x2000  }
0x67: {  	[sflag:s31] =	ssyncset.done $0x0  }
0x68: {  	[sflag:s31] =	ssyncadd.s32 $0xFFFFE000  }
0x69: {  	_ =	swait.ge [sflag:s0], $0x2000  }
0x6a: {  	[sflag:s0] =	ssyncset.done $0x0  }
0x6b: {  	s16 =	simm.s32 $0x14180;
	[sflag:s0] =	ssyncadd.s32 $0xFFFFE000  }
0x6c: {  	[tilespmem:s23], [sflag:$0x2] =	stream.indirect.gather [hbm4b:s4+s20], $0x80, s16, s20, $0xb8;
	[tilespmem:$0x1E900] =	vst v63  }
0x6d: {  	s10 =	simm.s32 $0xFFFFFB40;
	s16 =	sadd.s32 $0x510, s11;
	s11 =	simm.s32 $0x14200  }
.LBB2_4:
0x6e: {  	[tilespmem:s24], [sflag:$0x4] =	stream.linear.gather [hbm4b:s16+s3], $0x80, $0x38;
	[tilespmem:$0x1E900] =	vst v63  }
0x6f: {  	s16 =	smov.u32 s10  }
0x70: {  	p0 =	sne.s32 s10, $0xFFFFFFE0;
	s10 =	sadd.s32 $0x20, s10;
	_ =	swait.ge [sflag:s25], $0x4000  }
0x71: {  	[sflag:s25] =	ssyncset.done $0x0  }
0x72: {  	[sflag:s25] =	ssyncadd.s32 $0xFFFFC000  }
0x73: {  	_ =	swait.ge [sflag:s26], $0x80  }
0x74: {  	[sflag:s26] =	ssyncset.done $0x0  }
0x75: {  	[sflag:s26] =	ssyncadd.s32 $0xFFFFFF80  }
0x76: {  	[spmem:s2] =	stream.indirect.scatter.add.f32 [tilespmem:s17], [sflag:$0x6], $0x80, s21, s28, $0xb8;
	[tilespmem:$0x1E900] =	vst v63  }
0x77: {  	_ = 	snop  }
0x78: {  	[spmem:s2] =	stream.indirect.scatter.add.f32 [tilespmem:s30], [sflag:$0x7], $0x80, s29, s28, $0xb8;
	[tilespmem:$0x1E900] =	vst v63  }
0x79: {  	_ =	swait.ge [sflag:s31], $0x2000  }
0x7a: {  	[sflag:s31] =	ssyncset.done $0x0  }
0x7b: {  	[sflag:s31] =	ssyncadd.s32 $0xFFFFE000  }
0x7c: {  	_ =	swait.ge [sflag:s0], $0x2000  }
0x7d: {  	[sflag:s0] =	ssyncset.done $0x0  }
0x7e: {  	s16 =	sadd.s32 s16, s15;
	[sflag:s0] =	ssyncadd.s32 $0xFFFFE000  }
0x7f: {  	[tilespmem:s17], [sflag:$0x1] =	stream.indirect.gather [hbm4b:s4+s20], $0x80, s11, s20, $0xb8;
	[tilespmem:$0x1E900] =	vst v63  }
0x80: {  	s12 =	sadd.s32 $0x500, s16  }
0x81: {  	[tilespmem:s21], [sflag:$0x3] =	stream.linear.gather [hbm4b:s12+s3], $0x80, $0x38;
	[tilespmem:$0x1E900] =	vst v63  }
0x82: {  	_ =	swait.ge [sflag:s1], $0x4000  }
0x83: {  	[sflag:s1] =	ssyncset.done $0x0  }
0x84: {  	[sflag:s1] =	ssyncadd.s32 $0xFFFFC000  }
0x85: {  	_ =	swait.ge [sflag:s22], $0x80  }
0x86: {  	[sflag:s22] =	ssyncset.done $0x0  }
0x87: {  	[sflag:s22] =	ssyncadd.s32 $0xFFFFFF80  }
0x88: {  	[spmem:s2] =	stream.indirect.scatter.add.f32 [tilespmem:s23], [sflag:$0x6], $0x80, s24, s28, $0xb8;
	[tilespmem:$0x1E900] =	vst v63  }
0x89: {  	_ = 	snop  }
0x8a: {  	[spmem:s2] =	stream.indirect.scatter.add.f32 [tilespmem:s7], [sflag:$0x7], $0x80, s5, s28, $0xb8;
	[tilespmem:$0x1E900] =	vst v63  }
0x8b: {  	_ =	swait.ge [sflag:s31], $0x2000  }
0x8c: {  	[sflag:s31] =	ssyncset.done $0x0  }
0x8d: {  	[sflag:s31] =	ssyncadd.s32 $0xFFFFE000  }
.Ltmp1:
0x8e: {  	_ =	swait.ge [sflag:s0], $0x2000;
	(pc) =	sbr.rel @p0 .LBB2_4-.Ltmp1, $4  }
0x8f: {  	[sflag:s0] =	ssyncset.done $0x0  }
0x90: {  	s12 =	sadd.s32 $0x80, s11;
	[sflag:s0] =	ssyncadd.s32 $0xFFFFE000  }
0x91: {  	[tilespmem:s23], [sflag:$0x2] =	stream.indirect.gather [hbm4b:s4+s20], $0x80, s12, s20, $0xb8;
	[tilespmem:$0x1E900] =	vst v63  }
0x92: {  	s16 =	sadd.s32 $0x510, s16;
	s11 =	sadd.s32 $0x100, s11  }
0x93: {  	[tilespmem:s24], [sflag:$0x4] =	stream.linear.gather [hbm4b:s16+s3], $0x80, $0x38;
	[tilespmem:$0x1E900] =	vst v63  }
0x94: {  	_ =	swait.ge [sflag:s25], $0x4000  }
0x95: {  	[sflag:s25] =	ssyncset.done $0x0  }
0x96: {  	[sflag:s25] =	ssyncadd.s32 $0xFFFFC000  }
0x97: {  	_ =	swait.ge [sflag:s26], $0x80  }
0x98: {  	[sflag:s26] =	ssyncset.done $0x0  }
0x99: {  	[sflag:s26] =	ssyncadd.s32 $0xFFFFFF80  }
0x9a: {  	[spmem:s2] =	stream.indirect.scatter.add.f32 [tilespmem:s17], [sflag:$0x6], $0x80, s21, s28, $0xb8;
	[tilespmem:$0x1E900] =	vst v63  }
0x9b: {  	_ = 	snop  }
0x9c: {  	[spmem:s2] =	stream.indirect.scatter.add.f32 [tilespmem:s30], [sflag:$0x7], $0x80, s29, s28, $0xb8;
	[tilespmem:$0x1E900] =	vst v63  }
0x9d: {  	_ =	swait.ge [sflag:s31], $0x2000  }
0x9e: {  	[sflag:s31] =	ssyncset.done $0x0  }
0x9f: {  	[sflag:s31] =	ssyncadd.s32 $0xFFFFE000  }
0xa0: {  	_ =	swait.ge [sflag:s0], $0x2000  }
0xa1: {  	[sflag:s0] =	ssyncset.done $0x0  }
0xa2: {  	[sflag:s0] =	ssyncadd.s32 $0xFFFFE000  }
0xa3: {  	_ =	swait.ge [sflag:s1], $0x4000  }
0xa4: {  	[sflag:s1] =	ssyncset.done $0x0  }
0xa5: {  	[sflag:s1] =	ssyncadd.s32 $0xFFFFC000  }
0xa6: {  	_ =	swait.ge [sflag:s22], $0x80  }
0xa7: {  	[sflag:s22] =	ssyncset.done $0x0  }
0xa8: {  	[sflag:s22] =	ssyncadd.s32 $0xFFFFFF80  }
0xa9: {  	[spmem:s2] =	stream.indirect.scatter.add.f32 [tilespmem:s23], [sflag:$0x6], $0x80, s24, s28, $0xb8;
	[tilespmem:$0x1E900] =	vst v63  }
0xaa: {  	_ = 	snop  }
0xab: {  	[spmem:s2] =	stream.indirect.scatter.add.f32 [tilespmem:s7], [sflag:$0x7], $0x80, s5, s28, $0xb8;
	[tilespmem:$0x1E900] =	vst v63  }
0xac: {  	_ =	swait.ge [sflag:s31], $0x2000  }
0xad: {  	[sflag:s31] =	ssyncset.done $0x0  }
0xae: {  	[sflag:s31] =	ssyncadd.s32 $0xFFFFE000  }
0xaf: {  	s10 =	stileid.u32;
	_ =	swait.ge [sflag:s0], $0x2000  }
0xb0: {  	s11 =	sshrl.u32 s6, $0x3;
	s8 =	sadd.s32 $0x1, s8;
	[sflag:s0] =	ssyncset.done $0x0  }
0xb1: {  	s10 =	sshll.u32 s10, $0x6;
	p0 =	sne.s32 s8, s14;
	[sflag:s0] =	ssyncadd.s32 $0xFFFFE000  }
.Ltmp2:
0xb2: {  	s10 =	sor.u32 $0x1C08, s10;
	[bflag:$0x0] =	sbarrier.arrive $0xFFFF;
	(pc) =	sbr.rel @p0 .LBB2_1-.Ltmp2, $4  }
0xb3: {  	[hbm:s13], [sflag:s10] =	dma.local [spmem:s11], $0x2800  }
0xb4: {  	_ =	swait.ge [sflag:s18], $0x2800  }
0xb5: {  	[sflag:s18] =	ssyncset.done $0x0  }
0xb6: {  	s12 =	simm.s32 $0x14000;
	[sflag:s18] =	ssyncadd.s32 $0xFFFFD800  }
0xb7: {  	_ =	sfence.sel $0x180000  }
0xb8: {  	[bflag:$0x0] =	sbarrier.arrive $0xFFFF  }
0xb9: {  	_ =	strace $0x9000004A  }
0xba: {  	s0 =	stileid.u32;
	[bflag:$0x2] =	sbarrier.arrive $0xFFFF  }
0xbb: {  	p0 =	sne.s32 s0, $0x0;
	s0 =	rddreg [dreg:$0x3]  }
0xbc: {  	s0 =	sadd.s32 @!p0 $0x100000, s0  }
0xbd: {  	[sflag:s0] =	ssyncadd.tile.s32 @!p0 $0x1;
	_ =	shalt  }
.Lfunc_end2:
_tile_overlayer_lowered:
.L_overlay_start_2:
0xbe: {  	(tag) =	ssettag $0x2  }
0xbf: {  	s0 =	rddreg [dreg:$0x0];
	s2 =	stileid.u32  }
0xc0: {  	s1 =	rddreg [dreg:$0x1];
	p0 =	sne.s32 s2, $0x0  }
0xc1: {  	s3 =	rddreg [dreg:$0x2];
	[bflag:$0x3] =	sbarrier.arrive $0xFFFF;
	s2 =	simm.s32 @!p0 $0x1C08  }
0xc2: {  	[timem:s3], [sflag:s2] =	dma.local @!p0 [hbm:s0], s1  }
0xc3: {  	s0 =	simm.s32 @!p0 $0x8  }
0xc4: {  	_ =	swait.ge @!p0 [sflag:s0], s1  }
0xc5: {  	s1 =	ssub.s32 @!p0 $0x0, s1;
	[sflag:s0] =	ssyncset.done @!p0 $0x0  }
0xc6: {  	[sflag:s0] =	ssyncadd.s32 @!p0 s1  }
0xc7: {  	[bflag:$0x3] =	sbarrier.arrive $0xFFFF  }
0xc8: {  	_ =	shalt  }

// kernel: kernel.14.cloned.1.call-start
scs
__scs_entry_jumppad:
0x0: {  	(pc) =	sbr.rel $0x88, $3  }
0x1: {  	(tag) =	ssettag $0x0;
	lr =	simm.s32 $0x1  }
0x2: {  	[smem:$0x3F9B] =	sst lr;
	_ =	strace $0xD0000000  }
0x3: {  	_ = 	snop  }
0x4: {  	_ = 	snop  }
0x5: {  	_ = 	snop  }
0x6: {  	_ = 	snop  }
0x7: {  	_ = 	snop  }
__scs_overlays_trampoline_lowered:
0x8: {  	[smem:$0x3FAA] =	sst s0  }
0x9: {  	[smem:$0x3FAB] =	sst s1  }
0xa: {  	[smem:$0x3FAC] =	sst s2  }
0xb: {  	[smem:$0x3FAD] =	sst s3  }
0xc: {  	[smem:$0x3FAE] =	sst s4  }
0xd: {  	[smem:$0x3FAF] =	sst s5  }
0xe: {  	[smem:$0x3FB0] =	sst s6  }
0xf: {  	[smem:$0x3FB1] =	sst s7  }
0x10: {  	[smem:$0x3FB2] =	sst s8  }
0x11: {  	[smem:$0x3FB3] =	sst s9;
	s0 =	simm.s32 @!p0 $0x0  }
0x12: {  	s1 =	sld [smem:$0x3F99];
	s0 =	simm.s32 @p0 $0x1  }
0x13: {  	[smem:$0x3FB4] =	sst s0;
	s0 =	simm.s32 @!p1 $0x0  }
0x14: {  	s2 =	sld [smem:$0x3F98];
	s0 =	simm.s32 @p1 $0x1  }
0x15: {  	[smem:$0x3FB5] =	sst s0;
	s0 =	simm.s32 @!p2 $0x0  }
0x16: {  	s3 =	sld [smem:$0x3FDB];
	s0 =	simm.s32 @p2 $0x1  }
0x17: {  	s4 =	simm.s32 $0x1BF5;
	[smem:$0x3FB7] =	sst s0  }
0x18: {  	s0 =	sld [smem:$0x3F9A];
	_ =	swait.ge [sflag:s4], $0x0  }
0x19: {  	s7 =	sld [smem:$0x3F9B]  }
0x1a: {  	s8 =	sadd.s32 $0xFFFFE003, lr  }
0x1b: {  	s9 =	sadd.s32 $0xFFFFFEF7, lr;
	s5 =	simm.s32 $0xFFFFFFFF;
	p2 =	slt.u32 s8, $0xFFFFF086  }
0x1c: {  	p1 =	slt.u32 s9, $0xF7A;
	s5 =	simm.s32 @!p2 $0x0  }
0x1d: {  	s5 =	simm.s32 @p1 $0x1;
	p0 =	seq.s32 s7, s2  }
0x1e: {  	s7 =	smul.u32 @!p0 $0xF7A, s2;
	p2 =	seq.s32 @!p0 s5, $0x0  }
0x1f: {  	s9 =	smul.u32 $0xF7A, s1;
	s8 =	simm.s32 @!p0 $0x1BF5;
	p2 =	por !p2, p0  }
0x20: {  	[sflag:s8] =	ssyncset.s32 @!p0 $0xFFFFF086;
	s6 =	sadd.s32 @!p0 s3, s7;
	s7 =	simm.s32 @!p0 $0x108  }
0x21: {  	s3 =	sadd.s32 s3, s9;
	s6 =	sadd.s32 @!p0 $0x88, s6;
	s7 =	simm.s32 @p2 $0x1082  }
0x22: {  	[simem:s7], [sflag:s8] =	dma.local @!p0 [hbm:s6], $0xF7A  }
0x23: {  	s9 =	sor.u32 $0xD0000000, s2;
	s6 =	simm.s32 $0x108;
	_ =	swait.ge @!p0 [sflag:s8], $0x0  }
0x24: {  	s3 =	sadd.s32 $0x88, s3;
	s6 =	simm.s32 @!p1 $0x1082;
	[sflag:s4] =	ssyncset.s32 $0xFFFFF086  }
0x25: {  	[simem:s6], [sflag:s4] =	dma.local [hbm:s3], $0xF7A  }
0x26: {  	[smem:$0x3F9B] =	sst s1;
	(tag) =	ssettag s2;
	_ =	strace s9  }
0x27: {  	s1 =	sld [smem:$0x3FAB]  }
0x28: {  	s2 =	sld [smem:$0x3FAC]  }
0x29: {  	s4 =	sld [smem:$0x3FAE]  }
0x2a: {  	p0 =	seq.s32 s5, $0x0;
	s5 =	sld [smem:$0x3FAF]  }
0x2b: {  	s6 =	sld [smem:$0x3FB0]  }
0x2c: {  	s7 =	sld [smem:$0x3FB1]  }
0x2d: {  	s3 =	simm.s32 $0x108;
	s8 =	sld [smem:$0x3FB2]  }
0x2e: {  	s3 =	simm.s32 @!p0 $0x1082;
	s9 =	sld [smem:$0x3FB3]  }
0x2f: {  	lr =	sadd.s32 s0, s3;
	s0 =	sld [smem:$0x3FAA]  }
0x30: {  	s3 =	sld [smem:$0x3FAD]  }
0x31: {  	[smem:$0x3FB6] =	sst s10  }
0x32: {  	s10 =	sld [smem:$0x3FB4];
	_ =	sdelay $0x3  }
0x33: {  	p0 =	seq.s32 s10, $0x1;
	s10 =	sld [smem:$0x3FB6];
	_ =	sdelay $0x3  }
0x34: {  	[smem:$0x3FB6] =	sst s10  }
0x35: {  	s10 =	sld [smem:$0x3FB5];
	_ =	sdelay $0x3  }
0x36: {  	p1 =	seq.s32 s10, $0x1;
	s10 =	sld [smem:$0x3FB6];
	_ =	sdelay $0x3  }
0x37: {  	[smem:$0x3FB6] =	sst s10  }
0x38: {  	s10 =	sld [smem:$0x3FB7]  }
0x39: {  	_ = 	snop;
	(pc) =	sbr.ind lr, $3  }
0x3a: {  	_ = 	snop  }
0x3b: {  	_ = 	snop  }
0x3c: {  	p2 =	seq.s32 s10, $0x1;
	s10 =	sld [smem:$0x3FB6]  }
0x3d: {  	_ =	shalt  }
0x3e: {  	_ =	shalt  }
0x3f: {  	_ =	shalt  }
0x40: {  	_ =	shalt  }
0x41: {  	_ =	shalt  }
0x42: {  	_ =	shalt  }
0x43: {  	_ =	shalt  }
0x44: {  	_ =	shalt  }
0x45: {  	_ =	shalt  }
0x46: {  	_ =	shalt  }
0x47: {  	_ =	shalt  }
0x48: {  	_ =	shalt  }
0x49: {  	_ =	shalt  }
0x4a: {  	_ =	shalt  }
0x4b: {  	_ =	shalt  }
0x4c: {  	_ =	shalt  }
0x4d: {  	_ =	shalt  }
0x4e: {  	_ =	shalt  }
0x4f: {  	_ =	shalt  }
0x50: {  	_ =	shalt  }
0x51: {  	_ =	shalt  }
0x52: {  	_ =	shalt  }
0x53: {  	_ =	shalt  }
0x54: {  	_ =	shalt  }
0x55: {  	_ =	shalt  }
0x56: {  	_ =	shalt  }
0x57: {  	_ =	shalt  }
0x58: {  	_ =	shalt  }
0x59: {  	_ =	shalt  }
0x5a: {  	_ =	shalt  }
0x5b: {  	_ =	shalt  }
0x5c: {  	_ =	shalt  }
0x5d: {  	_ =	shalt  }
0x5e: {  	_ =	shalt  }
0x5f: {  	_ =	shalt  }
0x60: {  	_ =	shalt  }
0x61: {  	_ =	shalt  }
0x62: {  	_ =	shalt  }
0x63: {  	_ =	shalt  }
0x64: {  	_ =	shalt  }
0x65: {  	_ =	shalt  }
0x66: {  	_ =	shalt  }
0x67: {  	_ =	shalt  }
0x68: {  	_ =	shalt  }
0x69: {  	_ =	shalt  }
0x6a: {  	_ =	shalt  }
0x6b: {  	_ =	shalt  }
0x6c: {  	_ =	shalt  }
0x6d: {  	_ =	shalt  }
0x6e: {  	_ =	shalt  }
0x6f: {  	_ =	shalt  }
0x70: {  	_ =	shalt  }
0x71: {  	_ =	shalt  }
0x72: {  	_ =	shalt  }
0x73: {  	_ =	shalt  }
0x74: {  	_ =	shalt  }
0x75: {  	_ =	shalt  }
0x76: {  	_ =	shalt  }
0x77: {  	_ =	shalt  }
0x78: {  	_ =	shalt  }
0x79: {  	_ =	shalt  }
0x7a: {  	_ =	shalt  }
0x7b: {  	_ =	shalt  }
0x7c: {  	_ =	shalt  }
0x7d: {  	_ =	shalt  }
0x7e: {  	_ =	shalt  }
0x7f: {  	_ =	shalt  }
0x80: {  	_ =	shalt  }
0x81: {  	_ =	shalt  }
0x82: {  	_ =	shalt  }
0x83: {  	_ =	shalt  }
0x84: {  	_ =	shalt  }
0x85: {  	_ =	shalt  }
0x86: {  	_ =	shalt  }
0x87: {  	_ =	shalt  }
.Lfunc_end0:
.L_simem_size_0:
called_computation.2_lowered:
.L_overlay_start_0:
0x88: {  	s2 =	sld [smem:$0x3FD9]  }
0x89: {  	s3 =	sld [smem:$0x3FFE];
	_ =	sdelay $0x1  }
0x8a: {  	s1 =	srdreg.scid  }
0x8b: {  	s0 =	sand.u32 $0x1, s1  }
0x8c: {  	s17 =	sshll.u32 s0, $0xA;
	s2 =	sadd.s32 s3, s2  }
0x8d: {  	s2 =	sadd.s32 s2, s17  }
0x8e: {  	[smem:$0x3FC2] =	sst s2  }
0x8f: {  	_ = 	snop  }
0x90: {  	s2 =	sld [smem:$0x3FD0];
	(tm) =	ssettm $0x1  }
0x91: {  	s18 =	sld [smem:$0x3FFB];
	_ =	sdelay $0x3  }
0x92: {  	_ =	strace s18  }
0x93: {  	s3 =	sld [smem:$0x3FFC];
	_ =	sdelay $0x3  }
0x94: {  	_ =	strace s3  }
0x95: {  	s3 =	sld [smem:$0x3FFD];
	_ =	sdelay $0x3  }
0x96: {  	_ =	strace s3  }
0x97: {  	_ =	strace $0x8FFFFFFF  }
0x98: {  	s19 =	sld [smem:$0x3FDB];
	_ =	sdelay $0x1  }
0x99: {  	s4 =	simm.s32 $_scs_section_size  }
0x9a: {  	s5 =	simm.s32 $_size__tile_overlayer_lowered;
	s6 =	simm.s32 $_tile_overlayer_lowered  }
0x9b: {  	s22 =	simm.s32 $0x1BFF;
	s21 =	sshll.u32 s6, $0x1;
	s3 =	sadd.s32 s4, s19  }
0x9c: {  	s7 =	simm.s32 $0x0;
	s20 =	sshll.u32 s5, $0x1;
	s5 =	sadd.s32 s21, s3  }
0x9d: {  	[timem:s7], [sflag:s22] =	dma.local [hbm:s5], s20  }
0x9e: {  	_ =	swait.ge [sflag:s22], s20  }
0x9f: {  	s4 =	ssub.s32 $0x0, s20;
	[sflag:s22] =	ssyncset.done $0x0  }
0xa0: {  	[sflag:s22] =	ssyncadd.s32 s4;
	_ =	sdelay $0x1  }
0xa1: {  	s23 =	simm.s32 $0x1B8B  }
0xa2: {  	_ =	swait.ge [sflag:s23], $0x1  }
0xa3: {  	[sflag:s23] =	ssyncset.done $0x0  }
0xa4: {  	s25 =	simm.s32 $0x1B8E;
	s24 =	sld [smem:$0x3FFE];
	[sflag:s23] =	ssyncadd.s32 $0xFFFFFFFF  }
0xa5: {  	s26 =	simm.s32 $execute0_lowered;
	[smem:$0x3FD2] =	sst s25  }
0xa6: {  	s5 =	sshll.u32 s26, $0x1;
	_ =	strace $0x8000004C;
	[dreg:$0x1] =	wrdreg $0xFFFFFFFF  }
0xa7: {  	s28 =	simm.s32 $_size_execute0_lowered;
	s3 =	sadd.s32 s3, s5;
	[dreg:$0x0] =	wrdreg $0x0  }
0xa8: {  	s5 =	sshll.u32 s28, $0x1;
	[dreg:$0x2] =	wrdreg s3  }
0xa9: {  	[dreg:$0x3] =	wrdreg s5  }
0xaa: {  	[dreg:$0x4] =	wrdreg $0xC0  }
0xab: {  	_ =	task [dreg:s7], $0x5FFFF  }
0xac: {  	[dreg:$0x1] =	wrdreg $0xFFFFFFFF  }
0xad: {  	[dreg:$0x0] =	wrdreg $0x60  }
0xae: {  	[dreg:$0x2] =	wrdreg s24  }
0xaf: {  	[dreg:$0x3] =	wrdreg s2  }
0xb0: {  	[dreg:$0x4] =	wrdreg $0x0  }
0xb1: {  	[dreg:$0x5] =	wrdreg $0x9  }
0xb2: {  	_ =	task.clear_ibuf [dreg:s7], $0x6FFFF;
	_ =	strace $0x9000004C  }
0xb3: {  	s29 =	simm.s32 $0x9;
	_ =	strace $0x8000004E  }
0xb4: {  	_ =	swait.ge [sflag:s29], $0x1  }
0xb5: {  	[sflag:s29] =	ssyncadd.s32 $0xFFFFFFFF  }
0xb6: {  	_ =	strace $0x9000004E  }
0xb7: {  	_ =	sfence  }
0xb8: {  	s30 =	sld [smem:$0x0];
	_ =	sdelay $0x2  }
0xb9: {  	s31 =	sshll.u32 s1, $0xD;
	s1 =	sshrl.u32 s1, $0x2  }
0xba: {  	s3 =	sand.u32 $0x4000, s31;
	s1 =	sadd.s32 s1, s30  }
0xbb: {  	s0 =	sor.u32 s3, s0;
	s1 =	sshll.u32 s1, $0x11  }
0xbc: {  	s0 =	sor.u32 s1, s0  }
0xbd: {  	s0 =	sadd.s32 $0x8F2B, s0  }
0xbe: {  	[sflag:s0] =	ssyncadd.remote.s32 $0x1  }
0xbf: {  	_ =	sfence.sel $0xFFFF  }
0xc0: {  	[dreg:$0x0] =	wrdreg $0xFFFFFFFF;
	(pc) =	sbr.abs _section_cstart, $3  }
0xc1: {  	[dreg:$0x1] =	wrdreg $0xFFFFFFFF  }
0xc2: {  	_ =	task.clear_ibuf [dreg:s7], $0x2FFFF;
	_ =	strace $0x9FFFFFFF  }
0xc3: {  	(tm) =	ssettm $0x7FFFFFFF  }
tec
execute0_lowered:
.L_overlay_start_1:
0x0: {  	(tag) =	ssettag $0x1  }
0x1: {  	s0 =	rddreg [dreg:$0x0]  }
0x2: {  	s1 =	rddreg [dreg:$0x1]  }
0x3: {  	s2 =	rddreg [dreg:$0x2]  }
0x4: {  	s4 =	srdreg.scid;
	s12 =	stileid.u32  }
0x5: {  	s3 =	simm.s32 $0x0;
	s17 =	simm.s32 $0x16900;
	s6 =	smul.u32 $0x14000, s12  }
0x6: {  	s28 =	simm.s32 $0x40;
	s29 =	simm.s32 $0x16840;
	s8 =	smul.u32 $0x2800, s12  }
0x7: {  	s30 =	simm.s32 $0x18900;
	s31 =	simm.s32 $0x6;
	s11 =	smul.u32 $0x50000, s12  }
0x8: {  	s5 =	sand.u32 $0x1, s4;
	[smem:$0x7FF] =	sst s3;
	s24 =	smul.u32 $0x500, s12  }
0x9: {  	s4 =	sadd.s32 $0x6400, s0;
	s10 =	sadd.s32 $0x1400, s0;
	s7 =	smul.u32 $0x140000, s5  }
0xa: {  	s12 =	simm.s32 $0x14000;
	s9 =	smul.u32 $0x28000, s5;
	s5 =	ssub.s32 $0x2, s5  }
0xb: {  	_ =	strace $0x8000004D;
	s19 =	sshrl.u32 s5, $0x1;
	s11 =	sshrl.u32 s11, $0x2  }
0xc: {  	s22 =	sshrl.u32 s8, $0x3;
	s15 =	sadd.s32 s24, s10;
	s24 =	simm.s32 $0x16880  }
0xd: {  	s7 =	sadd.s32 s6, s7;
	s18 =	sadd.s32 s8, s9;
	s5 =	ssub.s32 s5, s19  }
0xe: {  	s20 =	sadd.s32 s11, s2;
	s6 =	sadd.s32 s6, s2;
	s9 =	sadd.s32 s10, s22  }
0xf: {  	s19 =	simm.s32 $0x5;
	s22 =	simm.s32 $0x4;
	s8 =	simm.s32 $0x0  }
0x10: {  	s7 =	sshrl.u32 s7, $0x3;
	s21 =	sadd.s32 $0x4000, s20;
	s23 =	sadd.s32 $0x8000, s20  }
0x11: {  	s25 =	sadd.s32 $0xC000, s20;
	s26 =	sadd.s32 $0x10, s9;
	[dreg:$0x5] =	wrdreg s21  }
0x12: {  	s14 =	smax.u32 s5, $0x1;
	s5 =	simm.s32 $0x168C0;
	[dreg:$0x6] =	wrdreg s23  }
0x13: {  	s0 =	sadd.s32 s7, s0;
	s7 =	sshrl.u32 s18, $0x3;
	[dreg:$0x7] =	wrdreg s25  }
0x14: {  	[dreg:$0x9] =	wrdreg s26;
	s18 =	simm.s32 $0x8;
	s21 =	simm.s32 $0x16800  }
0x15: {  	s23 =	simm.s32 $0x1A900;
	s25 =	simm.s32 $0x1;
	s26 =	simm.s32 $0x3  }
0x16: {  	s1 =	sadd.s32 s1, s7;
	s13 =	sadd.s32 $0x56400, s0;
	s0 =	simm.s32 $0x7  }
0x17: {  	s7 =	simm.s32 $0x1C900;
	[dreg:$0x4] =	wrdreg s1;
	s1 =	sadd.s32 $0x10000, s20  }
0x18: {  	v0 =	vimm.f32 $0.0e+00;
	s20 =	simm.s32 $0x80;
	[dreg:$0x8] =	wrdreg s1;
	s1 =	simm.s32 $0x2  }
.LBB2_1:
0x19: {  	s10 =	rddreg [dreg:$0x4]  }
0x1a: {  	[tilespmem:s12], [sflag:$0x5] =	stream.linear.gather [hbm4b:s10+s3], $0x2800, $0x38;
	[tilespmem:$0x1E900] =	vst v63  }
0x1b: {  	s11 =	simm.s32 $0x200;
	s10 =	simm.s32 $0x0  }
.LBB2_2:
0x1c: {  	p0 =	sne.s32 s11, $0xFE00;
	[tilespmem:s10+$0x16970] =	vst v0  }
0x1d: {  	[tilespmem:s10+$0x16900] =	vst v0  }
0x1e: {  	[tilespmem:s10+$0x16910] =	vst v0  }
.Ltmp0:
0x1f: {  	[tilespmem:s10+$0x16920] =	vst v0;
	(pc) =	sbr.rel @p0 .LBB2_2-.Ltmp0, $4  }
0x20: {  	[tilespmem:s10+$0x16930] =	vst v0  }
0x21: {  	[tilespmem:s10+$0x16940] =	vst v0  }
0x22: {  	[tilespmem:s10+$0x16950] =	vst v0  }
0x23: {  	[tilespmem:s10+$0x16960] =	vst v0;
	s10 =	sshra.s32 s11, $0x2;
	s11 =	sadd.s32 $0x200, s11  }
0x24: {  	[tilespmem:s10+$0x16970] =	vst v0  }
0x25: {  	[tilespmem:s10+$0x16900] =	vst v0  }
0x26: {  	[tilespmem:s10+$0x16910] =	vst v0  }
0x27: {  	[tilespmem:s10+$0x16920] =	vst v0  }
0x28: {  	[tilespmem:s10+$0x16930] =	vst v0  }
0x29: {  	[tilespmem:s10+$0x16940] =	vst v0  }
0x2a: {  	[tilespmem:s10+$0x16950] =	vst v0  }
0x2b: {  	[tilespmem:s10+$0x16960] =	vst v0  }
0x2c: {  	[spmem:s6] =	stream.linear.scatter [tilespmem:s17], [sflag:$0x8], $0x4000, $0x38;
	[tilespmem:$0x1E900] =	vst v63  }
0x2d: {  	_ =	swait.ge [sflag:s18], $0x4000  }
0x2e: {  	[sflag:s18] =	ssyncset.done $0x0  }
0x2f: {  	s11 =	rddreg [dreg:$0x5];
	[sflag:s18] =	ssyncadd.s32 $0xFFFFC000  }
0x30: {  	[spmem:s11] =	stream.linear.scatter [tilespmem:s17], [sflag:$0x8], $0x4000, $0x38;
	[tilespmem:$0x1E900] =	vst v63  }
0x31: {  	_ =	swait.ge [sflag:s18], $0x4000  }
0x32: {  	[sflag:s18] =	ssyncset.done $0x0  }
0x33: {  	s16 =	rddreg [dreg:$0x6];
	[sflag:s18] =	ssyncadd.s32 $0xFFFFC000  }
0x34: {  	[spmem:s16] =	stream.linear.scatter [tilespmem:s17], [sflag:$0x8], $0x4000, $0x38;
	[tilespmem:$0x1E900] =	vst v63  }
0x35: {  	_ =	swait.ge [sflag:s18], $0x4000  }
0x36: {  	[sflag:s18] =	ssyncset.done $0x0  }
0x37: {  	s11 =	rddreg [dreg:$0x7];
	[sflag:s18] =	ssyncadd.s32 $0xFFFFC000  }
0x38: {  	[spmem:s11] =	stream.linear.scatter [tilespmem:s17], [sflag:$0x8], $0x4000, $0x38;
	[tilespmem:$0x1E900] =	vst v63  }
0x39: {  	_ =	swait.ge [sflag:s18], $0x4000  }
0x3a: {  	[sflag:s18] =	ssyncset.done $0x0  }
0x3b: {  	s16 =	rddreg [dreg:$0x8];
	[sflag:s18] =	ssyncadd.s32 $0xFFFFC000  }
0x3c: {  	[spmem:s16] =	stream.linear.scatter [tilespmem:s17], [sflag:$0x8], $0x4000, $0x38;
	[tilespmem:$0x1E900] =	vst v63  }
0x3d: {  	_ =	swait.ge [sflag:s18], $0x4000  }
0x3e: {  	[sflag:s18] =	ssyncset.done $0x0  }
0x3f: {  	[sflag:s18] =	ssyncadd.s32 $0xFFFFC000  }
0x40: {  	_ =	swait.ge [sflag:s19], $0x2800  }
0x41: {  	[sflag:s19] =	ssyncset.done $0x0  }
0x42: {  	[sflag:s19] =	ssyncadd.s32 $0xFFFFD800  }
0x43: {  	[bflag:$0x0] =	sbarrier.arrive $0xFFFF  }
0x44: {  	[tilespmem:s17], [sflag:$0x1] =	stream.indirect.gather [hbm4b:s4+s20], $0x80, s12, s20, $0xb8;
	[tilespmem:$0x1E900] =	vst v63  }
0x45: {  	_ = 	snop  }
0x46: {  	[tilespmem:s21], [sflag:$0x3] =	stream.linear.gather [hbm4b:s9+s3], $0x80, $0x38;
	[tilespmem:$0x1E900] =	vst v63  }
0x47: {  	s11 =	simm.s32 $0x14080  }
0x48: {  	[tilespmem:s23], [sflag:$0x2] =	stream.indirect.gather [hbm4b:s4+s20], $0x80, s11, s20, $0xb8;
	[tilespmem:$0x1E900] =	vst v63  }
0x49: {  	s12 =	rddreg [dreg:$0x9]  }
0x4a: {  	[tilespmem:s24], [sflag:$0x4] =	stream.linear.gather [hbm4b:s12+s3], $0x80, $0x38;
	[tilespmem:$0x1E900] =	vst v63  }
0x4b: {  	_ =	swait.ge [sflag:s25], $0x4000  }
0x4c: {  	[sflag:s25] =	ssyncset.done $0x0  }
0x4d: {  	[sflag:s25] =	ssyncadd.s32 $0xFFFFC000  }
0x4e: {  	_ =	swait.ge [sflag:s26], $0x80  }
0x4f: {  	[sflag:s26] =	ssyncset.done $0x0  }
0x50: {  	[sflag:s26] =	ssyncadd.s32 $0xFFFFFF80  }
0x51: {  	[spmem:s2] =	stream.indirect.scatter.add.f32 [tilespmem:s17], [sflag:$0x6], $0x80, s21, s28, $0xb8;
	[tilespmem:$0x1E900] =	vst v63  }
0x52: {  	_ = 	snop  }
0x53: {  	[spmem:s2] =	stream.indirect.scatter.add.f32 [tilespmem:s30], [sflag:$0x7], $0x80, s29, s28, $0xb8;
	[tilespmem:$0x1E900] =	vst v63  }
0x54: {  	_ =	swait.ge [sflag:s31], $0x2000  }
0x55: {  	[sflag:s31] =	ssyncset.done $0x0  }
0x56: {  	[sflag:s31] =	ssyncadd.s32 $0xFFFFE000  }
0x57: {  	_ =	swait.ge [sflag:s0], $0x2000  }
0x58: {  	[sflag:s0] =	ssyncset.done $0x0  }
0x59: {  	s16 =	simm.s32 $0x14100;
	s11 =	sadd.s32 $0xFFFFFB20, s15;
	[sflag:s0] =	ssyncadd.s32 $0xFFFFE000  }
0x5a: {  	[tilespmem:s17], [sflag:$0x1] =	stream.indirect.gather [hbm4b:s4+s20], $0x80, s16, s20, $0xb8;
	[tilespmem:$0x1E900] =	vst v63  }
0x5b: {  	s12 =	sadd.s32 $0x500, s11  }
0x5c: {  	[tilespmem:s21], [sflag:$0x3] =	stream.linear.gather [hbm4b:s12+s3], $0x80, $0x38;
	[tilespmem:$0x1E900] =	vst v63  }
0x5d: {  	_ =	swait.ge [sflag:s1], $0x4000  }
0x5e: {  	[sflag:s1] =	ssyncset.done $0x0  }
0x5f: {  	[sflag:s1] =	ssyncadd.s32 $0xFFFFC000  }
0x60: {  	_ =	swait.ge [sflag:s22], $0x80  }
0x61: {  	[sflag:s22] =	ssyncset.done $0x0  }
0x62: {  	[sflag:s22] =	ssyncadd.s32 $0xFFFFFF80  }
0x63: {  	[spmem:s2] =	stream.indirect.scatter.add.f32 [tilespmem:s23], [sflag:$0x6], $0x80, s24, s28, $0xb8;
	[tilespmem:$0x1E900] =	vst v63  }
0x64: {  	_ = 	snop  }
0x65: {  	[spmem:s2] =	stream.indirect.scatter.add.f32 [tilespmem:s7], [sflag:$0x7], $0x80, s5, s28, $0xb8;
	[tilespmem:$0x1E900] =	vst v63  }
0x66: {  	_ =	swait.ge [sflag:s31], $0x2000  }
0x67: {  	[sflag:s31] =	ssyncset.done $0x0  }
0x68: {  	[sflag:s31] =	ssyncadd.s32 $0xFFFFE000  }
0x69: {  	_ =	swait.ge [sflag:s0], $0x2000  }
0x6a: {  	[sflag:s0] =	ssyncset.done $0x0  }
0x6b: {  	s16 =	simm.s32 $0x14180;
	[sflag:s0] =	ssyncadd.s32 $0xFFFFE000  }
0x6c: {  	[tilespmem:s23], [sflag:$0x2] =	stream.indirect.gather [hbm4b:s4+s20], $0x80, s16, s20, $0xb8;
	[tilespmem:$0x1E900] =	vst v63  }
0x6d: {  	s10 =	simm.s32 $0xFFFFFB40;
	s16 =	sadd.s32 $0x510, s11;
	s11 =	simm.s32 $0x14200  }
.LBB2_4:
0x6e: {  	[tilespmem:s24], [sflag:$0x4] =	stream.linear.gather [hbm4b:s16+s3], $0x80, $0x38;
	[tilespmem:$0x1E900] =	vst v63  }
0x6f: {  	s16 =	smov.u32 s10  }
0x70: {  	p0 =	sne.s32 s10, $0xFFFFFFE0;
	s10 =	sadd.s32 $0x20, s10;
	_ =	swait.ge [sflag:s25], $0x4000  }
0x71: {  	[sflag:s25] =	ssyncset.done $0x0  }
0x72: {  	[sflag:s25] =	ssyncadd.s32 $0xFFFFC000  }
0x73: {  	_ =	swait.ge [sflag:s26], $0x80  }
0x74: {  	[sflag:s26] =	ssyncset.done $0x0  }
0x75: {  	[sflag:s26] =	ssyncadd.s32 $0xFFFFFF80  }
0x76: {  	[spmem:s2] =	stream.indirect.scatter.add.f32 [tilespmem:s17], [sflag:$0x6], $0x80, s21, s28, $0xb8;
	[tilespmem:$0x1E900] =	vst v63  }
0x77: {  	_ = 	snop  }
0x78: {  	[spmem:s2] =	stream.indirect.scatter.add.f32 [tilespmem:s30], [sflag:$0x7], $0x80, s29, s28, $0xb8;
	[tilespmem:$0x1E900] =	vst v63  }
0x79: {  	_ =	swait.ge [sflag:s31], $0x2000  }
0x7a: {  	[sflag:s31] =	ssyncset.done $0x0  }
0x7b: {  	[sflag:s31] =	ssyncadd.s32 $0xFFFFE000  }
0x7c: {  	_ =	swait.ge [sflag:s0], $0x2000  }
0x7d: {  	[sflag:s0] =	ssyncset.done $0x0  }
0x7e: {  	s16 =	sadd.s32 s16, s15;
	[sflag:s0] =	ssyncadd.s32 $0xFFFFE000  }
0x7f: {  	[tilespmem:s17], [sflag:$0x1] =	stream.indirect.gather [hbm4b:s4+s20], $0x80, s11, s20, $0xb8;
	[tilespmem:$0x1E900] =	vst v63  }
0x80: {  	s12 =	sadd.s32 $0x500, s16  }
0x81: {  	[tilespmem:s21], [sflag:$0x3] =	stream.linear.gather [hbm4b:s12+s3], $0x80, $0x38;
	[tilespmem:$0x1E900] =	vst v63  }
0x82: {  	_ =	swait.ge [sflag:s1], $0x4000  }
0x83: {  	[sflag:s1] =	ssyncset.done $0x0  }
0x84: {  	[sflag:s1] =	ssyncadd.s32 $0xFFFFC000  }
0x85: {  	_ =	swait.ge [sflag:s22], $0x80  }
0x86: {  	[sflag:s22] =	ssyncset.done $0x0  }
0x87: {  	[sflag:s22] =	ssyncadd.s32 $0xFFFFFF80  }
0x88: {  	[spmem:s2] =	stream.indirect.scatter.add.f32 [tilespmem:s23], [sflag:$0x6], $0x80, s24, s28, $0xb8;
	[tilespmem:$0x1E900] =	vst v63  }
0x89: {  	_ = 	snop  }
0x8a: {  	[spmem:s2] =	stream.indirect.scatter.add.f32 [tilespmem:s7], [sflag:$0x7], $0x80, s5, s28, $0xb8;
	[tilespmem:$0x1E900] =	vst v63  }
0x8b: {  	_ =	swait.ge [sflag:s31], $0x2000  }
0x8c: {  	[sflag:s31] =	ssyncset.done $0x0  }
0x8d: {  	[sflag:s31] =	ssyncadd.s32 $0xFFFFE000  }
.Ltmp1:
0x8e: {  	_ =	swait.ge [sflag:s0], $0x2000;
	(pc) =	sbr.rel @p0 .LBB2_4-.Ltmp1, $4  }
0x8f: {  	[sflag:s0] =	ssyncset.done $0x0  }
0x90: {  	s12 =	sadd.s32 $0x80, s11;
	[sflag:s0] =	ssyncadd.s32 $0xFFFFE000  }
0x91: {  	[tilespmem:s23], [sflag:$0x2] =	stream.indirect.gather [hbm4b:s4+s20], $0x80, s12, s20, $0xb8;
	[tilespmem:$0x1E900] =	vst v63  }
0x92: {  	s16 =	sadd.s32 $0x510, s16;
	s11 =	sadd.s32 $0x100, s11  }
0x93: {  	[tilespmem:s24], [sflag:$0x4] =	stream.linear.gather [hbm4b:s16+s3], $0x80, $0x38;
	[tilespmem:$0x1E900] =	vst v63  }
0x94: {  	_ =	swait.ge [sflag:s25], $0x4000  }
0x95: {  	[sflag:s25] =	ssyncset.done $0x0  }
0x96: {  	[sflag:s25] =	ssyncadd.s32 $0xFFFFC000  }
0x97: {  	_ =	swait.ge [sflag:s26], $0x80  }
0x98: {  	[sflag:s26] =	ssyncset.done $0x0  }
0x99: {  	[sflag:s26] =	ssyncadd.s32 $0xFFFFFF80  }
0x9a: {  	[spmem:s2] =	stream.indirect.scatter.add.f32 [tilespmem:s17], [sflag:$0x6], $0x80, s21, s28, $0xb8;
	[tilespmem:$0x1E900] =	vst v63  }
0x9b: {  	_ = 	snop  }
0x9c: {  	[spmem:s2] =	stream.indirect.scatter.add.f32 [tilespmem:s30], [sflag:$0x7], $0x80, s29, s28, $0xb8;
	[tilespmem:$0x1E900] =	vst v63  }
0x9d: {  	_ =	swait.ge [sflag:s31], $0x2000  }
0x9e: {  	[sflag:s31] =	ssyncset.done $0x0  }
0x9f: {  	[sflag:s31] =	ssyncadd.s32 $0xFFFFE000  }
0xa0: {  	_ =	swait.ge [sflag:s0], $0x2000  }
0xa1: {  	[sflag:s0] =	ssyncset.done $0x0  }
0xa2: {  	[sflag:s0] =	ssyncadd.s32 $0xFFFFE000  }
0xa3: {  	_ =	swait.ge [sflag:s1], $0x4000  }
0xa4: {  	[sflag:s1] =	ssyncset.done $0x0  }
0xa5: {  	[sflag:s1] =	ssyncadd.s32 $0xFFFFC000  }
0xa6: {  	_ =	swait.ge [sflag:s22], $0x80  }
0xa7: {  	[sflag:s22] =	ssyncset.done $0x0  }
0xa8: {  	[sflag:s22] =	ssyncadd.s32 $0xFFFFFF80  }
0xa9: {  	[spmem:s2] =	stream.indirect.scatter.add.f32 [tilespmem:s23], [sflag:$0x6], $0x80, s24, s28, $0xb8;
	[tilespmem:$0x1E900] =	vst v63  }
0xaa: {  	_ = 	snop  }
0xab: {  	[spmem:s2] =	stream.indirect.scatter.add.f32 [tilespmem:s7], [sflag:$0x7], $0x80, s5, s28, $0xb8;
	[tilespmem:$0x1E900] =	vst v63  }
0xac: {  	_ =	swait.ge [sflag:s31], $0x2000  }
0xad: {  	[sflag:s31] =	ssyncset.done $0x0  }
0xae: {  	[sflag:s31] =	ssyncadd.s32 $0xFFFFE000  }
0xaf: {  	s10 =	stileid.u32;
	_ =	swait.ge [sflag:s0], $0x2000  }
0xb0: {  	s11 =	sshrl.u32 s6, $0x3;
	s8 =	sadd.s32 $0x1, s8;
	[sflag:s0] =	ssyncset.done $0x0  }
0xb1: {  	s10 =	sshll.u32 s10, $0x6;
	p0 =	sne.s32 s8, s14;
	[sflag:s0] =	ssyncadd.s32 $0xFFFFE000  }
.Ltmp2:
0xb2: {  	s10 =	sor.u32 $0x1C08, s10;
	[bflag:$0x0] =	sbarrier.arrive $0xFFFF;
	(pc) =	sbr.rel @p0 .LBB2_1-.Ltmp2, $4  }
0xb3: {  	[hbm:s13], [sflag:s10] =	dma.local [spmem:s11], $0x2800  }
0xb4: {  	_ =	swait.ge [sflag:s18], $0x2800  }
0xb5: {  	[sflag:s18] =	ssyncset.done $0x0  }
0xb6: {  	s12 =	simm.s32 $0x14000;
	[sflag:s18] =	ssyncadd.s32 $0xFFFFD800  }
0xb7: {  	_ =	sfence.sel $0x180000  }
0xb8: {  	[bflag:$0x0] =	sbarrier.arrive $0xFFFF  }
0xb9: {  	_ =	strace $0x9000004D  }
0xba: {  	s0 =	stileid.u32;
	[bflag:$0x2] =	sbarrier.arrive $0xFFFF  }
0xbb: {  	p0 =	sne.s32 s0, $0x0;
	s0 =	rddreg [dreg:$0x3]  }
0xbc: {  	s0 =	sadd.s32 @!p0 $0x100000, s0  }
0xbd: {  	[sflag:s0] =	ssyncadd.tile.s32 @!p0 $0x1;
	_ =	shalt  }
.Lfunc_end2:
_tile_overlayer_lowered:
.L_overlay_start_2:
0xbe: {  	(tag) =	ssettag $0x2  }
0xbf: {  	s0 =	rddreg [dreg:$0x0];
	s2 =	stileid.u32  }
0xc0: {  	s1 =	rddreg [dreg:$0x1];
	p0 =	sne.s32 s2, $0x0  }
0xc1: {  	s3 =	rddreg [dreg:$0x2];
	[bflag:$0x3] =	sbarrier.arrive $0xFFFF;
	s2 =	simm.s32 @!p0 $0x1C08  }
0xc2: {  	[timem:s3], [sflag:s2] =	dma.local @!p0 [hbm:s0], s1  }
0xc3: {  	s0 =	simm.s32 @!p0 $0x8  }
0xc4: {  	_ =	swait.ge @!p0 [sflag:s0], s1  }
0xc5: {  	s1 =	ssub.s32 @!p0 $0x0, s1;
	[sflag:s0] =	ssyncset.done @!p0 $0x0  }
0xc6: {  	[sflag:s0] =	ssyncadd.s32 @!p0 s1  }
0xc7: {  	[bflag:$0x3] =	sbarrier.arrive $0xFFFF  }
0xc8: {  	_ =	shalt  }

// kernel: kernel.8.cloned.1.call-start
scs
__scs_entry_jumppad:
0x0: {  	(pc) =	sbr.rel $0x88, $3  }
0x1: {  	(tag) =	ssettag $0x0;
	lr =	simm.s32 $0x1  }
0x2: {  	[smem:$0x3F9B] =	sst lr;
	_ =	strace $0xD0000000  }
0x3: {  	_ = 	snop  }
0x4: {  	_ = 	snop  }
0x5: {  	_ = 	snop  }
0x6: {  	_ = 	snop  }
0x7: {  	_ = 	snop  }
__scs_overlays_trampoline_lowered:
0x8: {  	[smem:$0x3FAA] =	sst s0  }
0x9: {  	[smem:$0x3FAB] =	sst s1  }
0xa: {  	[smem:$0x3FAC] =	sst s2  }
0xb: {  	[smem:$0x3FAD] =	sst s3  }
0xc: {  	[smem:$0x3FAE] =	sst s4  }
0xd: {  	[smem:$0x3FAF] =	sst s5  }
0xe: {  	[smem:$0x3FB0] =	sst s6  }
0xf: {  	[smem:$0x3FB1] =	sst s7  }
0x10: {  	[smem:$0x3FB2] =	sst s8  }
0x11: {  	[smem:$0x3FB3] =	sst s9;
	s0 =	simm.s32 @!p0 $0x0  }
0x12: {  	s1 =	sld [smem:$0x3F99];
	s0 =	simm.s32 @p0 $0x1  }
0x13: {  	[smem:$0x3FB4] =	sst s0;
	s0 =	simm.s32 @!p1 $0x0  }
0x14: {  	s2 =	sld [smem:$0x3F98];
	s0 =	simm.s32 @p1 $0x1  }
0x15: {  	[smem:$0x3FB5] =	sst s0;
	s0 =	simm.s32 @!p2 $0x0  }
0x16: {  	s3 =	sld [smem:$0x3FDB];
	s0 =	simm.s32 @p2 $0x1  }
0x17: {  	s4 =	simm.s32 $0x1BF5;
	[smem:$0x3FB7] =	sst s0  }
0x18: {  	s0 =	sld [smem:$0x3F9A];
	_ =	swait.ge [sflag:s4], $0x0  }
0x19: {  	s7 =	sld [smem:$0x3F9B]  }
0x1a: {  	s8 =	sadd.s32 $0xFFFFE003, lr  }
0x1b: {  	s9 =	sadd.s32 $0xFFFFFEF7, lr;
	s5 =	simm.s32 $0xFFFFFFFF;
	p2 =	slt.u32 s8, $0xFFFFF086  }
0x1c: {  	p1 =	slt.u32 s9, $0xF7A;
	s5 =	simm.s32 @!p2 $0x0  }
0x1d: {  	s5 =	simm.s32 @p1 $0x1;
	p0 =	seq.s32 s7, s2  }
0x1e: {  	s7 =	smul.u32 @!p0 $0xF7A, s2;
	p2 =	seq.s32 @!p0 s5, $0x0  }
0x1f: {  	s9 =	smul.u32 $0xF7A, s1;
	s8 =	simm.s32 @!p0 $0x1BF5;
	p2 =	por !p2, p0  }
0x20: {  	[sflag:s8] =	ssyncset.s32 @!p0 $0xFFFFF086;
	s6 =	sadd.s32 @!p0 s3, s7;
	s7 =	simm.s32 @!p0 $0x108  }
0x21: {  	s3 =	sadd.s32 s3, s9;
	s6 =	sadd.s32 @!p0 $0x88, s6;
	s7 =	simm.s32 @p2 $0x1082  }
0x22: {  	[simem:s7], [sflag:s8] =	dma.local @!p0 [hbm:s6], $0xF7A  }
0x23: {  	s9 =	sor.u32 $0xD0000000, s2;
	s6 =	simm.s32 $0x108;
	_ =	swait.ge @!p0 [sflag:s8], $0x0  }
0x24: {  	s3 =	sadd.s32 $0x88, s3;
	s6 =	simm.s32 @!p1 $0x1082;
	[sflag:s4] =	ssyncset.s32 $0xFFFFF086  }
0x25: {  	[simem:s6], [sflag:s4] =	dma.local [hbm:s3], $0xF7A  }
0x26: {  	[smem:$0x3F9B] =	sst s1;
	(tag) =	ssettag s2;
	_ =	strace s9  }
0x27: {  	s1 =	sld [smem:$0x3FAB]  }
0x28: {  	s2 =	sld [smem:$0x3FAC]  }
0x29: {  	s4 =	sld [smem:$0x3FAE]  }
0x2a: {  	p0 =	seq.s32 s5, $0x0;
	s5 =	sld [smem:$0x3FAF]  }
0x2b: {  	s6 =	sld [smem:$0x3FB0]  }
0x2c: {  	s7 =	sld [smem:$0x3FB1]  }
0x2d: {  	s3 =	simm.s32 $0x108;
	s8 =	sld [smem:$0x3FB2]  }
0x2e: {  	s3 =	simm.s32 @!p0 $0x1082;
	s9 =	sld [smem:$0x3FB3]  }
0x2f: {  	lr =	sadd.s32 s0, s3;
	s0 =	sld [smem:$0x3FAA]  }
0x30: {  	s3 =	sld [smem:$0x3FAD]  }
0x31: {  	[smem:$0x3FB6] =	sst s10  }
0x32: {  	s10 =	sld [smem:$0x3FB4];
	_ =	sdelay $0x3  }
0x33: {  	p0 =	seq.s32 s10, $0x1;
	s10 =	sld [smem:$0x3FB6];
	_ =	sdelay $0x3  }
0x34: {  	[smem:$0x3FB6] =	sst s10  }
0x35: {  	s10 =	sld [smem:$0x3FB5];
	_ =	sdelay $0x3  }
0x36: {  	p1 =	seq.s32 s10, $0x1;
	s10 =	sld [smem:$0x3FB6];
	_ =	sdelay $0x3  }
0x37: {  	[smem:$0x3FB6] =	sst s10  }
0x38: {  	s10 =	sld [smem:$0x3FB7]  }
0x39: {  	_ = 	snop;
	(pc) =	sbr.ind lr, $3  }
0x3a: {  	_ = 	snop  }
0x3b: {  	_ = 	snop  }
0x3c: {  	p2 =	seq.s32 s10, $0x1;
	s10 =	sld [smem:$0x3FB6]  }
0x3d: {  	_ =	shalt  }
0x3e: {  	_ =	shalt  }
0x3f: {  	_ =	shalt  }
0x40: {  	_ =	shalt  }
0x41: {  	_ =	shalt  }
0x42: {  	_ =	shalt  }
0x43: {  	_ =	shalt  }
0x44: {  	_ =	shalt  }
0x45: {  	_ =	shalt  }
0x46: {  	_ =	shalt  }
0x47: {  	_ =	shalt  }
0x48: {  	_ =	shalt  }
0x49: {  	_ =	shalt  }
0x4a: {  	_ =	shalt  }
0x4b: {  	_ =	shalt  }
0x4c: {  	_ =	shalt  }
0x4d: {  	_ =	shalt  }
0x4e: {  	_ =	shalt  }
0x4f: {  	_ =	shalt  }
0x50: {  	_ =	shalt  }
0x51: {  	_ =	shalt  }
0x52: {  	_ =	shalt  }
0x53: {  	_ =	shalt  }
0x54: {  	_ =	shalt  }
0x55: {  	_ =	shalt  }
0x56: {  	_ =	shalt  }
0x57: {  	_ =	shalt  }
0x58: {  	_ =	shalt  }
0x59: {  	_ =	shalt  }
0x5a: {  	_ =	shalt  }
0x5b: {  	_ =	shalt  }
0x5c: {  	_ =	shalt  }
0x5d: {  	_ =	shalt  }
0x5e: {  	_ =	shalt  }
0x5f: {  	_ =	shalt  }
0x60: {  	_ =	shalt  }
0x61: {  	_ =	shalt  }
0x62: {  	_ =	shalt  }
0x63: {  	_ =	shalt  }
0x64: {  	_ =	shalt  }
0x65: {  	_ =	shalt  }
0x66: {  	_ =	shalt  }
0x67: {  	_ =	shalt  }
0x68: {  	_ =	shalt  }
0x69: {  	_ =	shalt  }
0x6a: {  	_ =	shalt  }
0x6b: {  	_ =	shalt  }
0x6c: {  	_ =	shalt  }
0x6d: {  	_ =	shalt  }
0x6e: {  	_ =	shalt  }
0x6f: {  	_ =	shalt  }
0x70: {  	_ =	shalt  }
0x71: {  	_ =	shalt  }
0x72: {  	_ =	shalt  }
0x73: {  	_ =	shalt  }
0x74: {  	_ =	shalt  }
0x75: {  	_ =	shalt  }
0x76: {  	_ =	shalt  }
0x77: {  	_ =	shalt  }
0x78: {  	_ =	shalt  }
0x79: {  	_ =	shalt  }
0x7a: {  	_ =	shalt  }
0x7b: {  	_ =	shalt  }
0x7c: {  	_ =	shalt  }
0x7d: {  	_ =	shalt  }
0x7e: {  	_ =	shalt  }
0x7f: {  	_ =	shalt  }
0x80: {  	_ =	shalt  }
0x81: {  	_ =	shalt  }
0x82: {  	_ =	shalt  }
0x83: {  	_ =	shalt  }
0x84: {  	_ =	shalt  }
0x85: {  	_ =	shalt  }
0x86: {  	_ =	shalt  }
0x87: {  	_ =	shalt  }
.Lfunc_end0:
.L_simem_size_0:
called_computation_lowered:
.L_overlay_start_0:
0x88: {  	s2 =	sld [smem:$0x3FD9]  }
0x89: {  	s3 =	sld [smem:$0x3FFE];
	_ =	sdelay $0x1  }
0x8a: {  	s1 =	srdreg.scid  }
0x8b: {  	s0 =	sand.u32 $0x1, s1  }
0x8c: {  	s16 =	sshll.u32 s0, $0xA;
	s2 =	sadd.s32 s3, s2  }
0x8d: {  	s2 =	sadd.s32 s2, s16  }
0x8e: {  	[smem:$0x3FC2] =	sst s2  }
0x8f: {  	_ = 	snop  }
0x90: {  	(tm) =	ssettm $0x1  }
0x91: {  	s17 =	sld [smem:$0x3FFB];
	_ =	sdelay $0x3  }
0x92: {  	_ =	strace s17  }
0x93: {  	s2 =	sld [smem:$0x3FFC];
	_ =	sdelay $0x3  }
0x94: {  	_ =	strace s2  }
0x95: {  	s2 =	sld [smem:$0x3FFD];
	_ =	sdelay $0x3  }
0x96: {  	_ =	strace s2  }
0x97: {  	_ =	strace $0x8FFFFFFF  }
0x98: {  	s18 =	sld [smem:$0x3FDB];
	_ =	sdelay $0x1  }
0x99: {  	s19 =	simm.s32 $_scs_section_size  }
0x9a: {  	s4 =	simm.s32 $_size__tile_overlayer_lowered;
	s5 =	simm.s32 $_tile_overlayer_lowered  }
0x9b: {  	s22 =	simm.s32 $0x1BFF;
	s21 =	sshll.u32 s5, $0x1;
	s2 =	sadd.s32 s19, s18  }
0x9c: {  	s6 =	simm.s32 $0x0;
	s20 =	sshll.u32 s4, $0x1;
	s4 =	sadd.s32 s21, s2  }
0x9d: {  	[timem:s6], [sflag:s22] =	dma.local [hbm:s4], s20  }
0x9e: {  	_ =	swait.ge [sflag:s22], s20  }
0x9f: {  	s3 =	ssub.s32 $0x0, s20;
	[sflag:s22] =	ssyncset.done $0x0  }
0xa0: {  	[sflag:s22] =	ssyncadd.s32 s3;
	_ =	sdelay $0x1  }
0xa1: {  	s23 =	simm.s32 $0x1B8B  }
0xa2: {  	_ =	swait.ge [sflag:s23], $0x1  }
0xa3: {  	[sflag:s23] =	ssyncset.done $0x0  }
0xa4: {  	s25 =	simm.s32 $0x1B8E;
	s24 =	sld [smem:$0x3FFE];
	[sflag:s23] =	ssyncadd.s32 $0xFFFFFFFF  }
0xa5: {  	s26 =	simm.s32 $execute0_lowered;
	[smem:$0x3FD2] =	sst s25  }
0xa6: {  	s4 =	sshll.u32 s26, $0x1;
	_ =	strace $0x80000046;
	[dreg:$0x1] =	wrdreg $0xFFFFFFFF  }
0xa7: {  	s28 =	simm.s32 $_size_execute0_lowered;
	s2 =	sadd.s32 s2, s4;
	[dreg:$0x0] =	wrdreg $0x0  }
0xa8: {  	s4 =	sshll.u32 s28, $0x1;
	[dreg:$0x2] =	wrdreg s2  }
0xa9: {  	[dreg:$0x3] =	wrdreg s4  }
0xaa: {  	[dreg:$0x4] =	wrdreg $0xC0  }
0xab: {  	_ =	task [dreg:s6], $0x5FFFF  }
0xac: {  	[dreg:$0x1] =	wrdreg $0xFFFFFFFF  }
0xad: {  	[dreg:$0x0] =	wrdreg $0x60  }
0xae: {  	[dreg:$0x2] =	wrdreg s24  }
0xaf: {  	[dreg:$0x3] =	wrdreg $0x0  }
0xb0: {  	[dreg:$0x4] =	wrdreg $0x9  }
0xb1: {  	_ =	task.clear_ibuf [dreg:s6], $0x5FFFF;
	_ =	strace $0x90000046  }
0xb2: {  	s29 =	simm.s32 $0x9;
	_ =	strace $0x80000048  }
0xb3: {  	_ =	swait.ge [sflag:s29], $0x1  }
0xb4: {  	[sflag:s29] =	ssyncadd.s32 $0xFFFFFFFF  }
0xb5: {  	_ =	strace $0x90000048  }
0xb6: {  	_ =	sfence  }
0xb7: {  	s30 =	sld [smem:$0x0];
	_ =	sdelay $0x2  }
0xb8: {  	s31 =	sshll.u32 s1, $0xD;
	s1 =	sshrl.u32 s1, $0x2  }
0xb9: {  	s3 =	sand.u32 $0x4000, s31;
	s1 =	sadd.s32 s1, s30  }
0xba: {  	s0 =	sor.u32 s3, s0;
	s1 =	sshll.u32 s1, $0x11  }
0xbb: {  	s0 =	sor.u32 s1, s0  }
0xbc: {  	s0 =	sadd.s32 $0x8F2B, s0  }
0xbd: {  	[sflag:s0] =	ssyncadd.remote.s32 $0x1  }
0xbe: {  	_ =	sfence.sel $0xFFFF  }
0xbf: {  	[dreg:$0x0] =	wrdreg $0xFFFFFFFF;
	(pc) =	sbr.abs _section_cstart, $3  }
0xc0: {  	[dreg:$0x1] =	wrdreg $0xFFFFFFFF  }
0xc1: {  	_ =	task.clear_ibuf [dreg:s6], $0x2FFFF;
	_ =	strace $0x9FFFFFFF  }
0xc2: {  	(tm) =	ssettm $0x7FFFFFFF  }
0xc3: {  	_ =	shalt  }
tec
execute0_lowered:
.L_overlay_start_1:
0x0: {  	(tag) =	ssettag $0x1  }
0x1: {  	s5 =	rddreg [dreg:$0x0]  }
0x2: {  	s2 =	rddreg [dreg:$0x1]  }
0x3: {  	s0 =	rddreg [dreg:$0x2];
	s3 =	srdreg.scid  }
0x4: {  	s1 =	stileid.u32;
	s13 =	simm.s32 $0x3;
	s14 =	simm.s32 $0x300  }
0x5: {  	s15 =	simm.s32 $0x500;
	s16 =	simm.s32 $0x1;
	s17 =	simm.s32 $0x80  }
0x6: {  	s18 =	simm.s32 $0x280;
	s19 =	simm.s32 $0x380;
	s20 =	simm.s32 $0x400  }
0x7: {  	s21 =	simm.s32 $0x480;
	s22 =	simm.s32 $0x2;
	s23 =	simm.s32 $0x580  }
0x8: {  	s24 =	simm.s32 $0x600;
	s25 =	simm.s32 $0x680;
	s6 =	smul.u32 $0x280, s1  }
0x9: {  	s26 =	simm.s32 $0x0;
	s4 =	sand.u32 $0x1, s3;
	s9 =	smul.u32 $0x2800, s1  }
0xa: {  	s7 =	sshll.u32 s1, $0x1;
	s3 =	simm.s32 $0x0;
	s8 =	smul.u32 $0x2800, s4  }
0xb: {  	s7 =	sor.u32 s4, s7;
	[smem:$0x7FF] =	sst s3;
	s11 =	smul.u32 $0x1400, s4  }
0xc: {  	s10 =	ssub.s32 $0x2, s4;
	s4 =	sadd.s32 $0x1400, s5;
	s7 =	smul.u32 $0x1400, s7  }
0xd: {  	_ =	strace $0x80000047;
	s31 =	sshrl.u32 s10, $0x1;
	s8 =	sadd.s32 s6, s8  }
0xe: {  	s10 =	ssub.s32 s10, s31;
	s11 =	sadd.s32 s11, s9;
	s8 =	sshrl.u32 s8, $0x3  }
0xf: {  	s7 =	sshrl.u32 s7, $0x3;
	s9 =	sadd.s32 $0x600, s11;
	s11 =	sadd.s32 $0x400, s11  }
0x10: {  	s8 =	sadd.s32 s8, s5;
	s5 =	sadd.s32 s6, s2;
	s6 =	sadd.s32 s4, s7  }
0x11: {  	s12 =	sshrl.u32 s9, $0x3;
	s9 =	smax.u32 s10, $0x1;
	s7 =	sadd.s32 $0x40, s6  }
0x12: {  	v0 =	vimm.f32 $1.000000000e+00;
	v1 =	vimm.f32 $0.0e+00;
	s8 =	sadd.s32 $0x6400, s8;
	s10 =	sadd.s32 s12, s4;
	s12 =	simm.s32 $0x700  }
.LBB2_1:
0x13: {  	[tilespmem:$0x280] =	vst v0  }
0x14: {  	[tilespmem:$0x290] =	vst v0  }
0x15: {  	[tilespmem:$0x2A0] =	vst v0  }
0x16: {  	[tilespmem:$0x2B0] =	vst v0  }
0x17: {  	[tilespmem:$0x2C0] =	vst v0  }
0x18: {  	[tilespmem:$0x2D0] =	vst v0  }
0x19: {  	[tilespmem:$0x2E0] =	vst v0  }
0x1a: {  	[tilespmem:$0x2F0] =	vst v0  }
0x1b: {  	[tilespmem:$0x700] =	vst v1  }
0x1c: {  	[tilespmem:$0x710] =	vst v1  }
0x1d: {  	[tilespmem:$0x720] =	vst v1  }
0x1e: {  	[tilespmem:$0x730] =	vst v1  }
0x1f: {  	[tilespmem:$0x740] =	vst v1  }
0x20: {  	[tilespmem:$0x750] =	vst v1  }
0x21: {  	[tilespmem:$0x760] =	vst v1  }
0x22: {  	[tilespmem:$0x770] =	vst v1  }
0x23: {  	[tilespmem:$0x780] =	vst v1  }
0x24: {  	[tilespmem:$0x790] =	vst v1  }
0x25: {  	[tilespmem:$0x7A0] =	vst v1  }
0x26: {  	[tilespmem:$0x7B0] =	vst v1  }
0x27: {  	[tilespmem:$0x7C0] =	vst v1  }
0x28: {  	[tilespmem:$0x7D0] =	vst v1  }
0x29: {  	[tilespmem:$0x7E0] =	vst v1  }
0x2a: {  	[tilespmem:$0x7F0] =	vst v1  }
0x2b: {  	[tilespmem:$0x800] =	vst v1  }
0x2c: {  	[tilespmem:$0x810] =	vst v1  }
0x2d: {  	[tilespmem:$0x820] =	vst v1  }
0x2e: {  	[tilespmem:$0x830] =	vst v1  }
0x2f: {  	[tilespmem:$0x840] =	vst v1  }
0x30: {  	[tilespmem:$0x850] =	vst v1  }
0x31: {  	[tilespmem:$0x860] =	vst v1  }
0x32: {  	[tilespmem:$0x870] =	vst v1  }
0x33: {  	[tilespmem:$0x880] =	vst v1  }
0x34: {  	[tilespmem:$0x890] =	vst v1  }
0x35: {  	[tilespmem:$0x8A0] =	vst v1  }
0x36: {  	[tilespmem:$0x8B0] =	vst v1  }
0x37: {  	[tilespmem:$0x8C0] =	vst v1  }
0x38: {  	[tilespmem:$0x8D0] =	vst v1  }
0x39: {  	[tilespmem:$0x8E0] =	vst v1  }
0x3a: {  	[tilespmem:$0x8F0] =	vst v1  }
0x3b: {  	[tilespmem:$0x900] =	vst v1  }
0x3c: {  	[tilespmem:$0x910] =	vst v1  }
0x3d: {  	[tilespmem:$0x920] =	vst v1  }
0x3e: {  	[tilespmem:$0x930] =	vst v1  }
0x3f: {  	[tilespmem:$0x940] =	vst v1  }
0x40: {  	[tilespmem:$0x950] =	vst v1  }
0x41: {  	[tilespmem:$0x960] =	vst v1  }
0x42: {  	[tilespmem:$0x970] =	vst v1  }
0x43: {  	[spmem:s5] =	stream.linear.scatter [tilespmem:s12], [sflag:$0x3], $0x280, $0x38;
	[tilespmem:$0x980] =	vst v63  }
0x44: {  	_ =	swait.ge [sflag:s13], $0x280  }
0x45: {  	[sflag:s13] =	ssyncset.done $0x0  }
0x46: {  	[sflag:s13] =	ssyncadd.s32 $0xFFFFFD80  }
0x47: {  	[bflag:$0x0] =	sbarrier.arrive $0xFFFF  }
0x48: {  	[tilespmem:s14], [sflag:$0x1] =	stream.linear.gather [hbm4b:s6+s3], $0x200, $0x38;
	[tilespmem:$0x980] =	vst v63  }
0x49: {  	_ = 	snop  }
0x4a: {  	[tilespmem:s15], [sflag:$0x2] =	stream.linear.gather [hbm4b:s7+s3], $0x200, $0x38;
	[tilespmem:$0x980] =	vst v63  }
0x4b: {  	_ =	swait.ge [sflag:s16], $0x200  }
0x4c: {  	[sflag:s16] =	ssyncset.done $0x0  }
0x4d: {  	[sflag:s16] =	ssyncadd.s32 $0xFFFFFE00  }
0x4e: {  	[spmem:s2] =	stream.indirect.scatter.add.f32 [tilespmem:s18], [sflag:$0x3], $0x1, s14, s17, $0xb8;
	[tilespmem:$0x980] =	vst v63  }
0x4f: {  	_ =	swait.ge [sflag:s13], $0x80  }
0x50: {  	[sflag:s13] =	ssyncset.done $0x0  }
0x51: {  	[sflag:s13] =	ssyncadd.s32 $0xFFFFFF80  }
0x52: {  	[spmem:s2] =	stream.indirect.scatter.add.f32 [tilespmem:s18], [sflag:$0x3], $0x1, s19, s17, $0xb8;
	[tilespmem:$0x980] =	vst v63  }
0x53: {  	_ =	swait.ge [sflag:s13], $0x80  }
0x54: {  	[sflag:s13] =	ssyncset.done $0x0  }
0x55: {  	[sflag:s13] =	ssyncadd.s32 $0xFFFFFF80  }
0x56: {  	[spmem:s2] =	stream.indirect.scatter.add.f32 [tilespmem:s18], [sflag:$0x3], $0x1, s20, s17, $0xb8;
	[tilespmem:$0x980] =	vst v63  }
0x57: {  	_ =	swait.ge [sflag:s13], $0x80  }
0x58: {  	[sflag:s13] =	ssyncset.done $0x0  }
0x59: {  	[sflag:s13] =	ssyncadd.s32 $0xFFFFFF80  }
0x5a: {  	[spmem:s2] =	stream.indirect.scatter.add.f32 [tilespmem:s18], [sflag:$0x3], $0x1, s21, s17, $0xb8;
	[tilespmem:$0x980] =	vst v63  }
0x5b: {  	_ =	swait.ge [sflag:s13], $0x80  }
0x5c: {  	s28 =	sshrl.u32 s11, $0x3;
	[sflag:s13] =	ssyncset.done $0x0  }
0x5d: {  	s28 =	sadd.s32 s4, s28;
	[sflag:s13] =	ssyncadd.s32 $0xFFFFFF80  }
0x5e: {  	[tilespmem:s14], [sflag:$0x1] =	stream.linear.gather [hbm4b:s28+s3], $0x200, $0x38;
	[tilespmem:$0x980] =	vst v63  }
0x5f: {  	_ =	swait.ge [sflag:s22], $0x200  }
0x60: {  	[sflag:s22] =	ssyncset.done $0x0  }
0x61: {  	[sflag:s22] =	ssyncadd.s32 $0xFFFFFE00  }
0x62: {  	[spmem:s2] =	stream.indirect.scatter.add.f32 [tilespmem:s18], [sflag:$0x3], $0x1, s15, s17, $0xb8;
	[tilespmem:$0x980] =	vst v63  }
0x63: {  	_ =	swait.ge [sflag:s13], $0x80  }
0x64: {  	[sflag:s13] =	ssyncset.done $0x0  }
0x65: {  	[sflag:s13] =	ssyncadd.s32 $0xFFFFFF80  }
0x66: {  	[spmem:s2] =	stream.indirect.scatter.add.f32 [tilespmem:s18], [sflag:$0x3], $0x1, s23, s17, $0xb8;
	[tilespmem:$0x980] =	vst v63  }
0x67: {  	_ =	swait.ge [sflag:s13], $0x80  }
0x68: {  	[sflag:s13] =	ssyncset.done $0x0  }
0x69: {  	[sflag:s13] =	ssyncadd.s32 $0xFFFFFF80  }
0x6a: {  	[spmem:s2] =	stream.indirect.scatter.add.f32 [tilespmem:s18], [sflag:$0x3], $0x1, s24, s17, $0xb8;
	[tilespmem:$0x980] =	vst v63  }
0x6b: {  	_ =	swait.ge [sflag:s13], $0x80  }
0x6c: {  	[sflag:s13] =	ssyncset.done $0x0  }
0x6d: {  	[sflag:s13] =	ssyncadd.s32 $0xFFFFFF80  }
0x6e: {  	[spmem:s2] =	stream.indirect.scatter.add.f32 [tilespmem:s18], [sflag:$0x3], $0x1, s25, s17, $0xb8;
	[tilespmem:$0x980] =	vst v63  }
0x6f: {  	_ =	swait.ge [sflag:s13], $0x80  }
0x70: {  	s30 =	sadd.s32 $0x0, s10;
	[sflag:s13] =	ssyncset.done $0x0  }
0x71: {  	s29 =	sadd.s32 $0x400, s11;
	s28 =	simm.s32 $0x80;
	[sflag:s13] =	ssyncadd.s32 $0xFFFFFF80  }
.LBB2_2:
0x72: {  	[tilespmem:s15], [sflag:$0x2] =	stream.linear.gather [hbm4b:s30+s3], $0x200, $0x38;
	[tilespmem:$0x980] =	vst v63  }
0x73: {  	s30 =	smov.u32 s28  }
0x74: {  	p0 =	sne.s32 s28, $0x180;
	s28 =	sadd.s32 $0x80, s28;
	_ =	swait.ge [sflag:s16], $0x200  }
0x75: {  	[sflag:s16] =	ssyncset.done $0x0  }
0x76: {  	[sflag:s16] =	ssyncadd.s32 $0xFFFFFE00  }
0x77: {  	[spmem:s2] =	stream.indirect.scatter.add.f32 [tilespmem:s18], [sflag:$0x3], $0x1, s14, s17, $0xb8;
	[tilespmem:$0x980] =	vst v63  }
0x78: {  	_ =	swait.ge [sflag:s13], $0x80  }
0x79: {  	[sflag:s13] =	ssyncset.done $0x0  }
0x7a: {  	[sflag:s13] =	ssyncadd.s32 $0xFFFFFF80  }
0x7b: {  	[spmem:s2] =	stream.indirect.scatter.add.f32 [tilespmem:s18], [sflag:$0x3], $0x1, s19, s17, $0xb8;
	[tilespmem:$0x980] =	vst v63  }
0x7c: {  	_ =	swait.ge [sflag:s13], $0x80  }
0x7d: {  	[sflag:s13] =	ssyncset.done $0x0  }
0x7e: {  	[sflag:s13] =	ssyncadd.s32 $0xFFFFFF80  }
0x7f: {  	[spmem:s2] =	stream.indirect.scatter.add.f32 [tilespmem:s18], [sflag:$0x3], $0x1, s20, s17, $0xb8;
	[tilespmem:$0x980] =	vst v63  }
0x80: {  	_ =	swait.ge [sflag:s13], $0x80  }
0x81: {  	[sflag:s13] =	ssyncset.done $0x0  }
0x82: {  	[sflag:s13] =	ssyncadd.s32 $0xFFFFFF80  }
0x83: {  	[spmem:s2] =	stream.indirect.scatter.add.f32 [tilespmem:s18], [sflag:$0x3], $0x1, s21, s17, $0xb8;
	[tilespmem:$0x980] =	vst v63  }
0x84: {  	_ =	swait.ge [sflag:s13], $0x80  }
0x85: {  	s31 =	sshrl.u32 s29, $0x3;
	[sflag:s13] =	ssyncset.done $0x0  }
0x86: {  	s31 =	sadd.s32 s4, s31;
	[sflag:s13] =	ssyncadd.s32 $0xFFFFFF80  }
0x87: {  	[tilespmem:s14], [sflag:$0x1] =	stream.linear.gather [hbm4b:s31+s3], $0x200, $0x38;
	[tilespmem:$0x980] =	vst v63  }
0x88: {  	_ =	swait.ge [sflag:s22], $0x200  }
0x89: {  	[sflag:s22] =	ssyncset.done $0x0  }
0x8a: {  	[sflag:s22] =	ssyncadd.s32 $0xFFFFFE00  }
0x8b: {  	[spmem:s2] =	stream.indirect.scatter.add.f32 [tilespmem:s18], [sflag:$0x3], $0x1, s15, s17, $0xb8;
	[tilespmem:$0x980] =	vst v63  }
0x8c: {  	_ =	swait.ge [sflag:s13], $0x80  }
0x8d: {  	[sflag:s13] =	ssyncset.done $0x0  }
0x8e: {  	[sflag:s13] =	ssyncadd.s32 $0xFFFFFF80  }
0x8f: {  	[spmem:s2] =	stream.indirect.scatter.add.f32 [tilespmem:s18], [sflag:$0x3], $0x1, s23, s17, $0xb8;
	[tilespmem:$0x980] =	vst v63  }
0x90: {  	_ =	swait.ge [sflag:s13], $0x80  }
0x91: {  	[sflag:s13] =	ssyncset.done $0x0  }
0x92: {  	[sflag:s13] =	ssyncadd.s32 $0xFFFFFF80  }
0x93: {  	[spmem:s2] =	stream.indirect.scatter.add.f32 [tilespmem:s18], [sflag:$0x3], $0x1, s24, s17, $0xb8;
	[tilespmem:$0x980] =	vst v63  }
0x94: {  	_ =	swait.ge [sflag:s13], $0x80  }
0x95: {  	[sflag:s13] =	ssyncset.done $0x0  }
.Ltmp0:
0x96: {  	[sflag:s13] =	ssyncadd.s32 $0xFFFFFF80;
	(pc) =	sbr.rel @p0 .LBB2_2-.Ltmp0, $4  }
0x97: {  	[spmem:s2] =	stream.indirect.scatter.add.f32 [tilespmem:s18], [sflag:$0x3], $0x1, s25, s17, $0xb8;
	[tilespmem:$0x980] =	vst v63  }
0x98: {  	_ =	swait.ge [sflag:s13], $0x80  }
0x99: {  	[sflag:s13] =	ssyncset.done $0x0  }
0x9a: {  	s29 =	sadd.s32 $0x400, s29;
	s30 =	sadd.s32 s30, s10;
	[sflag:s13] =	ssyncadd.s32 $0xFFFFFF80  }
0x9b: {  	[tilespmem:s15], [sflag:$0x2] =	stream.linear.gather [hbm4b:s30+s3], $0x200, $0x38;
	[tilespmem:$0x980] =	vst v63  }
0x9c: {  	_ =	swait.ge [sflag:s16], $0x200  }
0x9d: {  	[sflag:s16] =	ssyncset.done $0x0  }
0x9e: {  	[sflag:s16] =	ssyncadd.s32 $0xFFFFFE00  }
0x9f: {  	[spmem:s2] =	stream.indirect.scatter.add.f32 [tilespmem:s18], [sflag:$0x3], $0x1, s14, s17, $0xb8;
	[tilespmem:$0x980] =	vst v63  }
0xa0: {  	_ =	swait.ge [sflag:s13], $0x80  }
0xa1: {  	[sflag:s13] =	ssyncset.done $0x0  }
0xa2: {  	[sflag:s13] =	ssyncadd.s32 $0xFFFFFF80  }
0xa3: {  	[spmem:s2] =	stream.indirect.scatter.add.f32 [tilespmem:s18], [sflag:$0x3], $0x1, s19, s17, $0xb8;
	[tilespmem:$0x980] =	vst v63  }
0xa4: {  	_ =	swait.ge [sflag:s13], $0x80  }
0xa5: {  	[sflag:s13] =	ssyncset.done $0x0  }
0xa6: {  	[sflag:s13] =	ssyncadd.s32 $0xFFFFFF80  }
0xa7: {  	[spmem:s2] =	stream.indirect.scatter.add.f32 [tilespmem:s18], [sflag:$0x3], $0x1, s20, s17, $0xb8;
	[tilespmem:$0x980] =	vst v63  }
0xa8: {  	_ =	swait.ge [sflag:s13], $0x80  }
0xa9: {  	[sflag:s13] =	ssyncset.done $0x0  }
0xaa: {  	[sflag:s13] =	ssyncadd.s32 $0xFFFFFF80  }
0xab: {  	[spmem:s2] =	stream.indirect.scatter.add.f32 [tilespmem:s18], [sflag:$0x3], $0x1, s21, s17, $0xb8;
	[tilespmem:$0x980] =	vst v63  }
0xac: {  	_ =	swait.ge [sflag:s13], $0x80  }
0xad: {  	[sflag:s13] =	ssyncset.done $0x0  }
0xae: {  	[sflag:s13] =	ssyncadd.s32 $0xFFFFFF80  }
0xaf: {  	_ =	swait.ge [sflag:s22], $0x200  }
0xb0: {  	[sflag:s22] =	ssyncset.done $0x0  }
0xb1: {  	[sflag:s22] =	ssyncadd.s32 $0xFFFFFE00  }
0xb2: {  	[spmem:s2] =	stream.indirect.scatter.add.f32 [tilespmem:s18], [sflag:$0x3], $0x1, s15, s17, $0xb8;
	[tilespmem:$0x980] =	vst v63  }
0xb3: {  	_ =	swait.ge [sflag:s13], $0x80  }
0xb4: {  	[sflag:s13] =	ssyncset.done $0x0  }
0xb5: {  	[sflag:s13] =	ssyncadd.s32 $0xFFFFFF80  }
0xb6: {  	[spmem:s2] =	stream.indirect.scatter.add.f32 [tilespmem:s18], [sflag:$0x3], $0x1, s23, s17, $0xb8;
	[tilespmem:$0x980] =	vst v63  }
0xb7: {  	_ =	swait.ge [sflag:s13], $0x80  }
0xb8: {  	[sflag:s13] =	ssyncset.done $0x0  }
0xb9: {  	[sflag:s13] =	ssyncadd.s32 $0xFFFFFF80  }
0xba: {  	[spmem:s2] =	stream.indirect.scatter.add.f32 [tilespmem:s18], [sflag:$0x3], $0x1, s24, s17, $0xb8;
	[tilespmem:$0x980] =	vst v63  }
0xbb: {  	_ =	swait.ge [sflag:s13], $0x80  }
0xbc: {  	[sflag:s13] =	ssyncset.done $0x0  }
0xbd: {  	[sflag:s13] =	ssyncadd.s32 $0xFFFFFF80  }
0xbe: {  	[spmem:s2] =	stream.indirect.scatter.add.f32 [tilespmem:s18], [sflag:$0x3], $0x1, s25, s17, $0xb8;
	[tilespmem:$0x980] =	vst v63  }
0xbf: {  	_ =	swait.ge [sflag:s13], $0x80  }
0xc0: {  	s28 =	sshll.u32 s1, $0x6;
	s26 =	sadd.s32 $0x1, s26;
	[sflag:s13] =	ssyncset.done $0x0  }
0xc1: {  	s29 =	sshrl.u32 s5, $0x3;
	p0 =	sne.s32 s26, s9;
	[sflag:s13] =	ssyncadd.s32 $0xFFFFFF80  }
.Ltmp1:
0xc2: {  	s28 =	sor.u32 $0x1C03, s28;
	[bflag:$0x0] =	sbarrier.arrive $0xFFFF;
	(pc) =	sbr.rel @p0 .LBB2_1-.Ltmp1, $4  }
0xc3: {  	[hbm:s8], [sflag:s28] =	dma.local [spmem:s29], $0x50  }
0xc4: {  	_ =	swait.ge [sflag:s13], $0x50  }
0xc5: {  	[sflag:s13] =	ssyncset.done $0x0  }
0xc6: {  	[sflag:s13] =	ssyncadd.s32 $0xFFFFFFB0  }
0xc7: {  	_ =	sfence.sel $0x180000  }
0xc8: {  	[bflag:$0x0] =	sbarrier.arrive $0xFFFF  }
0xc9: {  	p0 =	sne.s32 s1, $0x0;
	_ =	strace $0x90000047  }
0xca: {  	s0 =	sadd.s32 @!p0 $0x100000, s0;
	[bflag:$0x2] =	sbarrier.arrive $0xFFFF  }
0xcb: {  	[sflag:s0] =	ssyncadd.tile.s32 @!p0 $0x1;
	_ =	shalt  }
.Lfunc_end2:
_tile_overlayer_lowered:
.L_overlay_start_2:
0xcc: {  	(tag) =	ssettag $0x2  }
0xcd: {  	s0 =	rddreg [dreg:$0x0];
	s2 =	stileid.u32  }
0xce: {  	s1 =	rddreg [dreg:$0x1];
	p0 =	sne.s32 s2, $0x0  }
0xcf: {  	s3 =	rddreg [dreg:$0x2];
	[bflag:$0x3] =	sbarrier.arrive $0xFFFF;
	s2 =	simm.s32 @!p0 $0x1C03  }
0xd0: {  	[timem:s3], [sflag:s2] =	dma.local @!p0 [hbm:s0], s1  }
0xd1: {  	s0 =	simm.s32 @!p0 $0x3  }
0xd2: {  	_ =	swait.ge @!p0 [sflag:s0], s1  }
0xd3: {  	s1 =	ssub.s32 @!p0 $0x0, s1;
	[sflag:s0] =	ssyncset.done @!p0 $0x0  }
0xd4: {  	[sflag:s0] =	ssyncadd.s32 @!p0 s1  }
0xd5: {  	[bflag:$0x3] =	sbarrier.arrive $0xFFFF  }
0xd6: {  	_ =	shalt  }

</sc_bundles>
